<compile_context>
chip_gen: v7x
topology: tpu7x:2x2x1
jax: 0.10.2.dev20260603
libtpu: 0.0.44.dev20260713+nightly
codegen_flags: <defaults>
</compile_context>

<pallas_src>
import jax
import jax.numpy as jnp
from jax import lax
from jax.experimental import pallas as pl
from jax.experimental.pallas import tpu as pltpu
from jax.experimental.pallas import tpu_sc as plsc

_B = 128
_N = 32768
_K = 6
_EPS = 1e-05
_L = 16
_NC = 2
_NS = 16
_NW = _NC * _NS
_RPW = _B // _NW
_UNROLL = 16
_G = 4
_STEPS = _N // _L
_NGRP = _STEPS // _G


def _lane_gather(src, idx):
    dnums = lax.GatherDimensionNumbers(
        offset_dims=(),
        collapsed_slice_dims=(0,),
        start_index_map=(0,),
    )
    return lax.gather(
        src, idx[:, None], dnums, (1,),
        indices_are_sorted=False, unique_indices=False,
        mode=lax.GatherScatterMode.PROMISE_IN_BOUNDS)


def _sc_body(x_hbm, out_hbm, rb0, rb1, gids, o_buf, sem0, sem1):
    wid = lax.axis_index("s") * _NC + lax.axis_index("c")
    row0 = wid * _RPW

    iota = lax.broadcasted_iota(jnp.int32, (_L,), 0)
    lane5 = jnp.full((_L,), _K - 1, jnp.int32)
    pos_inf = jnp.full((_L,), jnp.inf, dtype=jnp.float32)

    bufs = (rb0, rb1)
    sems = (sem0, sem1)
    _Q = _N // 4
    qdmas = [pltpu.async_copy(x_hbm.at[row0, pl.ds(k * _Q, _Q)],
                              rb0.at[pl.ds(k * _Q, _Q)], sem0)
             for k in range(4)]

    for r in range(_RPW):
        rb = bufs[r % 2]
        if r == 0:
            qdmas[0].wait()
        else:
            dma.wait()
        if r + 1 < _RPW:
            dma = pltpu.async_copy(
                x_hbm.at[row0 + r + 1], bufs[(r + 1) % 2], sems[(r + 1) % 2])

        pk01 = jnp.minimum(rb[pl.ds(0, _L)], rb[pl.ds(_L, _L)])
        pk23 = jnp.minimum(rb[pl.ds(2 * _L, _L)], rb[pl.ds(3 * _L, _L)])
        tau0 = _lane_gather(jnp.sort(jnp.minimum(pk01, pk23)), lane5)

        def p1(i, carry):
            pm0, pm1, pm2, pm3, tau, tau_n, off = carry
            pmall = jnp.minimum(jnp.minimum(pm0, pm1),
                                jnp.minimum(pm2, pm3))
            tau_nn = _lane_gather(jnp.sort(pmall), lane5)
            pms = [pm0, pm1, pm2, pm3]
            base = i * (_L * _UNROLL)
            gid0 = i * (_UNROLL // _G)
            advs = []
            for g in range(_UNROLL // _G):
                vs = [rb[pl.ds(base + (g * _G + j) * _L, _L)]
                      for j in range(_G)]
                mn01 = jnp.minimum(vs[0], vs[1])
                mn23 = jnp.minimum(vs[2], vs[3])
                mn = jnp.minimum(mn01, mn23)
                pms[g % 4] = jnp.minimum(pms[g % 4], mn)
                pc = plsc.all_reduce_population_count(mn <= tau)
                advs.append(jnp.where(pc > 0, _L, 0))
            ng = _UNROLL // _G
            pref = [off]
            for g in range(ng):
                pref.append(pref[g] + advs[g])
            for g in range(ng):
                plsc.store_scatter(
                    gids, [pref[g] + iota],
                    jnp.full((_L,), gid0 + g, jnp.int32))
            return pms[0], pms[1], pms[2], pms[3], tau_n, tau_nn, pref[ng]

        carry = (pos_inf, pos_inf, pos_inf, pos_inf, tau0, tau0,
                 jnp.zeros((_L,), jnp.int32))
        if r == 0:
            nit = _STEPS // _UNROLL // 4
            for k in range(4):
                if k > 0:
                    qdmas[k].wait()
                carry = lax.fori_loop(k * nit, (k + 1) * nit, p1, carry)
        else:
            carry = lax.fori_loop(0, _STEPS // _UNROLL, p1, carry)
        pm0, pm1, pm2, pm3, tau, tau_n, off = carry
        ntrips = off[0] // _L

        def sel(t, carry):
            ts = list(carry)
            gid = gids[pl.ds(t * _L, _L)][0]
            base = gid * (_G * _L)
            for j in range(_G):
                c = rb[pl.ds(base + j * _L, _L)]
                for q in range(_K - 1):
                    n = jnp.minimum(ts[q], c)
                    c = jnp.maximum(ts[q], c)
                    ts[q] = n
                ts[_K - 1] = jnp.minimum(ts[_K - 1], c)
            return tuple(ts)

        tsel = lax.fori_loop(0, ntrips, sel, (pos_inf,) * _K)

        s = jnp.sort(tsel[0])
        for t in tsel[1:]:
            s = jnp.sort(jnp.minimum(s, jnp.flip(jnp.sort(t))))

        o_buf[r] = s

    pltpu.sync_copy(o_buf, out_hbm.at[pl.ds(row0, _RPW)])


_sc_call = pl.kernel(
    _sc_body,
    out_type=jax.ShapeDtypeStruct((_B, _L), jnp.float32),
    mesh=plsc.VectorSubcoreMesh(core_axis_name="c", subcore_axis_name="s"),
    scratch_types=[
        pltpu.VMEM((_N,), jnp.float32),
        pltpu.VMEM((_N,), jnp.float32),
        pltpu.VMEM((_NGRP * _L,), jnp.int32),
        pltpu.VMEM((_RPW, _L), jnp.float32),
        pltpu.SemaphoreType.DMA,
        pltpu.SemaphoreType.DMA,
    ],
    compiler_params=pltpu.CompilerParams(needs_layout_passes=False),
)

_COLS = 4096


def _tc_rowsum_body(x_ref, o_ref):
    i = pl.program_id(0)
    part = jnp.sum(jnp.exp(x_ref[...]), axis=1, keepdims=True)

    @pl.when(i == 0)
    def _init():
        o_ref[...] = part

    @pl.when(i > 0)
    def _acc():
        o_ref[...] += part


_tc_rowsum = pl.pallas_call(
    _tc_rowsum_body,
    grid=(_N // _COLS,),
    in_specs=[pl.BlockSpec((_B, _COLS), lambda i: (0, i))],
    out_specs=pl.BlockSpec((_B, 1), lambda i: (0, 0)),
    out_shape=jax.ShapeDtypeStruct((_B, 1), jnp.float32),
)


def _tc_comb_body(v_ref, s_ref, o_ref):
    sm = jnp.exp(v_ref[...]) / s_ref[...]
    t = _EPS - sm
    contrib = t * t * 0.5 - t
    keep = lax.broadcasted_iota(jnp.int32, (_B, _L), 1) < _K
    o_ref[0, 0] = jnp.sum(jnp.where(keep, contrib, 0.0)) * (1.0 / (_K * _B))


_tc_comb = pl.pallas_call(
    _tc_comb_body,
    out_shape=jax.ShapeDtypeStruct((1, 1), jnp.float32),
    out_specs=pl.BlockSpec(memory_space=pltpu.SMEM),
)


def kernel(x):
    v6 = _sc_call(x)
    s = _tc_rowsum(x)
    return _tc_comb(v6, s)[0, 0]

# --- scband reference (transcript-rebuilt; emitter-appended) ---
"""Pipeline reference for scband-nbce-51943334478089 (READ-ONLY COPY).

The authoritative reference and input builder live on the scoring server;
editing this copy changes nothing except your own understanding.
"""

import jax, jax.numpy as jnp
import numpy as np

B = 128
N = 32768
K = 6
EPS = 1e-05


def setup_inputs(seed: int = 0) -> dict:
    key = jax.random.key(seed)
    x = jax.random.normal(key, (B, N), dtype=jnp.float32)
    return {"x": x}


def reference(x):
    k = K
    # top-k smallest (largest=False) over detached scores
    xd = jax.lax.stop_gradient(x)
    _, indices = jax.lax.top_k(-xd, k)  # [B, k] indices of k smallest along last dim
    # scatter ones into zeros_like(x) along dim=-1
    rows = jnp.arange(x.shape[0])[:, None]
    targets = jnp.zeros_like(xd).at[rows, indices].set(1.0)
    sm = jax.nn.softmax(x, axis=-1)
    out = (-jnp.log(EPS + 1.0 - sm) * targets).sum(axis=-1) / k
    # reduction == 'mean'
    return out.mean()

if __name__ == "__main__":
    import jax
    _d = setup_inputs()
    print(jax.jit(kernel)(*tuple(_d.values())))

</pallas_src>

<mosaic_0001>
#map = affine_map<(d0, d1) -> (0, 0)>
module attributes {stable_mosaic.version = 14 : i64} {
  func.func @_sc_body(%arg0: i32, %arg1: i32, %arg2: memref<128x32768xf32, #tpu.memory_space<hbm>>, %arg3: memref<128x16xf32, #tpu.memory_space<hbm>>, %arg4: memref<32768xf32, #tpu.memory_space<vmem>>, %arg5: memref<32768xf32, #tpu.memory_space<vmem>>, %arg6: memref<8192xi32, #tpu.memory_space<vmem>>, %arg7: memref<4x16xf32, #tpu.memory_space<vmem>>, %arg8: memref<!tpu.dma_semaphore, #tpu.memory_space<semaphore_mem>>, %arg9: memref<!tpu.dma_semaphore, #tpu.memory_space<semaphore_mem>>) attributes {dimension_semantics = [#tpu.dimension_semantics<core_parallel>, #tpu.dimension_semantics<subcore_parallel>], iteration_bounds = array<i64: 2, 16>, scalar_prefetch = 0 : i64, scratch_operands = 6 : i64, tpu.core_type = #tpu.core_type<sc_vector_subcore>, window_params = [{transform_indices = #map}, {transform_indices = #map}]} {
    %mul3A = arith.constant 2 : i32
    %mul3A_0 = arith.muli %arg1, %mul3A : i32
    %add3A = arith.addi %mul3A_0, %arg0 : i32
    %mul3A_1 = arith.constant 4 : i32
    %mul3A_2 = arith.muli %add3A, %mul3A_1 : i32
    %iota3A = tpu.iota {dimensions = array<i32: 0>} : vector<16xi32>
    %broadcast_in_dim3A = arith.constant 5 : i32
    %broadcast_in_dim3A_3 = vector.broadcast %broadcast_in_dim3A : i32 to vector<16xi32>
    %broadcast_in_dim3A_4 = arith.constant 0x7F800000 : f32
    %broadcast_in_dim3A_5 = vector.broadcast %broadcast_in_dim3A_4 : f32 to vector<16xf32>
    %dma_start3A = arith.constant 0 : i32
    %dma_start3A_6 = tpu.memref_slice %arg4[%dma_start3A] : memref<32768xf32, #tpu.memory_space<vmem>> -> memref<8192xf32, #tpu.memory_space<vmem>>
    %dma_start3A_7 = arith.constant 0 : i32
    %dma_start3A_8 = tpu.memref_slice %arg2[%mul3A_2, %dma_start3A_7] : memref<128x32768xf32, #tpu.memory_space<hbm>> -> memref<1x8192xf32, #tpu.memory_space<hbm>>
    %dma_start3A_9 = tpu.memref_squeeze %dma_start3A_8 : memref<1x8192xf32, #tpu.memory_space<hbm>> -> memref<8192xf32, #tpu.memory_space<hbm>>
    %dma_start3A_10 = arith.constant 0 : i32
    %dma_start3A_11 = tpu.memref_slice %arg4[%dma_start3A_10] : memref<32768xf32, #tpu.memory_space<vmem>> -> memref<8192xf32, #tpu.memory_space<vmem>>
    %dma_start3A_12 = arith.constant 0 : i32
    %dma_start3A_13 = tpu.memref_slice %arg2[%mul3A_2, %dma_start3A_12] : memref<128x32768xf32, #tpu.memory_space<hbm>> -> memref<1x8192xf32, #tpu.memory_space<hbm>>
    %dma_start3A_14 = tpu.memref_squeeze %dma_start3A_13 : memref<1x8192xf32, #tpu.memory_space<hbm>> -> memref<8192xf32, #tpu.memory_space<hbm>>
    tpu.enqueue_dma source(%dma_start3A_14 : memref<8192xf32, #tpu.memory_space<hbm>>) target(%dma_start3A_11 : memref<8192xf32, #tpu.memory_space<vmem>>) target_semaphore(%arg8 : memref<!tpu.dma_semaphore, #tpu.memory_space<semaphore_mem>>)
    %dma_start3A_15 = arith.constant 8192 : i32
    %dma_start3A_16 = tpu.memref_slice %arg4[%dma_start3A_15] : memref<32768xf32, #tpu.memory_space<vmem>> -> memref<8192xf32, #tpu.memory_space<vmem>>
    %dma_start3A_17 = arith.constant 8192 : i32
    %dma_start3A_18 = tpu.memref_slice %arg2[%mul3A_2, %dma_start3A_17] : memref<128x32768xf32, #tpu.memory_space<hbm>> -> memref<1x8192xf32, #tpu.memory_space<hbm>>
    %dma_start3A_19 = tpu.memref_squeeze %dma_start3A_18 : memref<1x8192xf32, #tpu.memory_space<hbm>> -> memref<8192xf32, #tpu.memory_space<hbm>>
    %dma_start3A_20 = arith.constant 8192 : i32
    %dma_start3A_21 = tpu.memref_slice %arg4[%dma_start3A_20] : memref<32768xf32, #tpu.memory_space<vmem>> -> memref<8192xf32, #tpu.memory_space<vmem>>
    %dma_start3A_22 = arith.constant 8192 : i32
    %dma_start3A_23 = tpu.memref_slice %arg2[%mul3A_2, %dma_start3A_22] : memref<128x32768xf32, #tpu.memory_space<hbm>> -> memref<1x8192xf32, #tpu.memory_space<hbm>>
    %dma_start3A_24 = tpu.memref_squeeze %dma_start3A_23 : memref<1x8192xf32, #tpu.memory_space<hbm>> -> memref<8192xf32, #tpu.memory_space<hbm>>
    tpu.enqueue_dma source(%dma_start3A_24 : memref<8192xf32, #tpu.memory_space<hbm>>) target(%dma_start3A_21 : memref<8192xf32, #tpu.memory_space<vmem>>) target_semaphore(%arg8 : memref<!tpu.dma_semaphore, #tpu.memory_space<semaphore_mem>>)
    %dma_start3A_25 = arith.constant 16384 : i32
    %dma_start3A_26 = tpu.memref_slice %arg4[%dma_start3A_25] : memref<32768xf32, #tpu.memory_space<vmem>> -> memref<8192xf32, #tpu.memory_space<vmem>>
    %dma_start3A_27 = arith.constant 16384 : i32
    %dma_start3A_28 = tpu.memref_slice %arg2[%mul3A_2, %dma_start3A_27] : memref<128x32768xf32, #tpu.memory_space<hbm>> -> memref<1x8192xf32, #tpu.memory_space<hbm>>
    %dma_start3A_29 = tpu.memref_squeeze %dma_start3A_28 : memref<1x8192xf32, #tpu.memory_space<hbm>> -> memref<8192xf32, #tpu.memory_space<hbm>>
    %dma_start3A_30 = arith.constant 16384 : i32
    %dma_start3A_31 = tpu.memref_slice %arg4[%dma_start3A_30] : memref<32768xf32, #tpu.memory_space<vmem>> -> memref<8192xf32, #tpu.memory_space<vmem>>
    %dma_start3A_32 = arith.constant 16384 : i32
    %dma_start3A_33 = tpu.memref_slice %arg2[%mul3A_2, %dma_start3A_32] : memref<128x32768xf32, #tpu.memory_space<hbm>> -> memref<1x8192xf32, #tpu.memory_space<hbm>>
    %dma_start3A_34 = tpu.memref_squeeze %dma_start3A_33 : memref<1x8192xf32, #tpu.memory_space<hbm>> -> memref<8192xf32, #tpu.memory_space<hbm>>
    tpu.enqueue_dma source(%dma_start3A_34 : memref<8192xf32, #tpu.memory_space<hbm>>) target(%dma_start3A_31 : memref<8192xf32, #tpu.memory_space<vmem>>) target_semaphore(%arg8 : memref<!tpu.dma_semaphore, #tpu.memory_space<semaphore_mem>>)
    %dma_start3A_35 = arith.constant 24576 : i32
    %dma_start3A_36 = tpu.memref_slice %arg4[%dma_start3A_35] : memref<32768xf32, #tpu.memory_space<vmem>> -> memref<8192xf32, #tpu.memory_space<vmem>>
    %dma_start3A_37 = arith.constant 24576 : i32
    %dma_start3A_38 = tpu.memref_slice %arg2[%mul3A_2, %dma_start3A_37] : memref<128x32768xf32, #tpu.memory_space<hbm>> -> memref<1x8192xf32, #tpu.memory_space<hbm>>
    %dma_start3A_39 = tpu.memref_squeeze %dma_start3A_38 : memref<1x8192xf32, #tpu.memory_space<hbm>> -> memref<8192xf32, #tpu.memory_space<hbm>>
    %dma_start3A_40 = arith.constant 24576 : i32
    %dma_start3A_41 = tpu.memref_slice %arg4[%dma_start3A_40] : memref<32768xf32, #tpu.memory_space<vmem>> -> memref<8192xf32, #tpu.memory_space<vmem>>
    %dma_start3A_42 = arith.constant 24576 : i32
    %dma_start3A_43 = tpu.memref_slice %arg2[%mul3A_2, %dma_start3A_42] : memref<128x32768xf32, #tpu.memory_space<hbm>> -> memref<1x8192xf32, #tpu.memory_space<hbm>>
    %dma_start3A_44 = tpu.memref_squeeze %dma_start3A_43 : memref<1x8192xf32, #tpu.memory_space<hbm>> -> memref<8192xf32, #tpu.memory_space<hbm>>
    tpu.enqueue_dma source(%dma_start3A_44 : memref<8192xf32, #tpu.memory_space<hbm>>) target(%dma_start3A_41 : memref<8192xf32, #tpu.memory_space<vmem>>) target_semaphore(%arg8 : memref<!tpu.dma_semaphore, #tpu.memory_space<semaphore_mem>>)
    %dma_wait3A = arith.constant 0 : i32
    %dma_wait3A_45 = tpu.memref_slice %arg4[%dma_wait3A] : memref<32768xf32, #tpu.memory_space<vmem>> -> memref<8192xf32, #tpu.memory_space<vmem>>
    %dma_wait3A_46 = arith.constant 0 : i32
    %dma_wait3A_47 = tpu.memref_slice %arg2[%mul3A_2, %dma_wait3A_46] : memref<128x32768xf32, #tpu.memory_space<hbm>> -> memref<1x8192xf32, #tpu.memory_space<hbm>>
    %dma_wait3A_48 = tpu.memref_squeeze %dma_wait3A_47 : memref<1x8192xf32, #tpu.memory_space<hbm>> -> memref<8192xf32, #tpu.memory_space<hbm>>
    %dma_wait3A_49 = arith.constant 0 : i32
    %dma_wait3A_50 = tpu.memref_slice %arg4[%dma_wait3A_49] : memref<32768xf32, #tpu.memory_space<vmem>> -> memref<8192xf32, #tpu.memory_space<vmem>>
    %dma_wait3A_51 = arith.constant 0 : i32
    %dma_wait3A_52 = tpu.memref_slice %arg2[%mul3A_2, %dma_wait3A_51] : memref<128x32768xf32, #tpu.memory_space<hbm>> -> memref<1x8192xf32, #tpu.memory_space<hbm>>
    %dma_wait3A_53 = tpu.memref_squeeze %dma_wait3A_52 : memref<1x8192xf32, #tpu.memory_space<hbm>> -> memref<8192xf32, #tpu.memory_space<hbm>>
    tpu.wait_dma2 semaphore(%arg8 : memref<!tpu.dma_semaphore, #tpu.memory_space<semaphore_mem>>) src(%dma_wait3A_53 : memref<8192xf32, #tpu.memory_space<hbm>>) dst(%dma_wait3A_50 : memref<8192xf32, #tpu.memory_space<vmem>>)
    %add3A_54 = arith.constant 0 : i32
    %add3A_55 = arith.addi %mul3A_2, %add3A_54 : i32
    %add3A_56 = arith.constant 1 : i32
    %add3A_57 = arith.addi %add3A_55, %add3A_56 : i32
    %dma_start3A_58 = arith.constant 0 : i32
    %dma_start3A_59 = tpu.memref_slice %arg2[%add3A_57, %dma_start3A_58] : memref<128x32768xf32, #tpu.memory_space<hbm>> -> memref<1x32768xf32, #tpu.memory_space<hbm>>
    %dma_start3A_60 = tpu.memref_squeeze %dma_start3A_59 : memref<1x32768xf32, #tpu.memory_space<hbm>> -> memref<32768xf32, #tpu.memory_space<hbm>>
    %dma_start3A_61 = arith.constant 0 : i32
    %dma_start3A_62 = tpu.memref_slice %arg2[%add3A_57, %dma_start3A_61] : memref<128x32768xf32, #tpu.memory_space<hbm>> -> memref<1x32768xf32, #tpu.memory_space<hbm>>
    %dma_start3A_63 = tpu.memref_squeeze %dma_start3A_62 : memref<1x32768xf32, #tpu.memory_space<hbm>> -> memref<32768xf32, #tpu.memory_space<hbm>>
    tpu.enqueue_dma source(%dma_start3A_63 : memref<32768xf32, #tpu.memory_space<hbm>>) target(%arg5 : memref<32768xf32, #tpu.memory_space<vmem>>) target_semaphore(%arg9 : memref<!tpu.dma_semaphore, #tpu.memory_space<semaphore_mem>>)
    %get3A = arith.constant 0 : index
    %get3A_64 = tpu.vector_load %arg4[%get3A] {strides = array<i32>} : memref<32768xf32, #tpu.memory_space<vmem>>, vector<16xf32>,
    %get3A_65 = arith.constant 16 : index
    %get3A_66 = tpu.vector_load %arg4[%get3A_65] {strides = array<i32>} : memref<32768xf32, #tpu.memory_space<vmem>>, vector<16xf32>,
    %min3A = arith.minimumf %get3A_64, %get3A_66 : vector<16xf32>
    %get3A_67 = arith.constant 32 : index
    %get3A_68 = tpu.vector_load %arg4[%get3A_67] {strides = array<i32>} : memref<32768xf32, #tpu.memory_space<vmem>>, vector<16xf32>,
    %get3A_69 = arith.constant 48 : index
    %get3A_70 = tpu.vector_load %arg4[%get3A_69] {strides = array<i32>} : memref<32768xf32, #tpu.memory_space<vmem>>, vector<16xf32>,
    %min3A_71 = arith.minimumf %get3A_68, %get3A_70 : vector<16xf32>
    %min3A_72 = arith.minimumf %min3A, %min3A_71 : vector<16xf32>
    %sort3A = arith.constant dense<true> : vector<16xi1>
    %sort3A_73, %sort3A_74, %sort3A_75 = tpu.sort %min3A_72, %min3A_72 masked %sort3A : (vector<16xf32>, vector<16xf32>, vector<16xi1>) -> (vector<16xi1>, vector<16xf32>, vector<16xf32>)
    %broadcast_in_dim3A_76 = vector.shape_cast %broadcast_in_dim3A_3 : vector<16xi32> to vector<16x1xi32>
    %gather3A = vector.shape_cast %broadcast_in_dim3A_76 : vector<16x1xi32> to vector<16xi32>
    %gather3A_77 = tpu.dynamic_gather %sort3A_74[%gather3A] in [0] : vector<16xf32>, vector<16xi32> -> vector<16xf32>
    %broadcast_in_dim3A_78 = arith.constant 0 : i32
    %broadcast_in_dim3A_79 = vector.broadcast %broadcast_in_dim3A_78 : i32 to vector<16xi32>
    %scan3A = arith.constant 0 : i32
    %scan3A_80 = arith.constant 32 : i32
    %scan3A_81 = arith.addi %scan3A, %scan3A_80 : i32
    %scan3A_82 = arith.constant 1 : i32
    %scan3A_83:7 = scf.for %scan3A_696 = %scan3A to %scan3A_81 step %scan3A_82 iter_args(%scan3A_697 = %broadcast_in_dim3A_5, %scan3A_698 = %broadcast_in_dim3A_5, %scan3A_699 = %broadcast_in_dim3A_5, %scan3A_700 = %broadcast_in_dim3A_5, %scan3A_701 = %gather3A_77, %scan3A_702 = %gather3A_77, %scan3A_703 = %broadcast_in_dim3A_79) -> (vector<16xf32>, vector<16xf32>, vector<16xf32>, vector<16xf32>, vector<16xf32>, vector<16xf32>, vector<16xi32>)  : i32 {
      %min3A_704 = arith.minimumf %scan3A_697, %scan3A_698 : vector<16xf32>
      %min3A_705 = arith.minimumf %scan3A_699, %scan3A_700 : vector<16xf32>
      %min3A_706 = arith.minimumf %min3A_704, %min3A_705 : vector<16xf32>
      %sort3A_707 = arith.constant dense<true> : vector<16xi1>
      %sort3A_708, %sort3A_709, %sort3A_710 = tpu.sort %min3A_706, %min3A_706 masked %sort3A_707 : (vector<16xf32>, vector<16xf32>, vector<16xi1>) -> (vector<16xi1>, vector<16xf32>, vector<16xf32>)
      %broadcast_in_dim3A_711 = vector.shape_cast %broadcast_in_dim3A_3 : vector<16xi32> to vector<16x1xi32>
      %gather3A_712 = vector.shape_cast %broadcast_in_dim3A_711 : vector<16x1xi32> to vector<16xi32>
      %gather3A_713 = tpu.dynamic_gather %sort3A_709[%gather3A_712] in [0] : vector<16xf32>, vector<16xi32> -> vector<16xf32>
      %mul3A_714 = arith.constant 256 : i32
      %mul3A_715 = arith.muli %scan3A_696, %mul3A_714 : i32
      %mul3A_716 = arith.constant 4 : i32
      %mul3A_717 = arith.muli %scan3A_696, %mul3A_716 : i32
      %add3A_718 = arith.constant 0 : i32
      %add3A_719 = arith.addi %mul3A_715, %add3A_718 : i32
      %get3A_720 = arith.index_cast %add3A_719 : i32 to index
      %get3A_721 = tpu.vector_load %arg4[%get3A_720] {strides = array<i32>} : memref<32768xf32, #tpu.memory_space<vmem>>, vector<16xf32>,
      %add3A_722 = arith.constant 16 : i32
      %add3A_723 = arith.addi %mul3A_715, %add3A_722 : i32
      %get3A_724 = arith.index_cast %add3A_723 : i32 to index
      %get3A_725 = tpu.vector_load %arg4[%get3A_724] {strides = array<i32>} : memref<32768xf32, #tpu.memory_space<vmem>>, vector<16xf32>,
      %add3A_726 = arith.constant 32 : i32
      %add3A_727 = arith.addi %mul3A_715, %add3A_726 : i32
      %get3A_728 = arith.index_cast %add3A_727 : i32 to index
      %get3A_729 = tpu.vector_load %arg4[%get3A_728] {strides = array<i32>} : memref<32768xf32, #tpu.memory_space<vmem>>, vector<16xf32>,
      %add3A_730 = arith.constant 48 : i32
      %add3A_731 = arith.addi %mul3A_715, %add3A_730 : i32
      %get3A_732 = arith.index_cast %add3A_731 : i32 to index
      %get3A_733 = tpu.vector_load %arg4[%get3A_732] {strides = array<i32>} : memref<32768xf32, #tpu.memory_space<vmem>>, vector<16xf32>,
      %min3A_734 = arith.minimumf %get3A_721, %get3A_725 : vector<16xf32>
      %min3A_735 = arith.minimumf %get3A_729, %get3A_733 : vector<16xf32>
      %min3A_736 = arith.minimumf %min3A_734, %min3A_735 : vector<16xf32>
      %min3A_737 = arith.minimumf %scan3A_697, %min3A_736 : vector<16xf32>
      %le3A = arith.cmpf ole, %min3A_736, %scan3A_701 : vector<16xf32>
      %all_reduce_population_count3A = tpu.all_reduce %le3A {dim = 0 : i64, kind = #tpu.reduction_kind<sum>} : vector<16xi1> -> vector<16xi32>
      %gt3A = arith.constant 0 : i32
      %gt3A_738 = vector.broadcast %gt3A : i32 to vector<16xi32>
      %gt3A_739 = arith.cmpi sgt, %all_reduce_population_count3A, %gt3A_738 : vector<16xi32>
      %jit3A_740 = arith.constant 16 : i32
      %jit3A_741 = arith.constant 0 : i32
      %broadcast_in_dim3A_742 = vector.broadcast %jit3A_740 : i32 to vector<16xi32>
      %broadcast_in_dim3A_743 = vector.broadcast %jit3A_741 : i32 to vector<16xi32>
      %select_n3A_744 = arith.select %gt3A_739, %broadcast_in_dim3A_742, %broadcast_in_dim3A_743 : vector<16xi1>, vector<16xi32>
      %add3A_745 = arith.constant 64 : i32
      %add3A_746 = arith.addi %mul3A_715, %add3A_745 : i32
      %get3A_747 = arith.index_cast %add3A_746 : i32 to index
      %get3A_748 = tpu.vector_load %arg4[%get3A_747] {strides = array<i32>} : memref<32768xf32, #tpu.memory_space<vmem>>, vector<16xf32>,
      %add3A_749 = arith.constant 80 : i32
      %add3A_750 = arith.addi %mul3A_715, %add3A_749 : i32
      %get3A_751 = arith.index_cast %add3A_750 : i32 to index
      %get3A_752 = tpu.vector_load %arg4[%get3A_751] {strides = array<i32>} : memref<32768xf32, #tpu.memory_space<vmem>>, vector<16xf32>,
      %add3A_753 = arith.constant 96 : i32
      %add3A_754 = arith.addi %mul3A_715, %add3A_753 : i32
      %get3A_755 = arith.index_cast %add3A_754 : i32 to index
      %get3A_756 = tpu.vector_load %arg4[%get3A_755] {strides = array<i32>} : memref<32768xf32, #tpu.memory_space<vmem>>, vector<16xf32>,
      %add3A_757 = arith.constant 112 : i32
      %add3A_758 = arith.addi %mul3A_715, %add3A_757 : i32
      %get3A_759 = arith.index_cast %add3A_758 : i32 to index
      %get3A_760 = tpu.vector_load %arg4[%get3A_759] {strides = array<i32>} : memref<32768xf32, #tpu.memory_space<vmem>>, vector<16xf32>,
      %min3A_761 = arith.minimumf %get3A_748, %get3A_752 : vector<16xf32>
      %min3A_762 = arith.minimumf %get3A_756, %get3A_760 : vector<16xf32>
      %min3A_763 = arith.minimumf %min3A_761, %min3A_762 : vector<16xf32>
      %min3A_764 = arith.minimumf %scan3A_698, %min3A_763 : vector<16xf32>
      %le3A_765 = arith.cmpf ole, %min3A_763, %scan3A_701 : vector<16xf32>
      %all_reduce_population_count3A_766 = tpu.all_reduce %le3A_765 {dim = 0 : i64, kind = #tpu.reduction_kind<sum>} : vector<16xi1> -> vector<16xi32>
      %gt3A_767 = arith.constant 0 : i32
      %gt3A_768 = vector.broadcast %gt3A_767 : i32 to vector<16xi32>
      %gt3A_769 = arith.cmpi sgt, %all_reduce_population_count3A_766, %gt3A_768 : vector<16xi32>
      %jit3A_770 = arith.constant 16 : i32
      %jit3A_771 = arith.constant 0 : i32
      %broadcast_in_dim3A_772 = vector.broadcast %jit3A_770 : i32 to vector<16xi32>
      %broadcast_in_dim3A_773 = vector.broadcast %jit3A_771 : i32 to vector<16xi32>
      %select_n3A_774 = arith.select %gt3A_769, %broadcast_in_dim3A_772, %broadcast_in_dim3A_773 : vector<16xi1>, vector<16xi32>
      %add3A_775 = arith.constant 128 : i32
      %add3A_776 = arith.addi %mul3A_715, %add3A_775 : i32
      %get3A_777 = arith.index_cast %add3A_776 : i32 to index
      %get3A_778 = tpu.vector_load %arg4[%get3A_777] {strides = array<i32>} : memref<32768xf32, #tpu.memory_space<vmem>>, vector<16xf32>,
      %add3A_779 = arith.constant 144 : i32
      %add3A_780 = arith.addi %mul3A_715, %add3A_779 : i32
      %get3A_781 = arith.index_cast %add3A_780 : i32 to index
      %get3A_782 = tpu.vector_load %arg4[%get3A_781] {strides = array<i32>} : memref<32768xf32, #tpu.memory_space<vmem>>, vector<16xf32>,
      %add3A_783 = arith.constant 160 : i32
      %add3A_784 = arith.addi %mul3A_715, %add3A_783 : i32
      %get3A_785 = arith.index_cast %add3A_784 : i32 to index
      %get3A_786 = tpu.vector_load %arg4[%get3A_785] {strides = array<i32>} : memref<32768xf32, #tpu.memory_space<vmem>>, vector<16xf32>,
      %add3A_787 = arith.constant 176 : i32
      %add3A_788 = arith.addi %mul3A_715, %add3A_787 : i32
      %get3A_789 = arith.index_cast %add3A_788 : i32 to index
      %get3A_790 = tpu.vector_load %arg4[%get3A_789] {strides = array<i32>} : memref<32768xf32, #tpu.memory_space<vmem>>, vector<16xf32>,
      %min3A_791 = arith.minimumf %get3A_778, %get3A_782 : vector<16xf32>
      %min3A_792 = arith.minimumf %get3A_786, %get3A_790 : vector<16xf32>
      %min3A_793 = arith.minimumf %min3A_791, %min3A_792 : vector<16xf32>
      %min3A_794 = arith.minimumf %scan3A_699, %min3A_793 : vector<16xf32>
      %le3A_795 = arith.cmpf ole, %min3A_793, %scan3A_701 : vector<16xf32>
      %all_reduce_population_count3A_796 = tpu.all_reduce %le3A_795 {dim = 0 : i64, kind = #tpu.reduction_kind<sum>} : vector<16xi1> -> vector<16xi32>
      %gt3A_797 = arith.constant 0 : i32
      %gt3A_798 = vector.broadcast %gt3A_797 : i32 to vector<16xi32>
      %gt3A_799 = arith.cmpi sgt, %all_reduce_population_count3A_796, %gt3A_798 : vector<16xi32>
      %jit3A_800 = arith.constant 16 : i32
      %jit3A_801 = arith.constant 0 : i32
      %broadcast_in_dim3A_802 = vector.broadcast %jit3A_800 : i32 to vector<16xi32>
      %broadcast_in_dim3A_803 = vector.broadcast %jit3A_801 : i32 to vector<16xi32>
      %select_n3A_804 = arith.select %gt3A_799, %broadcast_in_dim3A_802, %broadcast_in_dim3A_803 : vector<16xi1>, vector<16xi32>
      %add3A_805 = arith.constant 192 : i32
      %add3A_806 = arith.addi %mul3A_715, %add3A_805 : i32
      %get3A_807 = arith.index_cast %add3A_806 : i32 to index
      %get3A_808 = tpu.vector_load %arg4[%get3A_807] {strides = array<i32>} : memref<32768xf32, #tpu.memory_space<vmem>>, vector<16xf32>,
      %add3A_809 = arith.constant 208 : i32
      %add3A_810 = arith.addi %mul3A_715, %add3A_809 : i32
      %get3A_811 = arith.index_cast %add3A_810 : i32 to index
      %get3A_812 = tpu.vector_load %arg4[%get3A_811] {strides = array<i32>} : memref<32768xf32, #tpu.memory_space<vmem>>, vector<16xf32>,
      %add3A_813 = arith.constant 224 : i32
      %add3A_814 = arith.addi %mul3A_715, %add3A_813 : i32
      %get3A_815 = arith.index_cast %add3A_814 : i32 to index
      %get3A_816 = tpu.vector_load %arg4[%get3A_815] {strides = array<i32>} : memref<32768xf32, #tpu.memory_space<vmem>>, vector<16xf32>,
      %add3A_817 = arith.constant 240 : i32
      %add3A_818 = arith.addi %mul3A_715, %add3A_817 : i32
      %get3A_819 = arith.index_cast %add3A_818 : i32 to index
      %get3A_820 = tpu.vector_load %arg4[%get3A_819] {strides = array<i32>} : memref<32768xf32, #tpu.memory_space<vmem>>, vector<16xf32>,
      %min3A_821 = arith.minimumf %get3A_808, %get3A_812 : vector<16xf32>
      %min3A_822 = arith.minimumf %get3A_816, %get3A_820 : vector<16xf32>
      %min3A_823 = arith.minimumf %min3A_821, %min3A_822 : vector<16xf32>
      %min3A_824 = arith.minimumf %scan3A_700, %min3A_823 : vector<16xf32>
      %le3A_825 = arith.cmpf ole, %min3A_823, %scan3A_701 : vector<16xf32>
      %all_reduce_population_count3A_826 = tpu.all_reduce %le3A_825 {dim = 0 : i64, kind = #tpu.reduction_kind<sum>} : vector<16xi1> -> vector<16xi32>
      %gt3A_827 = arith.constant 0 : i32
      %gt3A_828 = vector.broadcast %gt3A_827 : i32 to vector<16xi32>
      %gt3A_829 = arith.cmpi sgt, %all_reduce_population_count3A_826, %gt3A_828 : vector<16xi32>
      %jit3A_830 = arith.constant 16 : i32
      %jit3A_831 = arith.constant 0 : i32
      %broadcast_in_dim3A_832 = vector.broadcast %jit3A_830 : i32 to vector<16xi32>
      %broadcast_in_dim3A_833 = vector.broadcast %jit3A_831 : i32 to vector<16xi32>
      %select_n3A_834 = arith.select %gt3A_829, %broadcast_in_dim3A_832, %broadcast_in_dim3A_833 : vector<16xi1>, vector<16xi32>
      %add3A_835 = arith.addi %scan3A_703, %select_n3A_744 : vector<16xi32>
      %add3A_836 = arith.addi %add3A_835, %select_n3A_774 : vector<16xi32>
      %add3A_837 = arith.addi %add3A_836, %select_n3A_804 : vector<16xi32>
      %add3A_838 = arith.addi %add3A_837, %select_n3A_834 : vector<16xi32>
      %add3A_839 = arith.addi %scan3A_703, %iota3A : vector<16xi32>
      %add3A_840 = arith.constant 0 : i32
      %add3A_841 = arith.addi %mul3A_717, %add3A_840 : i32
      %broadcast_in_dim3A_842 = vector.broadcast %add3A_841 : i32 to vector<16xi32>
      tpu.vector_store_idx %arg6[%add3A_839], %broadcast_in_dim3A_842 : memref<8192xi32, #tpu.memory_space<vmem>>[vector<16xi32>], vector<16xi32>,
      %add3A_843 = arith.addi %add3A_835, %iota3A : vector<16xi32>
      %add3A_844 = arith.constant 1 : i32
      %add3A_845 = arith.addi %mul3A_717, %add3A_844 : i32
      %broadcast_in_dim3A_846 = vector.broadcast %add3A_845 : i32 to vector<16xi32>
      tpu.vector_store_idx %arg6[%add3A_843], %broadcast_in_dim3A_846 : memref<8192xi32, #tpu.memory_space<vmem>>[vector<16xi32>], vector<16xi32>,
      %add3A_847 = arith.addi %add3A_836, %iota3A : vector<16xi32>
      %add3A_848 = arith.constant 2 : i32
      %add3A_849 = arith.addi %mul3A_717, %add3A_848 : i32
      %broadcast_in_dim3A_850 = vector.broadcast %add3A_849 : i32 to vector<16xi32>
      tpu.vector_store_idx %arg6[%add3A_847], %broadcast_in_dim3A_850 : memref<8192xi32, #tpu.memory_space<vmem>>[vector<16xi32>], vector<16xi32>,
      %add3A_851 = arith.addi %add3A_837, %iota3A : vector<16xi32>
      %add3A_852 = arith.constant 3 : i32
      %add3A_853 = arith.addi %mul3A_717, %add3A_852 : i32
      %broadcast_in_dim3A_854 = vector.broadcast %add3A_853 : i32 to vector<16xi32>
      tpu.vector_store_idx %arg6[%add3A_851], %broadcast_in_dim3A_854 : memref<8192xi32, #tpu.memory_space<vmem>>[vector<16xi32>], vector<16xi32>,
      scf.yield %min3A_737, %min3A_764, %min3A_794, %min3A_824, %scan3A_702, %gather3A_713, %add3A_838 : vector<16xf32>, vector<16xf32>, vector<16xf32>, vector<16xf32>, vector<16xf32>, vector<16xf32>, vector<16xi32>
    }
    %scan3A_84 = arith.constant 32 : i32
    %dma_wait3A_85 = arith.constant 8192 : i32
    %dma_wait3A_86 = tpu.memref_slice %arg4[%dma_wait3A_85] : memref<32768xf32, #tpu.memory_space<vmem>> -> memref<8192xf32, #tpu.memory_space<vmem>>
    %dma_wait3A_87 = arith.constant 8192 : i32
    %dma_wait3A_88 = tpu.memref_slice %arg2[%mul3A_2, %dma_wait3A_87] : memref<128x32768xf32, #tpu.memory_space<hbm>> -> memref<1x8192xf32, #tpu.memory_space<hbm>>
    %dma_wait3A_89 = tpu.memref_squeeze %dma_wait3A_88 : memref<1x8192xf32, #tpu.memory_space<hbm>> -> memref<8192xf32, #tpu.memory_space<hbm>>
    %dma_wait3A_90 = arith.constant 8192 : i32
    %dma_wait3A_91 = tpu.memref_slice %arg4[%dma_wait3A_90] : memref<32768xf32, #tpu.memory_space<vmem>> -> memref<8192xf32, #tpu.memory_space<vmem>>
    %dma_wait3A_92 = arith.constant 8192 : i32
    %dma_wait3A_93 = tpu.memref_slice %arg2[%mul3A_2, %dma_wait3A_92] : memref<128x32768xf32, #tpu.memory_space<hbm>> -> memref<1x8192xf32, #tpu.memory_space<hbm>>
    %dma_wait3A_94 = tpu.memref_squeeze %dma_wait3A_93 : memref<1x8192xf32, #tpu.memory_space<hbm>> -> memref<8192xf32, #tpu.memory_space<hbm>>
    tpu.wait_dma2 semaphore(%arg8 : memref<!tpu.dma_semaphore, #tpu.memory_space<semaphore_mem>>) src(%dma_wait3A_94 : memref<8192xf32, #tpu.memory_space<hbm>>) dst(%dma_wait3A_91 : memref<8192xf32, #tpu.memory_space<vmem>>)
    %scan3A_95 = arith.constant 32 : i32
    %scan3A_96 = arith.constant 32 : i32
    %scan3A_97 = arith.addi %scan3A_95, %scan3A_96 : i32
    %scan3A_98 = arith.constant 1 : i32
    %scan3A_99:7 = scf.for %scan3A_696 = %scan3A_95 to %scan3A_97 step %scan3A_98 iter_args(%scan3A_697 = %scan3A_83#0, %scan3A_698 = %scan3A_83#1, %scan3A_699 = %scan3A_83#2, %scan3A_700 = %scan3A_83#3, %scan3A_701 = %scan3A_83#4, %scan3A_702 = %scan3A_83#5, %scan3A_703 = %scan3A_83#6) -> (vector<16xf32>, vector<16xf32>, vector<16xf32>, vector<16xf32>, vector<16xf32>, vector<16xf32>, vector<16xi32>)  : i32 {
      %min3A_704 = arith.minimumf %scan3A_697, %scan3A_698 : vector<16xf32>
      %min3A_705 = arith.minimumf %scan3A_699, %scan3A_700 : vector<16xf32>
      %min3A_706 = arith.minimumf %min3A_704, %min3A_705 : vector<16xf32>
      %sort3A_707 = arith.constant dense<true> : vector<16xi1>
      %sort3A_708, %sort3A_709, %sort3A_710 = tpu.sort %min3A_706, %min3A_706 masked %sort3A_707 : (vector<16xf32>, vector<16xf32>, vector<16xi1>) -> (vector<16xi1>, vector<16xf32>, vector<16xf32>)
      %broadcast_in_dim3A_711 = vector.shape_cast %broadcast_in_dim3A_3 : vector<16xi32> to vector<16x1xi32>
      %gather3A_712 = vector.shape_cast %broadcast_in_dim3A_711 : vector<16x1xi32> to vector<16xi32>
      %gather3A_713 = tpu.dynamic_gather %sort3A_709[%gather3A_712] in [0] : vector<16xf32>, vector<16xi32> -> vector<16xf32>
      %mul3A_714 = arith.constant 256 : i32
      %mul3A_715 = arith.muli %scan3A_696, %mul3A_714 : i32
      %mul3A_716 = arith.constant 4 : i32
      %mul3A_717 = arith.muli %scan3A_696, %mul3A_716 : i32
      %add3A_718 = arith.constant 0 : i32
      %add3A_719 = arith.addi %mul3A_715, %add3A_718 : i32
      %get3A_720 = arith.index_cast %add3A_719 : i32 to index
      %get3A_721 = tpu.vector_load %arg4[%get3A_720] {strides = array<i32>} : memref<32768xf32, #tpu.memory_space<vmem>>, vector<16xf32>,
      %add3A_722 = arith.constant 16 : i32
      %add3A_723 = arith.addi %mul3A_715, %add3A_722 : i32
      %get3A_724 = arith.index_cast %add3A_723 : i32 to index
      %get3A_725 = tpu.vector_load %arg4[%get3A_724] {strides = array<i32>} : memref<32768xf32, #tpu.memory_space<vmem>>, vector<16xf32>,
      %add3A_726 = arith.constant 32 : i32
      %add3A_727 = arith.addi %mul3A_715, %add3A_726 : i32
      %get3A_728 = arith.index_cast %add3A_727 : i32 to index
      %get3A_729 = tpu.vector_load %arg4[%get3A_728] {strides = array<i32>} : memref<32768xf32, #tpu.memory_space<vmem>>, vector<16xf32>,
      %add3A_730 = arith.constant 48 : i32
      %add3A_731 = arith.addi %mul3A_715, %add3A_730 : i32
      %get3A_732 = arith.index_cast %add3A_731 : i32 to index
      %get3A_733 = tpu.vector_load %arg4[%get3A_732] {strides = array<i32>} : memref<32768xf32, #tpu.memory_space<vmem>>, vector<16xf32>,
      %min3A_734 = arith.minimumf %get3A_721, %get3A_725 : vector<16xf32>
      %min3A_735 = arith.minimumf %get3A_729, %get3A_733 : vector<16xf32>
      %min3A_736 = arith.minimumf %min3A_734, %min3A_735 : vector<16xf32>
      %min3A_737 = arith.minimumf %scan3A_697, %min3A_736 : vector<16xf32>
      %le3A = arith.cmpf ole, %min3A_736, %scan3A_701 : vector<16xf32>
      %all_reduce_population_count3A = tpu.all_reduce %le3A {dim = 0 : i64, kind = #tpu.reduction_kind<sum>} : vector<16xi1> -> vector<16xi32>
      %gt3A = arith.constant 0 : i32
      %gt3A_738 = vector.broadcast %gt3A : i32 to vector<16xi32>
      %gt3A_739 = arith.cmpi sgt, %all_reduce_population_count3A, %gt3A_738 : vector<16xi32>
      %jit3A_740 = arith.constant 16 : i32
      %jit3A_741 = arith.constant 0 : i32
      %broadcast_in_dim3A_742 = vector.broadcast %jit3A_740 : i32 to vector<16xi32>
      %broadcast_in_dim3A_743 = vector.broadcast %jit3A_741 : i32 to vector<16xi32>
      %select_n3A_744 = arith.select %gt3A_739, %broadcast_in_dim3A_742, %broadcast_in_dim3A_743 : vector<16xi1>, vector<16xi32>
      %add3A_745 = arith.constant 64 : i32
      %add3A_746 = arith.addi %mul3A_715, %add3A_745 : i32
      %get3A_747 = arith.index_cast %add3A_746 : i32 to index
      %get3A_748 = tpu.vector_load %arg4[%get3A_747] {strides = array<i32>} : memref<32768xf32, #tpu.memory_space<vmem>>, vector<16xf32>,
      %add3A_749 = arith.constant 80 : i32
      %add3A_750 = arith.addi %mul3A_715, %add3A_749 : i32
      %get3A_751 = arith.index_cast %add3A_750 : i32 to index
      %get3A_752 = tpu.vector_load %arg4[%get3A_751] {strides = array<i32>} : memref<32768xf32, #tpu.memory_space<vmem>>, vector<16xf32>,
      %add3A_753 = arith.constant 96 : i32
      %add3A_754 = arith.addi %mul3A_715, %add3A_753 : i32
      %get3A_755 = arith.index_cast %add3A_754 : i32 to index
      %get3A_756 = tpu.vector_load %arg4[%get3A_755] {strides = array<i32>} : memref<32768xf32, #tpu.memory_space<vmem>>, vector<16xf32>,
      %add3A_757 = arith.constant 112 : i32
      %add3A_758 = arith.addi %mul3A_715, %add3A_757 : i32
      %get3A_759 = arith.index_cast %add3A_758 : i32 to index
      %get3A_760 = tpu.vector_load %arg4[%get3A_759] {strides = array<i32>} : memref<32768xf32, #tpu.memory_space<vmem>>, vector<16xf32>,
      %min3A_761 = arith.minimumf %get3A_748, %get3A_752 : vector<16xf32>
      %min3A_762 = arith.minimumf %get3A_756, %get3A_760 : vector<16xf32>
      %min3A_763 = arith.minimumf %min3A_761, %min3A_762 : vector<16xf32>
      %min3A_764 = arith.minimumf %scan3A_698, %min3A_763 : vector<16xf32>
      %le3A_765 = arith.cmpf ole, %min3A_763, %scan3A_701 : vector<16xf32>
      %all_reduce_population_count3A_766 = tpu.all_reduce %le3A_765 {dim = 0 : i64, kind = #tpu.reduction_kind<sum>} : vector<16xi1> -> vector<16xi32>
      %gt3A_767 = arith.constant 0 : i32
      %gt3A_768 = vector.broadcast %gt3A_767 : i32 to vector<16xi32>
      %gt3A_769 = arith.cmpi sgt, %all_reduce_population_count3A_766, %gt3A_768 : vector<16xi32>
      %jit3A_770 = arith.constant 16 : i32
      %jit3A_771 = arith.constant 0 : i32
      %broadcast_in_dim3A_772 = vector.broadcast %jit3A_770 : i32 to vector<16xi32>
      %broadcast_in_dim3A_773 = vector.broadcast %jit3A_771 : i32 to vector<16xi32>
      %select_n3A_774 = arith.select %gt3A_769, %broadcast_in_dim3A_772, %broadcast_in_dim3A_773 : vector<16xi1>, vector<16xi32>
      %add3A_775 = arith.constant 128 : i32
      %add3A_776 = arith.addi %mul3A_715, %add3A_775 : i32
      %get3A_777 = arith.index_cast %add3A_776 : i32 to index
      %get3A_778 = tpu.vector_load %arg4[%get3A_777] {strides = array<i32>} : memref<32768xf32, #tpu.memory_space<vmem>>, vector<16xf32>,
      %add3A_779 = arith.constant 144 : i32
      %add3A_780 = arith.addi %mul3A_715, %add3A_779 : i32
      %get3A_781 = arith.index_cast %add3A_780 : i32 to index
      %get3A_782 = tpu.vector_load %arg4[%get3A_781] {strides = array<i32>} : memref<32768xf32, #tpu.memory_space<vmem>>, vector<16xf32>,
      %add3A_783 = arith.constant 160 : i32
      %add3A_784 = arith.addi %mul3A_715, %add3A_783 : i32
      %get3A_785 = arith.index_cast %add3A_784 : i32 to index
      %get3A_786 = tpu.vector_load %arg4[%get3A_785] {strides = array<i32>} : memref<32768xf32, #tpu.memory_space<vmem>>, vector<16xf32>,
      %add3A_787 = arith.constant 176 : i32
      %add3A_788 = arith.addi %mul3A_715, %add3A_787 : i32
      %get3A_789 = arith.index_cast %add3A_788 : i32 to index
      %get3A_790 = tpu.vector_load %arg4[%get3A_789] {strides = array<i32>} : memref<32768xf32, #tpu.memory_space<vmem>>, vector<16xf32>,
      %min3A_791 = arith.minimumf %get3A_778, %get3A_782 : vector<16xf32>
      %min3A_792 = arith.minimumf %get3A_786, %get3A_790 : vector<16xf32>
      %min3A_793 = arith.minimumf %min3A_791, %min3A_792 : vector<16xf32>
      %min3A_794 = arith.minimumf %scan3A_699, %min3A_793 : vector<16xf32>
      %le3A_795 = arith.cmpf ole, %min3A_793, %scan3A_701 : vector<16xf32>
      %all_reduce_population_count3A_796 = tpu.all_reduce %le3A_795 {dim = 0 : i64, kind = #tpu.reduction_kind<sum>} : vector<16xi1> -> vector<16xi32>
      %gt3A_797 = arith.constant 0 : i32
      %gt3A_798 = vector.broadcast %gt3A_797 : i32 to vector<16xi32>
      %gt3A_799 = arith.cmpi sgt, %all_reduce_population_count3A_796, %gt3A_798 : vector<16xi32>
      %jit3A_800 = arith.constant 16 : i32
      %jit3A_801 = arith.constant 0 : i32
      %broadcast_in_dim3A_802 = vector.broadcast %jit3A_800 : i32 to vector<16xi32>
      %broadcast_in_dim3A_803 = vector.broadcast %jit3A_801 : i32 to vector<16xi32>
      %select_n3A_804 = arith.select %gt3A_799, %broadcast_in_dim3A_802, %broadcast_in_dim3A_803 : vector<16xi1>, vector<16xi32>
      %add3A_805 = arith.constant 192 : i32
      %add3A_806 = arith.addi %mul3A_715, %add3A_805 : i32
      %get3A_807 = arith.index_cast %add3A_806 : i32 to index
      %get3A_808 = tpu.vector_load %arg4[%get3A_807] {strides = array<i32>} : memref<32768xf32, #tpu.memory_space<vmem>>, vector<16xf32>,
      %add3A_809 = arith.constant 208 : i32
      %add3A_810 = arith.addi %mul3A_715, %add3A_809 : i32
      %get3A_811 = arith.index_cast %add3A_810 : i32 to index
      %get3A_812 = tpu.vector_load %arg4[%get3A_811] {strides = array<i32>} : memref<32768xf32, #tpu.memory_space<vmem>>, vector<16xf32>,
      %add3A_813 = arith.constant 224 : i32
      %add3A_814 = arith.addi %mul3A_715, %add3A_813 : i32
      %get3A_815 = arith.index_cast %add3A_814 : i32 to index
      %get3A_816 = tpu.vector_load %arg4[%get3A_815] {strides = array<i32>} : memref<32768xf32, #tpu.memory_space<vmem>>, vector<16xf32>,
      %add3A_817 = arith.constant 240 : i32
      %add3A_818 = arith.addi %mul3A_715, %add3A_817 : i32
      %get3A_819 = arith.index_cast %add3A_818 : i32 to index
      %get3A_820 = tpu.vector_load %arg4[%get3A_819] {strides = array<i32>} : memref<32768xf32, #tpu.memory_space<vmem>>, vector<16xf32>,
      %min3A_821 = arith.minimumf %get3A_808, %get3A_812 : vector<16xf32>
      %min3A_822 = arith.minimumf %get3A_816, %get3A_820 : vector<16xf32>
      %min3A_823 = arith.minimumf %min3A_821, %min3A_822 : vector<16xf32>
      %min3A_824 = arith.minimumf %scan3A_700, %min3A_823 : vector<16xf32>
      %le3A_825 = arith.cmpf ole, %min3A_823, %scan3A_701 : vector<16xf32>
      %all_reduce_population_count3A_826 = tpu.all_reduce %le3A_825 {dim = 0 : i64, kind = #tpu.reduction_kind<sum>} : vector<16xi1> -> vector<16xi32>
      %gt3A_827 = arith.constant 0 : i32
      %gt3A_828 = vector.broadcast %gt3A_827 : i32 to vector<16xi32>
      %gt3A_829 = arith.cmpi sgt, %all_reduce_population_count3A_826, %gt3A_828 : vector<16xi32>
      %jit3A_830 = arith.constant 16 : i32
      %jit3A_831 = arith.constant 0 : i32
      %broadcast_in_dim3A_832 = vector.broadcast %jit3A_830 : i32 to vector<16xi32>
      %broadcast_in_dim3A_833 = vector.broadcast %jit3A_831 : i32 to vector<16xi32>
      %select_n3A_834 = arith.select %gt3A_829, %broadcast_in_dim3A_832, %broadcast_in_dim3A_833 : vector<16xi1>, vector<16xi32>
      %add3A_835 = arith.addi %scan3A_703, %select_n3A_744 : vector<16xi32>
      %add3A_836 = arith.addi %add3A_835, %select_n3A_774 : vector<16xi32>
      %add3A_837 = arith.addi %add3A_836, %select_n3A_804 : vector<16xi32>
      %add3A_838 = arith.addi %add3A_837, %select_n3A_834 : vector<16xi32>
      %add3A_839 = arith.addi %scan3A_703, %iota3A : vector<16xi32>
      %add3A_840 = arith.constant 0 : i32
      %add3A_841 = arith.addi %mul3A_717, %add3A_840 : i32
      %broadcast_in_dim3A_842 = vector.broadcast %add3A_841 : i32 to vector<16xi32>
      tpu.vector_store_idx %arg6[%add3A_839], %broadcast_in_dim3A_842 : memref<8192xi32, #tpu.memory_space<vmem>>[vector<16xi32>], vector<16xi32>,
      %add3A_843 = arith.addi %add3A_835, %iota3A : vector<16xi32>
      %add3A_844 = arith.constant 1 : i32
      %add3A_845 = arith.addi %mul3A_717, %add3A_844 : i32
      %broadcast_in_dim3A_846 = vector.broadcast %add3A_845 : i32 to vector<16xi32>
      tpu.vector_store_idx %arg6[%add3A_843], %broadcast_in_dim3A_846 : memref<8192xi32, #tpu.memory_space<vmem>>[vector<16xi32>], vector<16xi32>,
      %add3A_847 = arith.addi %add3A_836, %iota3A : vector<16xi32>
      %add3A_848 = arith.constant 2 : i32
      %add3A_849 = arith.addi %mul3A_717, %add3A_848 : i32
      %broadcast_in_dim3A_850 = vector.broadcast %add3A_849 : i32 to vector<16xi32>
      tpu.vector_store_idx %arg6[%add3A_847], %broadcast_in_dim3A_850 : memref<8192xi32, #tpu.memory_space<vmem>>[vector<16xi32>], vector<16xi32>,
      %add3A_851 = arith.addi %add3A_837, %iota3A : vector<16xi32>
      %add3A_852 = arith.constant 3 : i32
      %add3A_853 = arith.addi %mul3A_717, %add3A_852 : i32
      %broadcast_in_dim3A_854 = vector.broadcast %add3A_853 : i32 to vector<16xi32>
      tpu.vector_store_idx %arg6[%add3A_851], %broadcast_in_dim3A_854 : memref<8192xi32, #tpu.memory_space<vmem>>[vector<16xi32>], vector<16xi32>,
      scf.yield %min3A_737, %min3A_764, %min3A_794, %min3A_824, %scan3A_702, %gather3A_713, %add3A_838 : vector<16xf32>, vector<16xf32>, vector<16xf32>, vector<16xf32>, vector<16xf32>, vector<16xf32>, vector<16xi32>
    }
    %scan3A_100 = arith.constant 32 : i32
    %dma_wait3A_101 = arith.constant 16384 : i32
    %dma_wait3A_102 = tpu.memref_slice %arg4[%dma_wait3A_101] : memref<32768xf32, #tpu.memory_space<vmem>> -> memref<8192xf32, #tpu.memory_space<vmem>>
    %dma_wait3A_103 = arith.constant 16384 : i32
    %dma_wait3A_104 = tpu.memref_slice %arg2[%mul3A_2, %dma_wait3A_103] : memref<128x32768xf32, #tpu.memory_space<hbm>> -> memref<1x8192xf32, #tpu.memory_space<hbm>>
    %dma_wait3A_105 = tpu.memref_squeeze %dma_wait3A_104 : memref<1x8192xf32, #tpu.memory_space<hbm>> -> memref<8192xf32, #tpu.memory_space<hbm>>
    %dma_wait3A_106 = arith.constant 16384 : i32
    %dma_wait3A_107 = tpu.memref_slice %arg4[%dma_wait3A_106] : memref<32768xf32, #tpu.memory_space<vmem>> -> memref<8192xf32, #tpu.memory_space<vmem>>
    %dma_wait3A_108 = arith.constant 16384 : i32
    %dma_wait3A_109 = tpu.memref_slice %arg2[%mul3A_2, %dma_wait3A_108] : memref<128x32768xf32, #tpu.memory_space<hbm>> -> memref<1x8192xf32, #tpu.memory_space<hbm>>
    %dma_wait3A_110 = tpu.memref_squeeze %dma_wait3A_109 : memref<1x8192xf32, #tpu.memory_space<hbm>> -> memref<8192xf32, #tpu.memory_space<hbm>>
    tpu.wait_dma2 semaphore(%arg8 : memref<!tpu.dma_semaphore, #tpu.memory_space<semaphore_mem>>) src(%dma_wait3A_110 : memref<8192xf32, #tpu.memory_space<hbm>>) dst(%dma_wait3A_107 : memref<8192xf32, #tpu.memory_space<vmem>>)
    %scan3A_111 = arith.constant 64 : i32
    %scan3A_112 = arith.constant 32 : i32
    %scan3A_113 = arith.addi %scan3A_111, %scan3A_112 : i32
    %scan3A_114 = arith.constant 1 : i32
    %scan3A_115:7 = scf.for %scan3A_696 = %scan3A_111 to %scan3A_113 step %scan3A_114 iter_args(%scan3A_697 = %scan3A_99#0, %scan3A_698 = %scan3A_99#1, %scan3A_699 = %scan3A_99#2, %scan3A_700 = %scan3A_99#3, %scan3A_701 = %scan3A_99#4, %scan3A_702 = %scan3A_99#5, %scan3A_703 = %scan3A_99#6) -> (vector<16xf32>, vector<16xf32>, vector<16xf32>, vector<16xf32>, vector<16xf32>, vector<16xf32>, vector<16xi32>)  : i32 {
      %min3A_704 = arith.minimumf %scan3A_697, %scan3A_698 : vector<16xf32>
      %min3A_705 = arith.minimumf %scan3A_699, %scan3A_700 : vector<16xf32>
      %min3A_706 = arith.minimumf %min3A_704, %min3A_705 : vector<16xf32>
      %sort3A_707 = arith.constant dense<true> : vector<16xi1>
      %sort3A_708, %sort3A_709, %sort3A_710 = tpu.sort %min3A_706, %min3A_706 masked %sort3A_707 : (vector<16xf32>, vector<16xf32>, vector<16xi1>) -> (vector<16xi1>, vector<16xf32>, vector<16xf32>)
      %broadcast_in_dim3A_711 = vector.shape_cast %broadcast_in_dim3A_3 : vector<16xi32> to vector<16x1xi32>
      %gather3A_712 = vector.shape_cast %broadcast_in_dim3A_711 : vector<16x1xi32> to vector<16xi32>
      %gather3A_713 = tpu.dynamic_gather %sort3A_709[%gather3A_712] in [0] : vector<16xf32>, vector<16xi32> -> vector<16xf32>
      %mul3A_714 = arith.constant 256 : i32
      %mul3A_715 = arith.muli %scan3A_696, %mul3A_714 : i32
      %mul3A_716 = arith.constant 4 : i32
      %mul3A_717 = arith.muli %scan3A_696, %mul3A_716 : i32
      %add3A_718 = arith.constant 0 : i32
      %add3A_719 = arith.addi %mul3A_715, %add3A_718 : i32
      %get3A_720 = arith.index_cast %add3A_719 : i32 to index
      %get3A_721 = tpu.vector_load %arg4[%get3A_720] {strides = array<i32>} : memref<32768xf32, #tpu.memory_space<vmem>>, vector<16xf32>,
      %add3A_722 = arith.constant 16 : i32
      %add3A_723 = arith.addi %mul3A_715, %add3A_722 : i32
      %get3A_724 = arith.index_cast %add3A_723 : i32 to index
      %get3A_725 = tpu.vector_load %arg4[%get3A_724] {strides = array<i32>} : memref<32768xf32, #tpu.memory_space<vmem>>, vector<16xf32>,
      %add3A_726 = arith.constant 32 : i32
      %add3A_727 = arith.addi %mul3A_715, %add3A_726 : i32
      %get3A_728 = arith.index_cast %add3A_727 : i32 to index
      %get3A_729 = tpu.vector_load %arg4[%get3A_728] {strides = array<i32>} : memref<32768xf32, #tpu.memory_space<vmem>>, vector<16xf32>,
      %add3A_730 = arith.constant 48 : i32
      %add3A_731 = arith.addi %mul3A_715, %add3A_730 : i32
      %get3A_732 = arith.index_cast %add3A_731 : i32 to index
      %get3A_733 = tpu.vector_load %arg4[%get3A_732] {strides = array<i32>} : memref<32768xf32, #tpu.memory_space<vmem>>, vector<16xf32>,
      %min3A_734 = arith.minimumf %get3A_721, %get3A_725 : vector<16xf32>
      %min3A_735 = arith.minimumf %get3A_729, %get3A_733 : vector<16xf32>
      %min3A_736 = arith.minimumf %min3A_734, %min3A_735 : vector<16xf32>
      %min3A_737 = arith.minimumf %scan3A_697, %min3A_736 : vector<16xf32>
      %le3A = arith.cmpf ole, %min3A_736, %scan3A_701 : vector<16xf32>
      %all_reduce_population_count3A = tpu.all_reduce %le3A {dim = 0 : i64, kind = #tpu.reduction_kind<sum>} : vector<16xi1> -> vector<16xi32>
      %gt3A = arith.constant 0 : i32
      %gt3A_738 = vector.broadcast %gt3A : i32 to vector<16xi32>
      %gt3A_739 = arith.cmpi sgt, %all_reduce_population_count3A, %gt3A_738 : vector<16xi32>
      %jit3A_740 = arith.constant 16 : i32
      %jit3A_741 = arith.constant 0 : i32
      %broadcast_in_dim3A_742 = vector.broadcast %jit3A_740 : i32 to vector<16xi32>
      %broadcast_in_dim3A_743 = vector.broadcast %jit3A_741 : i32 to vector<16xi32>
      %select_n3A_744 = arith.select %gt3A_739, %broadcast_in_dim3A_742, %broadcast_in_dim3A_743 : vector<16xi1>, vector<16xi32>
      %add3A_745 = arith.constant 64 : i32
      %add3A_746 = arith.addi %mul3A_715, %add3A_745 : i32
      %get3A_747 = arith.index_cast %add3A_746 : i32 to index
      %get3A_748 = tpu.vector_load %arg4[%get3A_747] {strides = array<i32>} : memref<32768xf32, #tpu.memory_space<vmem>>, vector<16xf32>,
      %add3A_749 = arith.constant 80 : i32
      %add3A_750 = arith.addi %mul3A_715, %add3A_749 : i32
      %get3A_751 = arith.index_cast %add3A_750 : i32 to index
      %get3A_752 = tpu.vector_load %arg4[%get3A_751] {strides = array<i32>} : memref<32768xf32, #tpu.memory_space<vmem>>, vector<16xf32>,
      %add3A_753 = arith.constant 96 : i32
      %add3A_754 = arith.addi %mul3A_715, %add3A_753 : i32
      %get3A_755 = arith.index_cast %add3A_754 : i32 to index
      %get3A_756 = tpu.vector_load %arg4[%get3A_755] {strides = array<i32>} : memref<32768xf32, #tpu.memory_space<vmem>>, vector<16xf32>,
      %add3A_757 = arith.constant 112 : i32
      %add3A_758 = arith.addi %mul3A_715, %add3A_757 : i32
      %get3A_759 = arith.index_cast %add3A_758 : i32 to index
      %get3A_760 = tpu.vector_load %arg4[%get3A_759] {strides = array<i32>} : memref<32768xf32, #tpu.memory_space<vmem>>, vector<16xf32>,
      %min3A_761 = arith.minimumf %get3A_748, %get3A_752 : vector<16xf32>
      %min3A_762 = arith.minimumf %get3A_756, %get3A_760 : vector<16xf32>
      %min3A_763 = arith.minimumf %min3A_761, %min3A_762 : vector<16xf32>
      %min3A_764 = arith.minimumf %scan3A_698, %min3A_763 : vector<16xf32>
      %le3A_765 = arith.cmpf ole, %min3A_763, %scan3A_701 : vector<16xf32>
      %all_reduce_population_count3A_766 = tpu.all_reduce %le3A_765 {dim = 0 : i64, kind = #tpu.reduction_kind<sum>} : vector<16xi1> -> vector<16xi32>
      %gt3A_767 = arith.constant 0 : i32
      %gt3A_768 = vector.broadcast %gt3A_767 : i32 to vector<16xi32>
      %gt3A_769 = arith.cmpi sgt, %all_reduce_population_count3A_766, %gt3A_768 : vector<16xi32>
      %jit3A_770 = arith.constant 16 : i32
      %jit3A_771 = arith.constant 0 : i32
      %broadcast_in_dim3A_772 = vector.broadcast %jit3A_770 : i32 to vector<16xi32>
      %broadcast_in_dim3A_773 = vector.broadcast %jit3A_771 : i32 to vector<16xi32>
      %select_n3A_774 = arith.select %gt3A_769, %broadcast_in_dim3A_772, %broadcast_in_dim3A_773 : vector<16xi1>, vector<16xi32>
      %add3A_775 = arith.constant 128 : i32
      %add3A_776 = arith.addi %mul3A_715, %add3A_775 : i32
      %get3A_777 = arith.index_cast %add3A_776 : i32 to index
      %get3A_778 = tpu.vector_load %arg4[%get3A_777] {strides = array<i32>} : memref<32768xf32, #tpu.memory_space<vmem>>, vector<16xf32>,
      %add3A_779 = arith.constant 144 : i32
      %add3A_780 = arith.addi %mul3A_715, %add3A_779 : i32
      %get3A_781 = arith.index_cast %add3A_780 : i32 to index
      %get3A_782 = tpu.vector_load %arg4[%get3A_781] {strides = array<i32>} : memref<32768xf32, #tpu.memory_space<vmem>>, vector<16xf32>,
      %add3A_783 = arith.constant 160 : i32
      %add3A_784 = arith.addi %mul3A_715, %add3A_783 : i32
      %get3A_785 = arith.index_cast %add3A_784 : i32 to index
      %get3A_786 = tpu.vector_load %arg4[%get3A_785] {strides = array<i32>} : memref<32768xf32, #tpu.memory_space<vmem>>, vector<16xf32>,
      %add3A_787 = arith.constant 176 : i32
      %add3A_788 = arith.addi %mul3A_715, %add3A_787 : i32
      %get3A_789 = arith.index_cast %add3A_788 : i32 to index
      %get3A_790 = tpu.vector_load %arg4[%get3A_789] {strides = array<i32>} : memref<32768xf32, #tpu.memory_space<vmem>>, vector<16xf32>,
      %min3A_791 = arith.minimumf %get3A_778, %get3A_782 : vector<16xf32>
      %min3A_792 = arith.minimumf %get3A_786, %get3A_790 : vector<16xf32>
      %min3A_793 = arith.minimumf %min3A_791, %min3A_792 : vector<16xf32>
      %min3A_794 = arith.minimumf %scan3A_699, %min3A_793 : vector<16xf32>
      %le3A_795 = arith.cmpf ole, %min3A_793, %scan3A_701 : vector<16xf32>
      %all_reduce_population_count3A_796 = tpu.all_reduce %le3A_795 {dim = 0 : i64, kind = #tpu.reduction_kind<sum>} : vector<16xi1> -> vector<16xi32>
      %gt3A_797 = arith.constant 0 : i32
      %gt3A_798 = vector.broadcast %gt3A_797 : i32 to vector<16xi32>
      %gt3A_799 = arith.cmpi sgt, %all_reduce_population_count3A_796, %gt3A_798 : vector<16xi32>
      %jit3A_800 = arith.constant 16 : i32
      %jit3A_801 = arith.constant 0 : i32
      %broadcast_in_dim3A_802 = vector.broadcast %jit3A_800 : i32 to vector<16xi32>
      %broadcast_in_dim3A_803 = vector.broadcast %jit3A_801 : i32 to vector<16xi32>
      %select_n3A_804 = arith.select %gt3A_799, %broadcast_in_dim3A_802, %broadcast_in_dim3A_803 : vector<16xi1>, vector<16xi32>
      %add3A_805 = arith.constant 192 : i32
      %add3A_806 = arith.addi %mul3A_715, %add3A_805 : i32
      %get3A_807 = arith.index_cast %add3A_806 : i32 to index
      %get3A_808 = tpu.vector_load %arg4[%get3A_807] {strides = array<i32>} : memref<32768xf32, #tpu.memory_space<vmem>>, vector<16xf32>,
      %add3A_809 = arith.constant 208 : i32
      %add3A_810 = arith.addi %mul3A_715, %add3A_809 : i32
      %get3A_811 = arith.index_cast %add3A_810 : i32 to index
      %get3A_812 = tpu.vector_load %arg4[%get3A_811] {strides = array<i32>} : memref<32768xf32, #tpu.memory_space<vmem>>, vector<16xf32>,
      %add3A_813 = arith.constant 224 : i32
      %add3A_814 = arith.addi %mul3A_715, %add3A_813 : i32
      %get3A_815 = arith.index_cast %add3A_814 : i32 to index
      %get3A_816 = tpu.vector_load %arg4[%get3A_815] {strides = array<i32>} : memref<32768xf32, #tpu.memory_space<vmem>>, vector<16xf32>,
      %add3A_817 = arith.constant 240 : i32
      %add3A_818 = arith.addi %mul3A_715, %add3A_817 : i32
      %get3A_819 = arith.index_cast %add3A_818 : i32 to index
      %get3A_820 = tpu.vector_load %arg4[%get3A_819] {strides = array<i32>} : memref<32768xf32, #tpu.memory_space<vmem>>, vector<16xf32>,
      %min3A_821 = arith.minimumf %get3A_808, %get3A_812 : vector<16xf32>
      %min3A_822 = arith.minimumf %get3A_816, %get3A_820 : vector<16xf32>
      %min3A_823 = arith.minimumf %min3A_821, %min3A_822 : vector<16xf32>
      %min3A_824 = arith.minimumf %scan3A_700, %min3A_823 : vector<16xf32>
      %le3A_825 = arith.cmpf ole, %min3A_823, %scan3A_701 : vector<16xf32>
      %all_reduce_population_count3A_826 = tpu.all_reduce %le3A_825 {dim = 0 : i64, kind = #tpu.reduction_kind<sum>} : vector<16xi1> -> vector<16xi32>
      %gt3A_827 = arith.constant 0 : i32
      %gt3A_828 = vector.broadcast %gt3A_827 : i32 to vector<16xi32>
      %gt3A_829 = arith.cmpi sgt, %all_reduce_population_count3A_826, %gt3A_828 : vector<16xi32>
      %jit3A_830 = arith.constant 16 : i32
      %jit3A_831 = arith.constant 0 : i32
      %broadcast_in_dim3A_832 = vector.broadcast %jit3A_830 : i32 to vector<16xi32>
      %broadcast_in_dim3A_833 = vector.broadcast %jit3A_831 : i32 to vector<16xi32>
      %select_n3A_834 = arith.select %gt3A_829, %broadcast_in_dim3A_832, %broadcast_in_dim3A_833 : vector<16xi1>, vector<16xi32>
      %add3A_835 = arith.addi %scan3A_703, %select_n3A_744 : vector<16xi32>
      %add3A_836 = arith.addi %add3A_835, %select_n3A_774 : vector<16xi32>
      %add3A_837 = arith.addi %add3A_836, %select_n3A_804 : vector<16xi32>
      %add3A_838 = arith.addi %add3A_837, %select_n3A_834 : vector<16xi32>
      %add3A_839 = arith.addi %scan3A_703, %iota3A : vector<16xi32>
      %add3A_840 = arith.constant 0 : i32
      %add3A_841 = arith.addi %mul3A_717, %add3A_840 : i32
      %broadcast_in_dim3A_842 = vector.broadcast %add3A_841 : i32 to vector<16xi32>
      tpu.vector_store_idx %arg6[%add3A_839], %broadcast_in_dim3A_842 : memref<8192xi32, #tpu.memory_space<vmem>>[vector<16xi32>], vector<16xi32>,
      %add3A_843 = arith.addi %add3A_835, %iota3A : vector<16xi32>
      %add3A_844 = arith.constant 1 : i32
      %add3A_845 = arith.addi %mul3A_717, %add3A_844 : i32
      %broadcast_in_dim3A_846 = vector.broadcast %add3A_845 : i32 to vector<16xi32>
      tpu.vector_store_idx %arg6[%add3A_843], %broadcast_in_dim3A_846 : memref<8192xi32, #tpu.memory_space<vmem>>[vector<16xi32>], vector<16xi32>,
      %add3A_847 = arith.addi %add3A_836, %iota3A : vector<16xi32>
      %add3A_848 = arith.constant 2 : i32
      %add3A_849 = arith.addi %mul3A_717, %add3A_848 : i32
      %broadcast_in_dim3A_850 = vector.broadcast %add3A_849 : i32 to vector<16xi32>
      tpu.vector_store_idx %arg6[%add3A_847], %broadcast_in_dim3A_850 : memref<8192xi32, #tpu.memory_space<vmem>>[vector<16xi32>], vector<16xi32>,
      %add3A_851 = arith.addi %add3A_837, %iota3A : vector<16xi32>
      %add3A_852 = arith.constant 3 : i32
      %add3A_853 = arith.addi %mul3A_717, %add3A_852 : i32
      %broadcast_in_dim3A_854 = vector.broadcast %add3A_853 : i32 to vector<16xi32>
      tpu.vector_store_idx %arg6[%add3A_851], %broadcast_in_dim3A_854 : memref<8192xi32, #tpu.memory_space<vmem>>[vector<16xi32>], vector<16xi32>,
      scf.yield %min3A_737, %min3A_764, %min3A_794, %min3A_824, %scan3A_702, %gather3A_713, %add3A_838 : vector<16xf32>, vector<16xf32>, vector<16xf32>, vector<16xf32>, vector<16xf32>, vector<16xf32>, vector<16xi32>
    }
    %scan3A_116 = arith.constant 32 : i32
    %dma_wait3A_117 = arith.constant 24576 : i32
    %dma_wait3A_118 = tpu.memref_slice %arg4[%dma_wait3A_117] : memref<32768xf32, #tpu.memory_space<vmem>> -> memref<8192xf32, #tpu.memory_space<vmem>>
    %dma_wait3A_119 = arith.constant 24576 : i32
    %dma_wait3A_120 = tpu.memref_slice %arg2[%mul3A_2, %dma_wait3A_119] : memref<128x32768xf32, #tpu.memory_space<hbm>> -> memref<1x8192xf32, #tpu.memory_space<hbm>>
    %dma_wait3A_121 = tpu.memref_squeeze %dma_wait3A_120 : memref<1x8192xf32, #tpu.memory_space<hbm>> -> memref<8192xf32, #tpu.memory_space<hbm>>
    %dma_wait3A_122 = arith.constant 24576 : i32
    %dma_wait3A_123 = tpu.memref_slice %arg4[%dma_wait3A_122] : memref<32768xf32, #tpu.memory_space<vmem>> -> memref<8192xf32, #tpu.memory_space<vmem>>
    %dma_wait3A_124 = arith.constant 24576 : i32
    %dma_wait3A_125 = tpu.memref_slice %arg2[%mul3A_2, %dma_wait3A_124] : memref<128x32768xf32, #tpu.memory_space<hbm>> -> memref<1x8192xf32, #tpu.memory_space<hbm>>
    %dma_wait3A_126 = tpu.memref_squeeze %dma_wait3A_125 : memref<1x8192xf32, #tpu.memory_space<hbm>> -> memref<8192xf32, #tpu.memory_space<hbm>>
    tpu.wait_dma2 semaphore(%arg8 : memref<!tpu.dma_semaphore, #tpu.memory_space<semaphore_mem>>) src(%dma_wait3A_126 : memref<8192xf32, #tpu.memory_space<hbm>>) dst(%dma_wait3A_123 : memref<8192xf32, #tpu.memory_space<vmem>>)
    %scan3A_127 = arith.constant 96 : i32
    %scan3A_128 = arith.constant 32 : i32
    %scan3A_129 = arith.addi %scan3A_127, %scan3A_128 : i32
    %scan3A_130 = arith.constant 1 : i32
    %scan3A_131:7 = scf.for %scan3A_696 = %scan3A_127 to %scan3A_129 step %scan3A_130 iter_args(%scan3A_697 = %scan3A_115#0, %scan3A_698 = %scan3A_115#1, %scan3A_699 = %scan3A_115#2, %scan3A_700 = %scan3A_115#3, %scan3A_701 = %scan3A_115#4, %scan3A_702 = %scan3A_115#5, %scan3A_703 = %scan3A_115#6) -> (vector<16xf32>, vector<16xf32>, vector<16xf32>, vector<16xf32>, vector<16xf32>, vector<16xf32>, vector<16xi32>)  : i32 {
      %min3A_704 = arith.minimumf %scan3A_697, %scan3A_698 : vector<16xf32>
      %min3A_705 = arith.minimumf %scan3A_699, %scan3A_700 : vector<16xf32>
      %min3A_706 = arith.minimumf %min3A_704, %min3A_705 : vector<16xf32>
      %sort3A_707 = arith.constant dense<true> : vector<16xi1>
      %sort3A_708, %sort3A_709, %sort3A_710 = tpu.sort %min3A_706, %min3A_706 masked %sort3A_707 : (vector<16xf32>, vector<16xf32>, vector<16xi1>) -> (vector<16xi1>, vector<16xf32>, vector<16xf32>)
      %broadcast_in_dim3A_711 = vector.shape_cast %broadcast_in_dim3A_3 : vector<16xi32> to vector<16x1xi32>
      %gather3A_712 = vector.shape_cast %broadcast_in_dim3A_711 : vector<16x1xi32> to vector<16xi32>
      %gather3A_713 = tpu.dynamic_gather %sort3A_709[%gather3A_712] in [0] : vector<16xf32>, vector<16xi32> -> vector<16xf32>
      %mul3A_714 = arith.constant 256 : i32
      %mul3A_715 = arith.muli %scan3A_696, %mul3A_714 : i32
      %mul3A_716 = arith.constant 4 : i32
      %mul3A_717 = arith.muli %scan3A_696, %mul3A_716 : i32
      %add3A_718 = arith.constant 0 : i32
      %add3A_719 = arith.addi %mul3A_715, %add3A_718 : i32
      %get3A_720 = arith.index_cast %add3A_719 : i32 to index
      %get3A_721 = tpu.vector_load %arg4[%get3A_720] {strides = array<i32>} : memref<32768xf32, #tpu.memory_space<vmem>>, vector<16xf32>,
      %add3A_722 = arith.constant 16 : i32
      %add3A_723 = arith.addi %mul3A_715, %add3A_722 : i32
      %get3A_724 = arith.index_cast %add3A_723 : i32 to index
      %get3A_725 = tpu.vector_load %arg4[%get3A_724] {strides = array<i32>} : memref<32768xf32, #tpu.memory_space<vmem>>, vector<16xf32>,
      %add3A_726 = arith.constant 32 : i32
      %add3A_727 = arith.addi %mul3A_715, %add3A_726 : i32
      %get3A_728 = arith.index_cast %add3A_727 : i32 to index
      %get3A_729 = tpu.vector_load %arg4[%get3A_728] {strides = array<i32>} : memref<32768xf32, #tpu.memory_space<vmem>>, vector<16xf32>,
      %add3A_730 = arith.constant 48 : i32
      %add3A_731 = arith.addi %mul3A_715, %add3A_730 : i32
      %get3A_732 = arith.index_cast %add3A_731 : i32 to index
      %get3A_733 = tpu.vector_load %arg4[%get3A_732] {strides = array<i32>} : memref<32768xf32, #tpu.memory_space<vmem>>, vector<16xf32>,
      %min3A_734 = arith.minimumf %get3A_721, %get3A_725 : vector<16xf32>
      %min3A_735 = arith.minimumf %get3A_729, %get3A_733 : vector<16xf32>
      %min3A_736 = arith.minimumf %min3A_734, %min3A_735 : vector<16xf32>
      %min3A_737 = arith.minimumf %scan3A_697, %min3A_736 : vector<16xf32>
      %le3A = arith.cmpf ole, %min3A_736, %scan3A_701 : vector<16xf32>
      %all_reduce_population_count3A = tpu.all_reduce %le3A {dim = 0 : i64, kind = #tpu.reduction_kind<sum>} : vector<16xi1> -> vector<16xi32>
      %gt3A = arith.constant 0 : i32
      %gt3A_738 = vector.broadcast %gt3A : i32 to vector<16xi32>
      %gt3A_739 = arith.cmpi sgt, %all_reduce_population_count3A, %gt3A_738 : vector<16xi32>
      %jit3A_740 = arith.constant 16 : i32
      %jit3A_741 = arith.constant 0 : i32
      %broadcast_in_dim3A_742 = vector.broadcast %jit3A_740 : i32 to vector<16xi32>
      %broadcast_in_dim3A_743 = vector.broadcast %jit3A_741 : i32 to vector<16xi32>
      %select_n3A_744 = arith.select %gt3A_739, %broadcast_in_dim3A_742, %broadcast_in_dim3A_743 : vector<16xi1>, vector<16xi32>
      %add3A_745 = arith.constant 64 : i32
      %add3A_746 = arith.addi %mul3A_715, %add3A_745 : i32
      %get3A_747 = arith.index_cast %add3A_746 : i32 to index
      %get3A_748 = tpu.vector_load %arg4[%get3A_747] {strides = array<i32>} : memref<32768xf32, #tpu.memory_space<vmem>>, vector<16xf32>,
      %add3A_749 = arith.constant 80 : i32
      %add3A_750 = arith.addi %mul3A_715, %add3A_749 : i32
      %get3A_751 = arith.index_cast %add3A_750 : i32 to index
      %get3A_752 = tpu.vector_load %arg4[%get3A_751] {strides = array<i32>} : memref<32768xf32, #tpu.memory_space<vmem>>, vector<16xf32>,
      %add3A_753 = arith.constant 96 : i32
      %add3A_754 = arith.addi %mul3A_715, %add3A_753 : i32
      %get3A_755 = arith.index_cast %add3A_754 : i32 to index
      %get3A_756 = tpu.vector_load %arg4[%get3A_755] {strides = array<i32>} : memref<32768xf32, #tpu.memory_space<vmem>>, vector<16xf32>,
      %add3A_757 = arith.constant 112 : i32
      %add3A_758 = arith.addi %mul3A_715, %add3A_757 : i32
      %get3A_759 = arith.index_cast %add3A_758 : i32 to index
      %get3A_760 = tpu.vector_load %arg4[%get3A_759] {strides = array<i32>} : memref<32768xf32, #tpu.memory_space<vmem>>, vector<16xf32>,
      %min3A_761 = arith.minimumf %get3A_748, %get3A_752 : vector<16xf32>
      %min3A_762 = arith.minimumf %get3A_756, %get3A_760 : vector<16xf32>
      %min3A_763 = arith.minimumf %min3A_761, %min3A_762 : vector<16xf32>
      %min3A_764 = arith.minimumf %scan3A_698, %min3A_763 : vector<16xf32>
      %le3A_765 = arith.cmpf ole, %min3A_763, %scan3A_701 : vector<16xf32>
      %all_reduce_population_count3A_766 = tpu.all_reduce %le3A_765 {dim = 0 : i64, kind = #tpu.reduction_kind<sum>} : vector<16xi1> -> vector<16xi32>
      %gt3A_767 = arith.constant 0 : i32
      %gt3A_768 = vector.broadcast %gt3A_767 : i32 to vector<16xi32>
      %gt3A_769 = arith.cmpi sgt, %all_reduce_population_count3A_766, %gt3A_768 : vector<16xi32>
      %jit3A_770 = arith.constant 16 : i32
      %jit3A_771 = arith.constant 0 : i32
      %broadcast_in_dim3A_772 = vector.broadcast %jit3A_770 : i32 to vector<16xi32>
      %broadcast_in_dim3A_773 = vector.broadcast %jit3A_771 : i32 to vector<16xi32>
      %select_n3A_774 = arith.select %gt3A_769, %broadcast_in_dim3A_772, %broadcast_in_dim3A_773 : vector<16xi1>, vector<16xi32>
      %add3A_775 = arith.constant 128 : i32
      %add3A_776 = arith.addi %mul3A_715, %add3A_775 : i32
      %get3A_777 = arith.index_cast %add3A_776 : i32 to index
      %get3A_778 = tpu.vector_load %arg4[%get3A_777] {strides = array<i32>} : memref<32768xf32, #tpu.memory_space<vmem>>, vector<16xf32>,
      %add3A_779 = arith.constant 144 : i32
      %add3A_780 = arith.addi %mul3A_715, %add3A_779 : i32
      %get3A_781 = arith.index_cast %add3A_780 : i32 to index
      %get3A_782 = tpu.vector_load %arg4[%get3A_781] {strides = array<i32>} : memref<32768xf32, #tpu.memory_space<vmem>>, vector<16xf32>,
      %add3A_783 = arith.constant 160 : i32
      %add3A_784 = arith.addi %mul3A_715, %add3A_783 : i32
      %get3A_785 = arith.index_cast %add3A_784 : i32 to index
      %get3A_786 = tpu.vector_load %arg4[%get3A_785] {strides = array<i32>} : memref<32768xf32, #tpu.memory_space<vmem>>, vector<16xf32>,
      %add3A_787 = arith.constant 176 : i32
      %add3A_788 = arith.addi %mul3A_715, %add3A_787 : i32
      %get3A_789 = arith.index_cast %add3A_788 : i32 to index
      %get3A_790 = tpu.vector_load %arg4[%get3A_789] {strides = array<i32>} : memref<32768xf32, #tpu.memory_space<vmem>>, vector<16xf32>,
      %min3A_791 = arith.minimumf %get3A_778, %get3A_782 : vector<16xf32>
      %min3A_792 = arith.minimumf %get3A_786, %get3A_790 : vector<16xf32>
      %min3A_793 = arith.minimumf %min3A_791, %min3A_792 : vector<16xf32>
      %min3A_794 = arith.minimumf %scan3A_699, %min3A_793 : vector<16xf32>
      %le3A_795 = arith.cmpf ole, %min3A_793, %scan3A_701 : vector<16xf32>
      %all_reduce_population_count3A_796 = tpu.all_reduce %le3A_795 {dim = 0 : i64, kind = #tpu.reduction_kind<sum>} : vector<16xi1> -> vector<16xi32>
      %gt3A_797 = arith.constant 0 : i32
      %gt3A_798 = vector.broadcast %gt3A_797 : i32 to vector<16xi32>
      %gt3A_799 = arith.cmpi sgt, %all_reduce_population_count3A_796, %gt3A_798 : vector<16xi32>
      %jit3A_800 = arith.constant 16 : i32
      %jit3A_801 = arith.constant 0 : i32
      %broadcast_in_dim3A_802 = vector.broadcast %jit3A_800 : i32 to vector<16xi32>
      %broadcast_in_dim3A_803 = vector.broadcast %jit3A_801 : i32 to vector<16xi32>
      %select_n3A_804 = arith.select %gt3A_799, %broadcast_in_dim3A_802, %broadcast_in_dim3A_803 : vector<16xi1>, vector<16xi32>
      %add3A_805 = arith.constant 192 : i32
      %add3A_806 = arith.addi %mul3A_715, %add3A_805 : i32
      %get3A_807 = arith.index_cast %add3A_806 : i32 to index
      %get3A_808 = tpu.vector_load %arg4[%get3A_807] {strides = array<i32>} : memref<32768xf32, #tpu.memory_space<vmem>>, vector<16xf32>,
      %add3A_809 = arith.constant 208 : i32
      %add3A_810 = arith.addi %mul3A_715, %add3A_809 : i32
      %get3A_811 = arith.index_cast %add3A_810 : i32 to index
      %get3A_812 = tpu.vector_load %arg4[%get3A_811] {strides = array<i32>} : memref<32768xf32, #tpu.memory_space<vmem>>, vector<16xf32>,
      %add3A_813 = arith.constant 224 : i32
      %add3A_814 = arith.addi %mul3A_715, %add3A_813 : i32
      %get3A_815 = arith.index_cast %add3A_814 : i32 to index
      %get3A_816 = tpu.vector_load %arg4[%get3A_815] {strides = array<i32>} : memref<32768xf32, #tpu.memory_space<vmem>>, vector<16xf32>,
      %add3A_817 = arith.constant 240 : i32
      %add3A_818 = arith.addi %mul3A_715, %add3A_817 : i32
      %get3A_819 = arith.index_cast %add3A_818 : i32 to index
      %get3A_820 = tpu.vector_load %arg4[%get3A_819] {strides = array<i32>} : memref<32768xf32, #tpu.memory_space<vmem>>, vector<16xf32>,
      %min3A_821 = arith.minimumf %get3A_808, %get3A_812 : vector<16xf32>
      %min3A_822 = arith.minimumf %get3A_816, %get3A_820 : vector<16xf32>
      %min3A_823 = arith.minimumf %min3A_821, %min3A_822 : vector<16xf32>
      %min3A_824 = arith.minimumf %scan3A_700, %min3A_823 : vector<16xf32>
      %le3A_825 = arith.cmpf ole, %min3A_823, %scan3A_701 : vector<16xf32>
      %all_reduce_population_count3A_826 = tpu.all_reduce %le3A_825 {dim = 0 : i64, kind = #tpu.reduction_kind<sum>} : vector<16xi1> -> vector<16xi32>
      %gt3A_827 = arith.constant 0 : i32
      %gt3A_828 = vector.broadcast %gt3A_827 : i32 to vector<16xi32>
      %gt3A_829 = arith.cmpi sgt, %all_reduce_population_count3A_826, %gt3A_828 : vector<16xi32>
      %jit3A_830 = arith.constant 16 : i32
      %jit3A_831 = arith.constant 0 : i32
      %broadcast_in_dim3A_832 = vector.broadcast %jit3A_830 : i32 to vector<16xi32>
      %broadcast_in_dim3A_833 = vector.broadcast %jit3A_831 : i32 to vector<16xi32>
      %select_n3A_834 = arith.select %gt3A_829, %broadcast_in_dim3A_832, %broadcast_in_dim3A_833 : vector<16xi1>, vector<16xi32>
      %add3A_835 = arith.addi %scan3A_703, %select_n3A_744 : vector<16xi32>
      %add3A_836 = arith.addi %add3A_835, %select_n3A_774 : vector<16xi32>
      %add3A_837 = arith.addi %add3A_836, %select_n3A_804 : vector<16xi32>
      %add3A_838 = arith.addi %add3A_837, %select_n3A_834 : vector<16xi32>
      %add3A_839 = arith.addi %scan3A_703, %iota3A : vector<16xi32>
      %add3A_840 = arith.constant 0 : i32
      %add3A_841 = arith.addi %mul3A_717, %add3A_840 : i32
      %broadcast_in_dim3A_842 = vector.broadcast %add3A_841 : i32 to vector<16xi32>
      tpu.vector_store_idx %arg6[%add3A_839], %broadcast_in_dim3A_842 : memref<8192xi32, #tpu.memory_space<vmem>>[vector<16xi32>], vector<16xi32>,
      %add3A_843 = arith.addi %add3A_835, %iota3A : vector<16xi32>
      %add3A_844 = arith.constant 1 : i32
      %add3A_845 = arith.addi %mul3A_717, %add3A_844 : i32
      %broadcast_in_dim3A_846 = vector.broadcast %add3A_845 : i32 to vector<16xi32>
      tpu.vector_store_idx %arg6[%add3A_843], %broadcast_in_dim3A_846 : memref<8192xi32, #tpu.memory_space<vmem>>[vector<16xi32>], vector<16xi32>,
      %add3A_847 = arith.addi %add3A_836, %iota3A : vector<16xi32>
      %add3A_848 = arith.constant 2 : i32
      %add3A_849 = arith.addi %mul3A_717, %add3A_848 : i32
      %broadcast_in_dim3A_850 = vector.broadcast %add3A_849 : i32 to vector<16xi32>
      tpu.vector_store_idx %arg6[%add3A_847], %broadcast_in_dim3A_850 : memref<8192xi32, #tpu.memory_space<vmem>>[vector<16xi32>], vector<16xi32>,
      %add3A_851 = arith.addi %add3A_837, %iota3A : vector<16xi32>
      %add3A_852 = arith.constant 3 : i32
      %add3A_853 = arith.addi %mul3A_717, %add3A_852 : i32
      %broadcast_in_dim3A_854 = vector.broadcast %add3A_853 : i32 to vector<16xi32>
      tpu.vector_store_idx %arg6[%add3A_851], %broadcast_in_dim3A_854 : memref<8192xi32, #tpu.memory_space<vmem>>[vector<16xi32>], vector<16xi32>,
      scf.yield %min3A_737, %min3A_764, %min3A_794, %min3A_824, %scan3A_702, %gather3A_713, %add3A_838 : vector<16xf32>, vector<16xf32>, vector<16xf32>, vector<16xf32>, vector<16xf32>, vector<16xf32>, vector<16xi32>
    }
    %scan3A_132 = arith.constant 32 : i32
    %slice3A = vector.extract_strided_slice %scan3A_131#6 {offsets = [0], sizes = [1], strides = [1]} : vector<16xi32> to vector<1xi32>
    %squeeze3A = vector.extract %slice3A[0] : i32 from vector<1xi32>
    %jit3A = arith.constant 16 : i32
    %div3A = arith.divsi %squeeze3A, %jit3A : i32
    %sign3A = arith.constant 0 : i32
    %sign3A_133 = arith.cmpi sgt, %squeeze3A, %sign3A : i32
    %sign3A_134 = arith.extui %sign3A_133 : i1 to i32
    %sign3A_135 = arith.constant 0 : i32
    %sign3A_136 = arith.cmpi slt, %squeeze3A, %sign3A_135 : i32
    %sign3A_137 = arith.extui %sign3A_136 : i1 to i32
    %sign3A_138 = arith.subi %sign3A_134, %sign3A_137 : i32
    %sign3A_139 = arith.constant 0 : i32
    %sign3A_140 = arith.cmpi sgt, %jit3A, %sign3A_139 : i32
    %sign3A_141 = arith.extui %sign3A_140 : i1 to i32
    %sign3A_142 = arith.constant 0 : i32
    %sign3A_143 = arith.cmpi slt, %jit3A, %sign3A_142 : i32
    %sign3A_144 = arith.extui %sign3A_143 : i1 to i32
    %sign3A_145 = arith.subi %sign3A_141, %sign3A_144 : i32
    %ne3A = arith.cmpi ne, %sign3A_138, %sign3A_145 : i32
    %rem3A = arith.remsi %squeeze3A, %jit3A : i32
    %ne3A_146 = arith.constant 0 : i32
    %ne3A_147 = arith.cmpi ne, %rem3A, %ne3A_146 : i32
    %and3A = arith.andi %ne3A, %ne3A_147 : i1
    %sub3A = arith.constant 1 : i32
    %sub3A_148 = arith.subi %div3A, %sub3A : i32
    %select_n3A = arith.select %and3A, %sub3A_148, %div3A : i32
    %while3A = arith.constant 0 : i32
    %while3A_149 = arith.subi %select_n3A, %while3A : i32
    %while3A_150 = arith.addi %while3A, %while3A_149 : i32
    %while3A_151 = arith.constant 1 : i32
    %while3A_152 = arith.divsi %while3A_149, %while3A_151 : i32
    %while3A_153 = arith.muli %while3A_152, %while3A_151 : i32
    %while3A_154 = arith.addi %while3A, %while3A_153 : i32
    %while3A_155 = arith.constant 1 : i32
    %while3A_156:6 = scf.for %while3A_696 = %while3A to %while3A_154 step %while3A_155 iter_args(%while3A_697 = %broadcast_in_dim3A_5, %while3A_698 = %broadcast_in_dim3A_5, %while3A_699 = %broadcast_in_dim3A_5, %while3A_700 = %broadcast_in_dim3A_5, %while3A_701 = %broadcast_in_dim3A_5, %while3A_702 = %broadcast_in_dim3A_5) -> (vector<16xf32>, vector<16xf32>, vector<16xf32>, vector<16xf32>, vector<16xf32>, vector<16xf32>)  : i32 {
      %mul3A_703 = arith.constant 16 : i32
      %mul3A_704 = arith.muli %while3A_696, %mul3A_703 : i32
      %get3A_705 = arith.index_cast %mul3A_704 : i32 to index
      %get3A_706 = tpu.vector_load %arg6[%get3A_705] {strides = array<i32>} : memref<8192xi32, #tpu.memory_space<vmem>>, vector<16xi32>,
      %slice3A_707 = vector.extract_strided_slice %get3A_706 {offsets = [0], sizes = [1], strides = [1]} : vector<16xi32> to vector<1xi32>
      %squeeze3A_708 = vector.extract %slice3A_707[0] : i32 from vector<1xi32>
      %mul3A_709 = arith.constant 64 : i32
      %mul3A_710 = arith.muli %squeeze3A_708, %mul3A_709 : i32
      %add3A_711 = arith.constant 0 : i32
      %add3A_712 = arith.addi %mul3A_710, %add3A_711 : i32
      %get3A_713 = arith.index_cast %add3A_712 : i32 to index
      %get3A_714 = tpu.vector_load %arg4[%get3A_713] {strides = array<i32>} : memref<32768xf32, #tpu.memory_space<vmem>>, vector<16xf32>,
      %min3A_715 = arith.minimumf %while3A_697, %get3A_714 : vector<16xf32>
      %max3A = arith.maximumf %while3A_697, %get3A_714 : vector<16xf32>
      %min3A_716 = arith.minimumf %while3A_698, %max3A : vector<16xf32>
      %max3A_717 = arith.maximumf %while3A_698, %max3A : vector<16xf32>
      %min3A_718 = arith.minimumf %while3A_699, %max3A_717 : vector<16xf32>
      %max3A_719 = arith.maximumf %while3A_699, %max3A_717 : vector<16xf32>
      %min3A_720 = arith.minimumf %while3A_700, %max3A_719 : vector<16xf32>
      %max3A_721 = arith.maximumf %while3A_700, %max3A_719 : vector<16xf32>
      %min3A_722 = arith.minimumf %while3A_701, %max3A_721 : vector<16xf32>
      %max3A_723 = arith.maximumf %while3A_701, %max3A_721 : vector<16xf32>
      %min3A_724 = arith.minimumf %while3A_702, %max3A_723 : vector<16xf32>
      %add3A_725 = arith.constant 16 : i32
      %add3A_726 = arith.addi %mul3A_710, %add3A_725 : i32
      %get3A_727 = arith.index_cast %add3A_726 : i32 to index
      %get3A_728 = tpu.vector_load %arg4[%get3A_727] {strides = array<i32>} : memref<32768xf32, #tpu.memory_space<vmem>>, vector<16xf32>,
      %min3A_729 = arith.minimumf %min3A_715, %get3A_728 : vector<16xf32>
      %max3A_730 = arith.maximumf %min3A_715, %get3A_728 : vector<16xf32>
      %min3A_731 = arith.minimumf %min3A_716, %max3A_730 : vector<16xf32>
      %max3A_732 = arith.maximumf %min3A_716, %max3A_730 : vector<16xf32>
      %min3A_733 = arith.minimumf %min3A_718, %max3A_732 : vector<16xf32>
      %max3A_734 = arith.maximumf %min3A_718, %max3A_732 : vector<16xf32>
      %min3A_735 = arith.minimumf %min3A_720, %max3A_734 : vector<16xf32>
      %max3A_736 = arith.maximumf %min3A_720, %max3A_734 : vector<16xf32>
      %min3A_737 = arith.minimumf %min3A_722, %max3A_736 : vector<16xf32>
      %max3A_738 = arith.maximumf %min3A_722, %max3A_736 : vector<16xf32>
      %min3A_739 = arith.minimumf %min3A_724, %max3A_738 : vector<16xf32>
      %add3A_740 = arith.constant 32 : i32
      %add3A_741 = arith.addi %mul3A_710, %add3A_740 : i32
      %get3A_742 = arith.index_cast %add3A_741 : i32 to index
      %get3A_743 = tpu.vector_load %arg4[%get3A_742] {strides = array<i32>} : memref<32768xf32, #tpu.memory_space<vmem>>, vector<16xf32>,
      %min3A_744 = arith.minimumf %min3A_729, %get3A_743 : vector<16xf32>
      %max3A_745 = arith.maximumf %min3A_729, %get3A_743 : vector<16xf32>
      %min3A_746 = arith.minimumf %min3A_731, %max3A_745 : vector<16xf32>
      %max3A_747 = arith.maximumf %min3A_731, %max3A_745 : vector<16xf32>
      %min3A_748 = arith.minimumf %min3A_733, %max3A_747 : vector<16xf32>
      %max3A_749 = arith.maximumf %min3A_733, %max3A_747 : vector<16xf32>
      %min3A_750 = arith.minimumf %min3A_735, %max3A_749 : vector<16xf32>
      %max3A_751 = arith.maximumf %min3A_735, %max3A_749 : vector<16xf32>
      %min3A_752 = arith.minimumf %min3A_737, %max3A_751 : vector<16xf32>
      %max3A_753 = arith.maximumf %min3A_737, %max3A_751 : vector<16xf32>
      %min3A_754 = arith.minimumf %min3A_739, %max3A_753 : vector<16xf32>
      %add3A_755 = arith.constant 48 : i32
      %add3A_756 = arith.addi %mul3A_710, %add3A_755 : i32
      %get3A_757 = arith.index_cast %add3A_756 : i32 to index
      %get3A_758 = tpu.vector_load %arg4[%get3A_757] {strides = array<i32>} : memref<32768xf32, #tpu.memory_space<vmem>>, vector<16xf32>,
      %min3A_759 = arith.minimumf %min3A_744, %get3A_758 : vector<16xf32>
      %max3A_760 = arith.maximumf %min3A_744, %get3A_758 : vector<16xf32>
      %min3A_761 = arith.minimumf %min3A_746, %max3A_760 : vector<16xf32>
      %max3A_762 = arith.maximumf %min3A_746, %max3A_760 : vector<16xf32>
      %min3A_763 = arith.minimumf %min3A_748, %max3A_762 : vector<16xf32>
      %max3A_764 = arith.maximumf %min3A_748, %max3A_762 : vector<16xf32>
      %min3A_765 = arith.minimumf %min3A_750, %max3A_764 : vector<16xf32>
      %max3A_766 = arith.maximumf %min3A_750, %max3A_764 : vector<16xf32>
      %min3A_767 = arith.minimumf %min3A_752, %max3A_766 : vector<16xf32>
      %max3A_768 = arith.maximumf %min3A_752, %max3A_766 : vector<16xf32>
      %min3A_769 = arith.minimumf %min3A_754, %max3A_768 : vector<16xf32>
      scf.yield %min3A_759, %min3A_761, %min3A_763, %min3A_765, %min3A_767, %min3A_769 : vector<16xf32>, vector<16xf32>, vector<16xf32>, vector<16xf32>, vector<16xf32>, vector<16xf32>
    }
    %while3A_157 = arith.constant 1 : i32
    %while3A_158:6 = scf.for %while3A_696 = %while3A_154 to %while3A_150 step %while3A_157 iter_args(%while3A_697 = %while3A_156#0, %while3A_698 = %while3A_156#1, %while3A_699 = %while3A_156#2, %while3A_700 = %while3A_156#3, %while3A_701 = %while3A_156#4, %while3A_702 = %while3A_156#5) -> (vector<16xf32>, vector<16xf32>, vector<16xf32>, vector<16xf32>, vector<16xf32>, vector<16xf32>)  : i32 {
      %mul3A_703 = arith.constant 16 : i32
      %mul3A_704 = arith.muli %while3A_696, %mul3A_703 : i32
      %get3A_705 = arith.index_cast %mul3A_704 : i32 to index
      %get3A_706 = tpu.vector_load %arg6[%get3A_705] {strides = array<i32>} : memref<8192xi32, #tpu.memory_space<vmem>>, vector<16xi32>,
      %slice3A_707 = vector.extract_strided_slice %get3A_706 {offsets = [0], sizes = [1], strides = [1]} : vector<16xi32> to vector<1xi32>
      %squeeze3A_708 = vector.extract %slice3A_707[0] : i32 from vector<1xi32>
      %mul3A_709 = arith.constant 64 : i32
      %mul3A_710 = arith.muli %squeeze3A_708, %mul3A_709 : i32
      %add3A_711 = arith.constant 0 : i32
      %add3A_712 = arith.addi %mul3A_710, %add3A_711 : i32
      %get3A_713 = arith.index_cast %add3A_712 : i32 to index
      %get3A_714 = tpu.vector_load %arg4[%get3A_713] {strides = array<i32>} : memref<32768xf32, #tpu.memory_space<vmem>>, vector<16xf32>,
      %min3A_715 = arith.minimumf %while3A_697, %get3A_714 : vector<16xf32>
      %max3A = arith.maximumf %while3A_697, %get3A_714 : vector<16xf32>
      %min3A_716 = arith.minimumf %while3A_698, %max3A : vector<16xf32>
      %max3A_717 = arith.maximumf %while3A_698, %max3A : vector<16xf32>
      %min3A_718 = arith.minimumf %while3A_699, %max3A_717 : vector<16xf32>
      %max3A_719 = arith.maximumf %while3A_699, %max3A_717 : vector<16xf32>
      %min3A_720 = arith.minimumf %while3A_700, %max3A_719 : vector<16xf32>
      %max3A_721 = arith.maximumf %while3A_700, %max3A_719 : vector<16xf32>
      %min3A_722 = arith.minimumf %while3A_701, %max3A_721 : vector<16xf32>
      %max3A_723 = arith.maximumf %while3A_701, %max3A_721 : vector<16xf32>
      %min3A_724 = arith.minimumf %while3A_702, %max3A_723 : vector<16xf32>
      %add3A_725 = arith.constant 16 : i32
      %add3A_726 = arith.addi %mul3A_710, %add3A_725 : i32
      %get3A_727 = arith.index_cast %add3A_726 : i32 to index
      %get3A_728 = tpu.vector_load %arg4[%get3A_727] {strides = array<i32>} : memref<32768xf32, #tpu.memory_space<vmem>>, vector<16xf32>,
      %min3A_729 = arith.minimumf %min3A_715, %get3A_728 : vector<16xf32>
      %max3A_730 = arith.maximumf %min3A_715, %get3A_728 : vector<16xf32>
      %min3A_731 = arith.minimumf %min3A_716, %max3A_730 : vector<16xf32>
      %max3A_732 = arith.maximumf %min3A_716, %max3A_730 : vector<16xf32>
      %min3A_733 = arith.minimumf %min3A_718, %max3A_732 : vector<16xf32>
      %max3A_734 = arith.maximumf %min3A_718, %max3A_732 : vector<16xf32>
      %min3A_735 = arith.minimumf %min3A_720, %max3A_734 : vector<16xf32>
      %max3A_736 = arith.maximumf %min3A_720, %max3A_734 : vector<16xf32>
      %min3A_737 = arith.minimumf %min3A_722, %max3A_736 : vector<16xf32>
      %max3A_738 = arith.maximumf %min3A_722, %max3A_736 : vector<16xf32>
      %min3A_739 = arith.minimumf %min3A_724, %max3A_738 : vector<16xf32>
      %add3A_740 = arith.constant 32 : i32
      %add3A_741 = arith.addi %mul3A_710, %add3A_740 : i32
      %get3A_742 = arith.index_cast %add3A_741 : i32 to index
      %get3A_743 = tpu.vector_load %arg4[%get3A_742] {strides = array<i32>} : memref<32768xf32, #tpu.memory_space<vmem>>, vector<16xf32>,
      %min3A_744 = arith.minimumf %min3A_729, %get3A_743 : vector<16xf32>
      %max3A_745 = arith.maximumf %min3A_729, %get3A_743 : vector<16xf32>
      %min3A_746 = arith.minimumf %min3A_731, %max3A_745 : vector<16xf32>
      %max3A_747 = arith.maximumf %min3A_731, %max3A_745 : vector<16xf32>
      %min3A_748 = arith.minimumf %min3A_733, %max3A_747 : vector<16xf32>
      %max3A_749 = arith.maximumf %min3A_733, %max3A_747 : vector<16xf32>
      %min3A_750 = arith.minimumf %min3A_735, %max3A_749 : vector<16xf32>
      %max3A_751 = arith.maximumf %min3A_735, %max3A_749 : vector<16xf32>
      %min3A_752 = arith.minimumf %min3A_737, %max3A_751 : vector<16xf32>
      %max3A_753 = arith.maximumf %min3A_737, %max3A_751 : vector<16xf32>
      %min3A_754 = arith.minimumf %min3A_739, %max3A_753 : vector<16xf32>
      %add3A_755 = arith.constant 48 : i32
      %add3A_756 = arith.addi %mul3A_710, %add3A_755 : i32
      %get3A_757 = arith.index_cast %add3A_756 : i32 to index
      %get3A_758 = tpu.vector_load %arg4[%get3A_757] {strides = array<i32>} : memref<32768xf32, #tpu.memory_space<vmem>>, vector<16xf32>,
      %min3A_759 = arith.minimumf %min3A_744, %get3A_758 : vector<16xf32>
      %max3A_760 = arith.maximumf %min3A_744, %get3A_758 : vector<16xf32>
      %min3A_761 = arith.minimumf %min3A_746, %max3A_760 : vector<16xf32>
      %max3A_762 = arith.maximumf %min3A_746, %max3A_760 : vector<16xf32>
      %min3A_763 = arith.minimumf %min3A_748, %max3A_762 : vector<16xf32>
      %max3A_764 = arith.maximumf %min3A_748, %max3A_762 : vector<16xf32>
      %min3A_765 = arith.minimumf %min3A_750, %max3A_764 : vector<16xf32>
      %max3A_766 = arith.maximumf %min3A_750, %max3A_764 : vector<16xf32>
      %min3A_767 = arith.minimumf %min3A_752, %max3A_766 : vector<16xf32>
      %max3A_768 = arith.maximumf %min3A_752, %max3A_766 : vector<16xf32>
      %min3A_769 = arith.minimumf %min3A_754, %max3A_768 : vector<16xf32>
      scf.yield %min3A_759, %min3A_761, %min3A_763, %min3A_765, %min3A_767, %min3A_769 : vector<16xf32>, vector<16xf32>, vector<16xf32>, vector<16xf32>, vector<16xf32>, vector<16xf32>
    }
    %sort3A_159 = arith.constant dense<true> : vector<16xi1>
    %sort3A_160, %sort3A_161, %sort3A_162 = tpu.sort %while3A_158#0, %while3A_158#0 masked %sort3A_159 : (vector<16xf32>, vector<16xf32>, vector<16xi1>) -> (vector<16xi1>, vector<16xf32>, vector<16xf32>)
    %sort3A_163 = arith.constant dense<true> : vector<16xi1>
    %sort3A_164, %sort3A_165, %sort3A_166 = tpu.sort %while3A_158#1, %while3A_158#1 masked %sort3A_163 : (vector<16xf32>, vector<16xf32>, vector<16xi1>) -> (vector<16xi1>, vector<16xf32>, vector<16xf32>)
    %rev3A = arith.constant 15 : i32
    %rev3A_167 = vector.broadcast %rev3A : i32 to vector<16xi32>
    %rev3A_168 = tpu.iota {dimensions = array<i32: 0>} : vector<16xi32>
    %rev3A_169 = arith.subi %rev3A_167, %rev3A_168 : vector<16xi32>
    %rev3A_170 = tpu.dynamic_gather %sort3A_165[%rev3A_169] in [0] : vector<16xf32>, vector<16xi32> -> vector<16xf32>
    %min3A_171 = arith.minimumf %sort3A_161, %rev3A_170 : vector<16xf32>
    %sort3A_172 = arith.constant dense<true> : vector<16xi1>
    %sort3A_173, %sort3A_174, %sort3A_175 = tpu.sort %min3A_171, %min3A_171 masked %sort3A_172 : (vector<16xf32>, vector<16xf32>, vector<16xi1>) -> (vector<16xi1>, vector<16xf32>, vector<16xf32>)
    %sort3A_176 = arith.constant dense<true> : vector<16xi1>
    %sort3A_177, %sort3A_178, %sort3A_179 = tpu.sort %while3A_158#2, %while3A_158#2 masked %sort3A_176 : (vector<16xf32>, vector<16xf32>, vector<16xi1>) -> (vector<16xi1>, vector<16xf32>, vector<16xf32>)
    %rev3A_180 = arith.constant 15 : i32
    %rev3A_181 = vector.broadcast %rev3A_180 : i32 to vector<16xi32>
    %rev3A_182 = tpu.iota {dimensions = array<i32: 0>} : vector<16xi32>
    %rev3A_183 = arith.subi %rev3A_181, %rev3A_182 : vector<16xi32>
    %rev3A_184 = tpu.dynamic_gather %sort3A_178[%rev3A_183] in [0] : vector<16xf32>, vector<16xi32> -> vector<16xf32>
    %min3A_185 = arith.minimumf %sort3A_174, %rev3A_184 : vector<16xf32>
    %sort3A_186 = arith.constant dense<true> : vector<16xi1>
    %sort3A_187, %sort3A_188, %sort3A_189 = tpu.sort %min3A_185, %min3A_185 masked %sort3A_186 : (vector<16xf32>, vector<16xf32>, vector<16xi1>) -> (vector<16xi1>, vector<16xf32>, vector<16xf32>)
    %sort3A_190 = arith.constant dense<true> : vector<16xi1>
    %sort3A_191, %sort3A_192, %sort3A_193 = tpu.sort %while3A_158#3, %while3A_158#3 masked %sort3A_190 : (vector<16xf32>, vector<16xf32>, vector<16xi1>) -> (vector<16xi1>, vector<16xf32>, vector<16xf32>)
    %rev3A_194 = arith.constant 15 : i32
    %rev3A_195 = vector.broadcast %rev3A_194 : i32 to vector<16xi32>
    %rev3A_196 = tpu.iota {dimensions = array<i32: 0>} : vector<16xi32>
    %rev3A_197 = arith.subi %rev3A_195, %rev3A_196 : vector<16xi32>
    %rev3A_198 = tpu.dynamic_gather %sort3A_192[%rev3A_197] in [0] : vector<16xf32>, vector<16xi32> -> vector<16xf32>
    %min3A_199 = arith.minimumf %sort3A_188, %rev3A_198 : vector<16xf32>
    %sort3A_200 = arith.constant dense<true> : vector<16xi1>
    %sort3A_201, %sort3A_202, %sort3A_203 = tpu.sort %min3A_199, %min3A_199 masked %sort3A_200 : (vector<16xf32>, vector<16xf32>, vector<16xi1>) -> (vector<16xi1>, vector<16xf32>, vector<16xf32>)
    %sort3A_204 = arith.constant dense<true> : vector<16xi1>
    %sort3A_205, %sort3A_206, %sort3A_207 = tpu.sort %while3A_158#4, %while3A_158#4 masked %sort3A_204 : (vector<16xf32>, vector<16xf32>, vector<16xi1>) -> (vector<16xi1>, vector<16xf32>, vector<16xf32>)
    %rev3A_208 = arith.constant 15 : i32
    %rev3A_209 = vector.broadcast %rev3A_208 : i32 to vector<16xi32>
    %rev3A_210 = tpu.iota {dimensions = array<i32: 0>} : vector<16xi32>
    %rev3A_211 = arith.subi %rev3A_209, %rev3A_210 : vector<16xi32>
    %rev3A_212 = tpu.dynamic_gather %sort3A_206[%rev3A_211] in [0] : vector<16xf32>, vector<16xi32> -> vector<16xf32>
    %min3A_213 = arith.minimumf %sort3A_202, %rev3A_212 : vector<16xf32>
    %sort3A_214 = arith.constant dense<true> : vector<16xi1>
    %sort3A_215, %sort3A_216, %sort3A_217 = tpu.sort %min3A_213, %min3A_213 masked %sort3A_214 : (vector<16xf32>, vector<16xf32>, vector<16xi1>) -> (vector<16xi1>, vector<16xf32>, vector<16xf32>)
    %sort3A_218 = arith.constant dense<true> : vector<16xi1>
    %sort3A_219, %sort3A_220, %sort3A_221 = tpu.sort %while3A_158#5, %while3A_158#5 masked %sort3A_218 : (vector<16xf32>, vector<16xf32>, vector<16xi1>) -> (vector<16xi1>, vector<16xf32>, vector<16xf32>)
    %rev3A_222 = arith.constant 15 : i32
    %rev3A_223 = vector.broadcast %rev3A_222 : i32 to vector<16xi32>
    %rev3A_224 = tpu.iota {dimensions = array<i32: 0>} : vector<16xi32>
    %rev3A_225 = arith.subi %rev3A_223, %rev3A_224 : vector<16xi32>
    %rev3A_226 = tpu.dynamic_gather %sort3A_220[%rev3A_225] in [0] : vector<16xf32>, vector<16xi32> -> vector<16xf32>
    %min3A_227 = arith.minimumf %sort3A_216, %rev3A_226 : vector<16xf32>
    %sort3A_228 = arith.constant dense<true> : vector<16xi1>
    %sort3A_229, %sort3A_230, %sort3A_231 = tpu.sort %min3A_227, %min3A_227 masked %sort3A_228 : (vector<16xf32>, vector<16xf32>, vector<16xi1>) -> (vector<16xi1>, vector<16xf32>, vector<16xf32>)
    %swap3A = arith.constant 0 : i32
    %swap3A_232 = arith.index_cast %swap3A : i32 to index
    %swap3A_233 = arith.constant 0 : index
    %swap3A_234 = tpu.vector_load %arg7[%swap3A_232, %swap3A_233] {strides = array<i32>} : memref<4x16xf32, #tpu.memory_space<vmem>>, vector<16xf32>,
    tpu.vector_store %arg7[%swap3A_232, %swap3A_233], %sort3A_230 {strides = array<i32>} : memref<4x16xf32, #tpu.memory_space<vmem>>, vector<16xf32>,
    %dma_wait3A_235 = arith.constant 0 : i32
    %dma_wait3A_236 = tpu.memref_slice %arg2[%add3A_57, %dma_wait3A_235] : memref<128x32768xf32, #tpu.memory_space<hbm>> -> memref<1x32768xf32, #tpu.memory_space<hbm>>
    %dma_wait3A_237 = tpu.memref_squeeze %dma_wait3A_236 : memref<1x32768xf32, #tpu.memory_space<hbm>> -> memref<32768xf32, #tpu.memory_space<hbm>>
    %dma_wait3A_238 = arith.constant 0 : i32
    %dma_wait3A_239 = tpu.memref_slice %arg2[%add3A_57, %dma_wait3A_238] : memref<128x32768xf32, #tpu.memory_space<hbm>> -> memref<1x32768xf32, #tpu.memory_space<hbm>>
    %dma_wait3A_240 = tpu.memref_squeeze %dma_wait3A_239 : memref<1x32768xf32, #tpu.memory_space<hbm>> -> memref<32768xf32, #tpu.memory_space<hbm>>
    tpu.wait_dma2 semaphore(%arg9 : memref<!tpu.dma_semaphore, #tpu.memory_space<semaphore_mem>>) src(%dma_wait3A_240 : memref<32768xf32, #tpu.memory_space<hbm>>) dst(%arg5 : memref<32768xf32, #tpu.memory_space<vmem>>)
    %add3A_241 = arith.constant 1 : i32
    %add3A_242 = arith.addi %mul3A_2, %add3A_241 : i32
    %add3A_243 = arith.constant 1 : i32
    %add3A_244 = arith.addi %add3A_242, %add3A_243 : i32
    %dma_start3A_245 = arith.constant 0 : i32
    %dma_start3A_246 = tpu.memref_slice %arg2[%add3A_244, %dma_start3A_245] : memref<128x32768xf32, #tpu.memory_space<hbm>> -> memref<1x32768xf32, #tpu.memory_space<hbm>>
    %dma_start3A_247 = tpu.memref_squeeze %dma_start3A_246 : memref<1x32768xf32, #tpu.memory_space<hbm>> -> memref<32768xf32, #tpu.memory_space<hbm>>
    %dma_start3A_248 = arith.constant 0 : i32
    %dma_start3A_249 = tpu.memref_slice %arg2[%add3A_244, %dma_start3A_248] : memref<128x32768xf32, #tpu.memory_space<hbm>> -> memref<1x32768xf32, #tpu.memory_space<hbm>>
    %dma_start3A_250 = tpu.memref_squeeze %dma_start3A_249 : memref<1x32768xf32, #tpu.memory_space<hbm>> -> memref<32768xf32, #tpu.memory_space<hbm>>
    tpu.enqueue_dma source(%dma_start3A_250 : memref<32768xf32, #tpu.memory_space<hbm>>) target(%arg4 : memref<32768xf32, #tpu.memory_space<vmem>>) target_semaphore(%arg8 : memref<!tpu.dma_semaphore, #tpu.memory_space<semaphore_mem>>)
    %get3A_251 = arith.constant 0 : index
    %get3A_252 = tpu.vector_load %arg5[%get3A_251] {strides = array<i32>} : memref<32768xf32, #tpu.memory_space<vmem>>, vector<16xf32>,
    %get3A_253 = arith.constant 16 : index
    %get3A_254 = tpu.vector_load %arg5[%get3A_253] {strides = array<i32>} : memref<32768xf32, #tpu.memory_space<vmem>>, vector<16xf32>,
    %min3A_255 = arith.minimumf %get3A_252, %get3A_254 : vector<16xf32>
    %get3A_256 = arith.constant 32 : index
    %get3A_257 = tpu.vector_load %arg5[%get3A_256] {strides = array<i32>} : memref<32768xf32, #tpu.memory_space<vmem>>, vector<16xf32>,
    %get3A_258 = arith.constant 48 : index
    %get3A_259 = tpu.vector_load %arg5[%get3A_258] {strides = array<i32>} : memref<32768xf32, #tpu.memory_space<vmem>>, vector<16xf32>,
    %min3A_260 = arith.minimumf %get3A_257, %get3A_259 : vector<16xf32>
    %min3A_261 = arith.minimumf %min3A_255, %min3A_260 : vector<16xf32>
    %sort3A_262 = arith.constant dense<true> : vector<16xi1>
    %sort3A_263, %sort3A_264, %sort3A_265 = tpu.sort %min3A_261, %min3A_261 masked %sort3A_262 : (vector<16xf32>, vector<16xf32>, vector<16xi1>) -> (vector<16xi1>, vector<16xf32>, vector<16xf32>)
    %broadcast_in_dim3A_266 = vector.shape_cast %broadcast_in_dim3A_3 : vector<16xi32> to vector<16x1xi32>
    %gather3A_267 = vector.shape_cast %broadcast_in_dim3A_266 : vector<16x1xi32> to vector<16xi32>
    %gather3A_268 = tpu.dynamic_gather %sort3A_264[%gather3A_267] in [0] : vector<16xf32>, vector<16xi32> -> vector<16xf32>
    %broadcast_in_dim3A_269 = arith.constant 0 : i32
    %broadcast_in_dim3A_270 = vector.broadcast %broadcast_in_dim3A_269 : i32 to vector<16xi32>
    %scan3A_271 = arith.constant 0 : i32
    %scan3A_272 = arith.constant 128 : i32
    %scan3A_273 = arith.addi %scan3A_271, %scan3A_272 : i32
    %scan3A_274 = arith.constant 1 : i32
    %scan3A_275:7 = scf.for %scan3A_696 = %scan3A_271 to %scan3A_273 step %scan3A_274 iter_args(%scan3A_697 = %broadcast_in_dim3A_5, %scan3A_698 = %broadcast_in_dim3A_5, %scan3A_699 = %broadcast_in_dim3A_5, %scan3A_700 = %broadcast_in_dim3A_5, %scan3A_701 = %gather3A_268, %scan3A_702 = %gather3A_268, %scan3A_703 = %broadcast_in_dim3A_270) -> (vector<16xf32>, vector<16xf32>, vector<16xf32>, vector<16xf32>, vector<16xf32>, vector<16xf32>, vector<16xi32>)  : i32 {
      %min3A_704 = arith.minimumf %scan3A_697, %scan3A_698 : vector<16xf32>
      %min3A_705 = arith.minimumf %scan3A_699, %scan3A_700 : vector<16xf32>
      %min3A_706 = arith.minimumf %min3A_704, %min3A_705 : vector<16xf32>
      %sort3A_707 = arith.constant dense<true> : vector<16xi1>
      %sort3A_708, %sort3A_709, %sort3A_710 = tpu.sort %min3A_706, %min3A_706 masked %sort3A_707 : (vector<16xf32>, vector<16xf32>, vector<16xi1>) -> (vector<16xi1>, vector<16xf32>, vector<16xf32>)
      %broadcast_in_dim3A_711 = vector.shape_cast %broadcast_in_dim3A_3 : vector<16xi32> to vector<16x1xi32>
      %gather3A_712 = vector.shape_cast %broadcast_in_dim3A_711 : vector<16x1xi32> to vector<16xi32>
      %gather3A_713 = tpu.dynamic_gather %sort3A_709[%gather3A_712] in [0] : vector<16xf32>, vector<16xi32> -> vector<16xf32>
      %mul3A_714 = arith.constant 256 : i32
      %mul3A_715 = arith.muli %scan3A_696, %mul3A_714 : i32
      %mul3A_716 = arith.constant 4 : i32
      %mul3A_717 = arith.muli %scan3A_696, %mul3A_716 : i32
      %add3A_718 = arith.constant 0 : i32
      %add3A_719 = arith.addi %mul3A_715, %add3A_718 : i32
      %get3A_720 = arith.index_cast %add3A_719 : i32 to index
      %get3A_721 = tpu.vector_load %arg5[%get3A_720] {strides = array<i32>} : memref<32768xf32, #tpu.memory_space<vmem>>, vector<16xf32>,
      %add3A_722 = arith.constant 16 : i32
      %add3A_723 = arith.addi %mul3A_715, %add3A_722 : i32
      %get3A_724 = arith.index_cast %add3A_723 : i32 to index
      %get3A_725 = tpu.vector_load %arg5[%get3A_724] {strides = array<i32>} : memref<32768xf32, #tpu.memory_space<vmem>>, vector<16xf32>,
      %add3A_726 = arith.constant 32 : i32
      %add3A_727 = arith.addi %mul3A_715, %add3A_726 : i32
      %get3A_728 = arith.index_cast %add3A_727 : i32 to index
      %get3A_729 = tpu.vector_load %arg5[%get3A_728] {strides = array<i32>} : memref<32768xf32, #tpu.memory_space<vmem>>, vector<16xf32>,
      %add3A_730 = arith.constant 48 : i32
      %add3A_731 = arith.addi %mul3A_715, %add3A_730 : i32
      %get3A_732 = arith.index_cast %add3A_731 : i32 to index
      %get3A_733 = tpu.vector_load %arg5[%get3A_732] {strides = array<i32>} : memref<32768xf32, #tpu.memory_space<vmem>>, vector<16xf32>,
      %min3A_734 = arith.minimumf %get3A_721, %get3A_725 : vector<16xf32>
      %min3A_735 = arith.minimumf %get3A_729, %get3A_733 : vector<16xf32>
      %min3A_736 = arith.minimumf %min3A_734, %min3A_735 : vector<16xf32>
      %min3A_737 = arith.minimumf %scan3A_697, %min3A_736 : vector<16xf32>
      %le3A = arith.cmpf ole, %min3A_736, %scan3A_701 : vector<16xf32>
      %all_reduce_population_count3A = tpu.all_reduce %le3A {dim = 0 : i64, kind = #tpu.reduction_kind<sum>} : vector<16xi1> -> vector<16xi32>
      %gt3A = arith.constant 0 : i32
      %gt3A_738 = vector.broadcast %gt3A : i32 to vector<16xi32>
      %gt3A_739 = arith.cmpi sgt, %all_reduce_population_count3A, %gt3A_738 : vector<16xi32>
      %jit3A_740 = arith.constant 16 : i32
      %jit3A_741 = arith.constant 0 : i32
      %broadcast_in_dim3A_742 = vector.broadcast %jit3A_740 : i32 to vector<16xi32>
      %broadcast_in_dim3A_743 = vector.broadcast %jit3A_741 : i32 to vector<16xi32>
      %select_n3A_744 = arith.select %gt3A_739, %broadcast_in_dim3A_742, %broadcast_in_dim3A_743 : vector<16xi1>, vector<16xi32>
      %add3A_745 = arith.constant 64 : i32
      %add3A_746 = arith.addi %mul3A_715, %add3A_745 : i32
      %get3A_747 = arith.index_cast %add3A_746 : i32 to index
      %get3A_748 = tpu.vector_load %arg5[%get3A_747] {strides = array<i32>} : memref<32768xf32, #tpu.memory_space<vmem>>, vector<16xf32>,
      %add3A_749 = arith.constant 80 : i32
      %add3A_750 = arith.addi %mul3A_715, %add3A_749 : i32
      %get3A_751 = arith.index_cast %add3A_750 : i32 to index
      %get3A_752 = tpu.vector_load %arg5[%get3A_751] {strides = array<i32>} : memref<32768xf32, #tpu.memory_space<vmem>>, vector<16xf32>,
      %add3A_753 = arith.constant 96 : i32
      %add3A_754 = arith.addi %mul3A_715, %add3A_753 : i32
      %get3A_755 = arith.index_cast %add3A_754 : i32 to index
      %get3A_756 = tpu.vector_load %arg5[%get3A_755] {strides = array<i32>} : memref<32768xf32, #tpu.memory_space<vmem>>, vector<16xf32>,
      %add3A_757 = arith.constant 112 : i32
      %add3A_758 = arith.addi %mul3A_715, %add3A_757 : i32
      %get3A_759 = arith.index_cast %add3A_758 : i32 to index
      %get3A_760 = tpu.vector_load %arg5[%get3A_759] {strides = array<i32>} : memref<32768xf32, #tpu.memory_space<vmem>>, vector<16xf32>,
      %min3A_761 = arith.minimumf %get3A_748, %get3A_752 : vector<16xf32>
      %min3A_762 = arith.minimumf %get3A_756, %get3A_760 : vector<16xf32>
      %min3A_763 = arith.minimumf %min3A_761, %min3A_762 : vector<16xf32>
      %min3A_764 = arith.minimumf %scan3A_698, %min3A_763 : vector<16xf32>
      %le3A_765 = arith.cmpf ole, %min3A_763, %scan3A_701 : vector<16xf32>
      %all_reduce_population_count3A_766 = tpu.all_reduce %le3A_765 {dim = 0 : i64, kind = #tpu.reduction_kind<sum>} : vector<16xi1> -> vector<16xi32>
      %gt3A_767 = arith.constant 0 : i32
      %gt3A_768 = vector.broadcast %gt3A_767 : i32 to vector<16xi32>
      %gt3A_769 = arith.cmpi sgt, %all_reduce_population_count3A_766, %gt3A_768 : vector<16xi32>
      %jit3A_770 = arith.constant 16 : i32
      %jit3A_771 = arith.constant 0 : i32
      %broadcast_in_dim3A_772 = vector.broadcast %jit3A_770 : i32 to vector<16xi32>
      %broadcast_in_dim3A_773 = vector.broadcast %jit3A_771 : i32 to vector<16xi32>
      %select_n3A_774 = arith.select %gt3A_769, %broadcast_in_dim3A_772, %broadcast_in_dim3A_773 : vector<16xi1>, vector<16xi32>
      %add3A_775 = arith.constant 128 : i32
      %add3A_776 = arith.addi %mul3A_715, %add3A_775 : i32
      %get3A_777 = arith.index_cast %add3A_776 : i32 to index
      %get3A_778 = tpu.vector_load %arg5[%get3A_777] {strides = array<i32>} : memref<32768xf32, #tpu.memory_space<vmem>>, vector<16xf32>,
      %add3A_779 = arith.constant 144 : i32
      %add3A_780 = arith.addi %mul3A_715, %add3A_779 : i32
      %get3A_781 = arith.index_cast %add3A_780 : i32 to index
      %get3A_782 = tpu.vector_load %arg5[%get3A_781] {strides = array<i32>} : memref<32768xf32, #tpu.memory_space<vmem>>, vector<16xf32>,
      %add3A_783 = arith.constant 160 : i32
      %add3A_784 = arith.addi %mul3A_715, %add3A_783 : i32
      %get3A_785 = arith.index_cast %add3A_784 : i32 to index
      %get3A_786 = tpu.vector_load %arg5[%get3A_785] {strides = array<i32>} : memref<32768xf32, #tpu.memory_space<vmem>>, vector<16xf32>,
      %add3A_787 = arith.constant 176 : i32
      %add3A_788 = arith.addi %mul3A_715, %add3A_787 : i32
      %get3A_789 = arith.index_cast %add3A_788 : i32 to index
      %get3A_790 = tpu.vector_load %arg5[%get3A_789] {strides = array<i32>} : memref<32768xf32, #tpu.memory_space<vmem>>, vector<16xf32>,
      %min3A_791 = arith.minimumf %get3A_778, %get3A_782 : vector<16xf32>
      %min3A_792 = arith.minimumf %get3A_786, %get3A_790 : vector<16xf32>
      %min3A_793 = arith.minimumf %min3A_791, %min3A_792 : vector<16xf32>
      %min3A_794 = arith.minimumf %scan3A_699, %min3A_793 : vector<16xf32>
      %le3A_795 = arith.cmpf ole, %min3A_793, %scan3A_701 : vector<16xf32>
      %all_reduce_population_count3A_796 = tpu.all_reduce %le3A_795 {dim = 0 : i64, kind = #tpu.reduction_kind<sum>} : vector<16xi1> -> vector<16xi32>
      %gt3A_797 = arith.constant 0 : i32
      %gt3A_798 = vector.broadcast %gt3A_797 : i32 to vector<16xi32>
      %gt3A_799 = arith.cmpi sgt, %all_reduce_population_count3A_796, %gt3A_798 : vector<16xi32>
      %jit3A_800 = arith.constant 16 : i32
      %jit3A_801 = arith.constant 0 : i32
      %broadcast_in_dim3A_802 = vector.broadcast %jit3A_800 : i32 to vector<16xi32>
      %broadcast_in_dim3A_803 = vector.broadcast %jit3A_801 : i32 to vector<16xi32>
      %select_n3A_804 = arith.select %gt3A_799, %broadcast_in_dim3A_802, %broadcast_in_dim3A_803 : vector<16xi1>, vector<16xi32>
      %add3A_805 = arith.constant 192 : i32
      %add3A_806 = arith.addi %mul3A_715, %add3A_805 : i32
      %get3A_807 = arith.index_cast %add3A_806 : i32 to index
      %get3A_808 = tpu.vector_load %arg5[%get3A_807] {strides = array<i32>} : memref<32768xf32, #tpu.memory_space<vmem>>, vector<16xf32>,
      %add3A_809 = arith.constant 208 : i32
      %add3A_810 = arith.addi %mul3A_715, %add3A_809 : i32
      %get3A_811 = arith.index_cast %add3A_810 : i32 to index
      %get3A_812 = tpu.vector_load %arg5[%get3A_811] {strides = array<i32>} : memref<32768xf32, #tpu.memory_space<vmem>>, vector<16xf32>,
      %add3A_813 = arith.constant 224 : i32
      %add3A_814 = arith.addi %mul3A_715, %add3A_813 : i32
      %get3A_815 = arith.index_cast %add3A_814 : i32 to index
      %get3A_816 = tpu.vector_load %arg5[%get3A_815] {strides = array<i32>} : memref<32768xf32, #tpu.memory_space<vmem>>, vector<16xf32>,
      %add3A_817 = arith.constant 240 : i32
      %add3A_818 = arith.addi %mul3A_715, %add3A_817 : i32
      %get3A_819 = arith.index_cast %add3A_818 : i32 to index
      %get3A_820 = tpu.vector_load %arg5[%get3A_819] {strides = array<i32>} : memref<32768xf32, #tpu.memory_space<vmem>>, vector<16xf32>,
      %min3A_821 = arith.minimumf %get3A_808, %get3A_812 : vector<16xf32>
      %min3A_822 = arith.minimumf %get3A_816, %get3A_820 : vector<16xf32>
      %min3A_823 = arith.minimumf %min3A_821, %min3A_822 : vector<16xf32>
      %min3A_824 = arith.minimumf %scan3A_700, %min3A_823 : vector<16xf32>
      %le3A_825 = arith.cmpf ole, %min3A_823, %scan3A_701 : vector<16xf32>
      %all_reduce_population_count3A_826 = tpu.all_reduce %le3A_825 {dim = 0 : i64, kind = #tpu.reduction_kind<sum>} : vector<16xi1> -> vector<16xi32>
      %gt3A_827 = arith.constant 0 : i32
      %gt3A_828 = vector.broadcast %gt3A_827 : i32 to vector<16xi32>
      %gt3A_829 = arith.cmpi sgt, %all_reduce_population_count3A_826, %gt3A_828 : vector<16xi32>
      %jit3A_830 = arith.constant 16 : i32
      %jit3A_831 = arith.constant 0 : i32
      %broadcast_in_dim3A_832 = vector.broadcast %jit3A_830 : i32 to vector<16xi32>
      %broadcast_in_dim3A_833 = vector.broadcast %jit3A_831 : i32 to vector<16xi32>
      %select_n3A_834 = arith.select %gt3A_829, %broadcast_in_dim3A_832, %broadcast_in_dim3A_833 : vector<16xi1>, vector<16xi32>
      %add3A_835 = arith.addi %scan3A_703, %select_n3A_744 : vector<16xi32>
      %add3A_836 = arith.addi %add3A_835, %select_n3A_774 : vector<16xi32>
      %add3A_837 = arith.addi %add3A_836, %select_n3A_804 : vector<16xi32>
      %add3A_838 = arith.addi %add3A_837, %select_n3A_834 : vector<16xi32>
      %add3A_839 = arith.addi %scan3A_703, %iota3A : vector<16xi32>
      %add3A_840 = arith.constant 0 : i32
      %add3A_841 = arith.addi %mul3A_717, %add3A_840 : i32
      %broadcast_in_dim3A_842 = vector.broadcast %add3A_841 : i32 to vector<16xi32>
      tpu.vector_store_idx %arg6[%add3A_839], %broadcast_in_dim3A_842 : memref<8192xi32, #tpu.memory_space<vmem>>[vector<16xi32>], vector<16xi32>,
      %add3A_843 = arith.addi %add3A_835, %iota3A : vector<16xi32>
      %add3A_844 = arith.constant 1 : i32
      %add3A_845 = arith.addi %mul3A_717, %add3A_844 : i32
      %broadcast_in_dim3A_846 = vector.broadcast %add3A_845 : i32 to vector<16xi32>
      tpu.vector_store_idx %arg6[%add3A_843], %broadcast_in_dim3A_846 : memref<8192xi32, #tpu.memory_space<vmem>>[vector<16xi32>], vector<16xi32>,
      %add3A_847 = arith.addi %add3A_836, %iota3A : vector<16xi32>
      %add3A_848 = arith.constant 2 : i32
      %add3A_849 = arith.addi %mul3A_717, %add3A_848 : i32
      %broadcast_in_dim3A_850 = vector.broadcast %add3A_849 : i32 to vector<16xi32>
      tpu.vector_store_idx %arg6[%add3A_847], %broadcast_in_dim3A_850 : memref<8192xi32, #tpu.memory_space<vmem>>[vector<16xi32>], vector<16xi32>,
      %add3A_851 = arith.addi %add3A_837, %iota3A : vector<16xi32>
      %add3A_852 = arith.constant 3 : i32
      %add3A_853 = arith.addi %mul3A_717, %add3A_852 : i32
      %broadcast_in_dim3A_854 = vector.broadcast %add3A_853 : i32 to vector<16xi32>
      tpu.vector_store_idx %arg6[%add3A_851], %broadcast_in_dim3A_854 : memref<8192xi32, #tpu.memory_space<vmem>>[vector<16xi32>], vector<16xi32>,
      scf.yield %min3A_737, %min3A_764, %min3A_794, %min3A_824, %scan3A_702, %gather3A_713, %add3A_838 : vector<16xf32>, vector<16xf32>, vector<16xf32>, vector<16xf32>, vector<16xf32>, vector<16xf32>, vector<16xi32>
    }
    %scan3A_276 = arith.constant 128 : i32
    %slice3A_277 = vector.extract_strided_slice %scan3A_275#6 {offsets = [0], sizes = [1], strides = [1]} : vector<16xi32> to vector<1xi32>
    %squeeze3A_278 = vector.extract %slice3A_277[0] : i32 from vector<1xi32>
    %jit3A_279 = arith.constant 16 : i32
    %div3A_280 = arith.divsi %squeeze3A_278, %jit3A_279 : i32
    %sign3A_281 = arith.constant 0 : i32
    %sign3A_282 = arith.cmpi sgt, %squeeze3A_278, %sign3A_281 : i32
    %sign3A_283 = arith.extui %sign3A_282 : i1 to i32
    %sign3A_284 = arith.constant 0 : i32
    %sign3A_285 = arith.cmpi slt, %squeeze3A_278, %sign3A_284 : i32
    %sign3A_286 = arith.extui %sign3A_285 : i1 to i32
    %sign3A_287 = arith.subi %sign3A_283, %sign3A_286 : i32
    %sign3A_288 = arith.constant 0 : i32
    %sign3A_289 = arith.cmpi sgt, %jit3A_279, %sign3A_288 : i32
    %sign3A_290 = arith.extui %sign3A_289 : i1 to i32
    %sign3A_291 = arith.constant 0 : i32
    %sign3A_292 = arith.cmpi slt, %jit3A_279, %sign3A_291 : i32
    %sign3A_293 = arith.extui %sign3A_292 : i1 to i32
    %sign3A_294 = arith.subi %sign3A_290, %sign3A_293 : i32
    %ne3A_295 = arith.cmpi ne, %sign3A_287, %sign3A_294 : i32
    %rem3A_296 = arith.remsi %squeeze3A_278, %jit3A_279 : i32
    %ne3A_297 = arith.constant 0 : i32
    %ne3A_298 = arith.cmpi ne, %rem3A_296, %ne3A_297 : i32
    %and3A_299 = arith.andi %ne3A_295, %ne3A_298 : i1
    %sub3A_300 = arith.constant 1 : i32
    %sub3A_301 = arith.subi %div3A_280, %sub3A_300 : i32
    %select_n3A_302 = arith.select %and3A_299, %sub3A_301, %div3A_280 : i32
    %while3A_303 = arith.constant 0 : i32
    %while3A_304 = arith.subi %select_n3A_302, %while3A_303 : i32
    %while3A_305 = arith.addi %while3A_303, %while3A_304 : i32
    %while3A_306 = arith.constant 1 : i32
    %while3A_307 = arith.divsi %while3A_304, %while3A_306 : i32
    %while3A_308 = arith.muli %while3A_307, %while3A_306 : i32
    %while3A_309 = arith.addi %while3A_303, %while3A_308 : i32
    %while3A_310 = arith.constant 1 : i32
    %while3A_311:6 = scf.for %while3A_696 = %while3A_303 to %while3A_309 step %while3A_310 iter_args(%while3A_697 = %broadcast_in_dim3A_5, %while3A_698 = %broadcast_in_dim3A_5, %while3A_699 = %broadcast_in_dim3A_5, %while3A_700 = %broadcast_in_dim3A_5, %while3A_701 = %broadcast_in_dim3A_5, %while3A_702 = %broadcast_in_dim3A_5) -> (vector<16xf32>, vector<16xf32>, vector<16xf32>, vector<16xf32>, vector<16xf32>, vector<16xf32>)  : i32 {
      %mul3A_703 = arith.constant 16 : i32
      %mul3A_704 = arith.muli %while3A_696, %mul3A_703 : i32
      %get3A_705 = arith.index_cast %mul3A_704 : i32 to index
      %get3A_706 = tpu.vector_load %arg6[%get3A_705] {strides = array<i32>} : memref<8192xi32, #tpu.memory_space<vmem>>, vector<16xi32>,
      %slice3A_707 = vector.extract_strided_slice %get3A_706 {offsets = [0], sizes = [1], strides = [1]} : vector<16xi32> to vector<1xi32>
      %squeeze3A_708 = vector.extract %slice3A_707[0] : i32 from vector<1xi32>
      %mul3A_709 = arith.constant 64 : i32
      %mul3A_710 = arith.muli %squeeze3A_708, %mul3A_709 : i32
      %add3A_711 = arith.constant 0 : i32
      %add3A_712 = arith.addi %mul3A_710, %add3A_711 : i32
      %get3A_713 = arith.index_cast %add3A_712 : i32 to index
      %get3A_714 = tpu.vector_load %arg5[%get3A_713] {strides = array<i32>} : memref<32768xf32, #tpu.memory_space<vmem>>, vector<16xf32>,
      %min3A_715 = arith.minimumf %while3A_697, %get3A_714 : vector<16xf32>
      %max3A = arith.maximumf %while3A_697, %get3A_714 : vector<16xf32>
      %min3A_716 = arith.minimumf %while3A_698, %max3A : vector<16xf32>
      %max3A_717 = arith.maximumf %while3A_698, %max3A : vector<16xf32>
      %min3A_718 = arith.minimumf %while3A_699, %max3A_717 : vector<16xf32>
      %max3A_719 = arith.maximumf %while3A_699, %max3A_717 : vector<16xf32>
      %min3A_720 = arith.minimumf %while3A_700, %max3A_719 : vector<16xf32>
      %max3A_721 = arith.maximumf %while3A_700, %max3A_719 : vector<16xf32>
      %min3A_722 = arith.minimumf %while3A_701, %max3A_721 : vector<16xf32>
      %max3A_723 = arith.maximumf %while3A_701, %max3A_721 : vector<16xf32>
      %min3A_724 = arith.minimumf %while3A_702, %max3A_723 : vector<16xf32>
      %add3A_725 = arith.constant 16 : i32
      %add3A_726 = arith.addi %mul3A_710, %add3A_725 : i32
      %get3A_727 = arith.index_cast %add3A_726 : i32 to index
      %get3A_728 = tpu.vector_load %arg5[%get3A_727] {strides = array<i32>} : memref<32768xf32, #tpu.memory_space<vmem>>, vector<16xf32>,
      %min3A_729 = arith.minimumf %min3A_715, %get3A_728 : vector<16xf32>
      %max3A_730 = arith.maximumf %min3A_715, %get3A_728 : vector<16xf32>
      %min3A_731 = arith.minimumf %min3A_716, %max3A_730 : vector<16xf32>
      %max3A_732 = arith.maximumf %min3A_716, %max3A_730 : vector<16xf32>
      %min3A_733 = arith.minimumf %min3A_718, %max3A_732 : vector<16xf32>
      %max3A_734 = arith.maximumf %min3A_718, %max3A_732 : vector<16xf32>
      %min3A_735 = arith.minimumf %min3A_720, %max3A_734 : vector<16xf32>
      %max3A_736 = arith.maximumf %min3A_720, %max3A_734 : vector<16xf32>
      %min3A_737 = arith.minimumf %min3A_722, %max3A_736 : vector<16xf32>
      %max3A_738 = arith.maximumf %min3A_722, %max3A_736 : vector<16xf32>
      %min3A_739 = arith.minimumf %min3A_724, %max3A_738 : vector<16xf32>
      %add3A_740 = arith.constant 32 : i32
      %add3A_741 = arith.addi %mul3A_710, %add3A_740 : i32
      %get3A_742 = arith.index_cast %add3A_741 : i32 to index
      %get3A_743 = tpu.vector_load %arg5[%get3A_742] {strides = array<i32>} : memref<32768xf32, #tpu.memory_space<vmem>>, vector<16xf32>,
      %min3A_744 = arith.minimumf %min3A_729, %get3A_743 : vector<16xf32>
      %max3A_745 = arith.maximumf %min3A_729, %get3A_743 : vector<16xf32>
      %min3A_746 = arith.minimumf %min3A_731, %max3A_745 : vector<16xf32>
      %max3A_747 = arith.maximumf %min3A_731, %max3A_745 : vector<16xf32>
      %min3A_748 = arith.minimumf %min3A_733, %max3A_747 : vector<16xf32>
      %max3A_749 = arith.maximumf %min3A_733, %max3A_747 : vector<16xf32>
      %min3A_750 = arith.minimumf %min3A_735, %max3A_749 : vector<16xf32>
      %max3A_751 = arith.maximumf %min3A_735, %max3A_749 : vector<16xf32>
      %min3A_752 = arith.minimumf %min3A_737, %max3A_751 : vector<16xf32>
      %max3A_753 = arith.maximumf %min3A_737, %max3A_751 : vector<16xf32>
      %min3A_754 = arith.minimumf %min3A_739, %max3A_753 : vector<16xf32>
      %add3A_755 = arith.constant 48 : i32
      %add3A_756 = arith.addi %mul3A_710, %add3A_755 : i32
      %get3A_757 = arith.index_cast %add3A_756 : i32 to index
      %get3A_758 = tpu.vector_load %arg5[%get3A_757] {strides = array<i32>} : memref<32768xf32, #tpu.memory_space<vmem>>, vector<16xf32>,
      %min3A_759 = arith.minimumf %min3A_744, %get3A_758 : vector<16xf32>
      %max3A_760 = arith.maximumf %min3A_744, %get3A_758 : vector<16xf32>
      %min3A_761 = arith.minimumf %min3A_746, %max3A_760 : vector<16xf32>
      %max3A_762 = arith.maximumf %min3A_746, %max3A_760 : vector<16xf32>
      %min3A_763 = arith.minimumf %min3A_748, %max3A_762 : vector<16xf32>
      %max3A_764 = arith.maximumf %min3A_748, %max3A_762 : vector<16xf32>
      %min3A_765 = arith.minimumf %min3A_750, %max3A_764 : vector<16xf32>
      %max3A_766 = arith.maximumf %min3A_750, %max3A_764 : vector<16xf32>
      %min3A_767 = arith.minimumf %min3A_752, %max3A_766 : vector<16xf32>
      %max3A_768 = arith.maximumf %min3A_752, %max3A_766 : vector<16xf32>
      %min3A_769 = arith.minimumf %min3A_754, %max3A_768 : vector<16xf32>
      scf.yield %min3A_759, %min3A_761, %min3A_763, %min3A_765, %min3A_767, %min3A_769 : vector<16xf32>, vector<16xf32>, vector<16xf32>, vector<16xf32>, vector<16xf32>, vector<16xf32>
    }
    %while3A_312 = arith.constant 1 : i32
    %while3A_313:6 = scf.for %while3A_696 = %while3A_309 to %while3A_305 step %while3A_312 iter_args(%while3A_697 = %while3A_311#0, %while3A_698 = %while3A_311#1, %while3A_699 = %while3A_311#2, %while3A_700 = %while3A_311#3, %while3A_701 = %while3A_311#4, %while3A_702 = %while3A_311#5) -> (vector<16xf32>, vector<16xf32>, vector<16xf32>, vector<16xf32>, vector<16xf32>, vector<16xf32>)  : i32 {
      %mul3A_703 = arith.constant 16 : i32
      %mul3A_704 = arith.muli %while3A_696, %mul3A_703 : i32
      %get3A_705 = arith.index_cast %mul3A_704 : i32 to index
      %get3A_706 = tpu.vector_load %arg6[%get3A_705] {strides = array<i32>} : memref<8192xi32, #tpu.memory_space<vmem>>, vector<16xi32>,
      %slice3A_707 = vector.extract_strided_slice %get3A_706 {offsets = [0], sizes = [1], strides = [1]} : vector<16xi32> to vector<1xi32>
      %squeeze3A_708 = vector.extract %slice3A_707[0] : i32 from vector<1xi32>
      %mul3A_709 = arith.constant 64 : i32
      %mul3A_710 = arith.muli %squeeze3A_708, %mul3A_709 : i32
      %add3A_711 = arith.constant 0 : i32
      %add3A_712 = arith.addi %mul3A_710, %add3A_711 : i32
      %get3A_713 = arith.index_cast %add3A_712 : i32 to index
      %get3A_714 = tpu.vector_load %arg5[%get3A_713] {strides = array<i32>} : memref<32768xf32, #tpu.memory_space<vmem>>, vector<16xf32>,
      %min3A_715 = arith.minimumf %while3A_697, %get3A_714 : vector<16xf32>
      %max3A = arith.maximumf %while3A_697, %get3A_714 : vector<16xf32>
      %min3A_716 = arith.minimumf %while3A_698, %max3A : vector<16xf32>
      %max3A_717 = arith.maximumf %while3A_698, %max3A : vector<16xf32>
      %min3A_718 = arith.minimumf %while3A_699, %max3A_717 : vector<16xf32>
      %max3A_719 = arith.maximumf %while3A_699, %max3A_717 : vector<16xf32>
      %min3A_720 = arith.minimumf %while3A_700, %max3A_719 : vector<16xf32>
      %max3A_721 = arith.maximumf %while3A_700, %max3A_719 : vector<16xf32>
      %min3A_722 = arith.minimumf %while3A_701, %max3A_721 : vector<16xf32>
      %max3A_723 = arith.maximumf %while3A_701, %max3A_721 : vector<16xf32>
      %min3A_724 = arith.minimumf %while3A_702, %max3A_723 : vector<16xf32>
      %add3A_725 = arith.constant 16 : i32
      %add3A_726 = arith.addi %mul3A_710, %add3A_725 : i32
      %get3A_727 = arith.index_cast %add3A_726 : i32 to index
      %get3A_728 = tpu.vector_load %arg5[%get3A_727] {strides = array<i32>} : memref<32768xf32, #tpu.memory_space<vmem>>, vector<16xf32>,
      %min3A_729 = arith.minimumf %min3A_715, %get3A_728 : vector<16xf32>
      %max3A_730 = arith.maximumf %min3A_715, %get3A_728 : vector<16xf32>
      %min3A_731 = arith.minimumf %min3A_716, %max3A_730 : vector<16xf32>
      %max3A_732 = arith.maximumf %min3A_716, %max3A_730 : vector<16xf32>
      %min3A_733 = arith.minimumf %min3A_718, %max3A_732 : vector<16xf32>
      %max3A_734 = arith.maximumf %min3A_718, %max3A_732 : vector<16xf32>
      %min3A_735 = arith.minimumf %min3A_720, %max3A_734 : vector<16xf32>
      %max3A_736 = arith.maximumf %min3A_720, %max3A_734 : vector<16xf32>
      %min3A_737 = arith.minimumf %min3A_722, %max3A_736 : vector<16xf32>
      %max3A_738 = arith.maximumf %min3A_722, %max3A_736 : vector<16xf32>
      %min3A_739 = arith.minimumf %min3A_724, %max3A_738 : vector<16xf32>
      %add3A_740 = arith.constant 32 : i32
      %add3A_741 = arith.addi %mul3A_710, %add3A_740 : i32
      %get3A_742 = arith.index_cast %add3A_741 : i32 to index
      %get3A_743 = tpu.vector_load %arg5[%get3A_742] {strides = array<i32>} : memref<32768xf32, #tpu.memory_space<vmem>>, vector<16xf32>,
      %min3A_744 = arith.minimumf %min3A_729, %get3A_743 : vector<16xf32>
      %max3A_745 = arith.maximumf %min3A_729, %get3A_743 : vector<16xf32>
      %min3A_746 = arith.minimumf %min3A_731, %max3A_745 : vector<16xf32>
      %max3A_747 = arith.maximumf %min3A_731, %max3A_745 : vector<16xf32>
      %min3A_748 = arith.minimumf %min3A_733, %max3A_747 : vector<16xf32>
      %max3A_749 = arith.maximumf %min3A_733, %max3A_747 : vector<16xf32>
      %min3A_750 = arith.minimumf %min3A_735, %max3A_749 : vector<16xf32>
      %max3A_751 = arith.maximumf %min3A_735, %max3A_749 : vector<16xf32>
      %min3A_752 = arith.minimumf %min3A_737, %max3A_751 : vector<16xf32>
      %max3A_753 = arith.maximumf %min3A_737, %max3A_751 : vector<16xf32>
      %min3A_754 = arith.minimumf %min3A_739, %max3A_753 : vector<16xf32>
      %add3A_755 = arith.constant 48 : i32
      %add3A_756 = arith.addi %mul3A_710, %add3A_755 : i32
      %get3A_757 = arith.index_cast %add3A_756 : i32 to index
      %get3A_758 = tpu.vector_load %arg5[%get3A_757] {strides = array<i32>} : memref<32768xf32, #tpu.memory_space<vmem>>, vector<16xf32>,
      %min3A_759 = arith.minimumf %min3A_744, %get3A_758 : vector<16xf32>
      %max3A_760 = arith.maximumf %min3A_744, %get3A_758 : vector<16xf32>
      %min3A_761 = arith.minimumf %min3A_746, %max3A_760 : vector<16xf32>
      %max3A_762 = arith.maximumf %min3A_746, %max3A_760 : vector<16xf32>
      %min3A_763 = arith.minimumf %min3A_748, %max3A_762 : vector<16xf32>
      %max3A_764 = arith.maximumf %min3A_748, %max3A_762 : vector<16xf32>
      %min3A_765 = arith.minimumf %min3A_750, %max3A_764 : vector<16xf32>
      %max3A_766 = arith.maximumf %min3A_750, %max3A_764 : vector<16xf32>
      %min3A_767 = arith.minimumf %min3A_752, %max3A_766 : vector<16xf32>
      %max3A_768 = arith.maximumf %min3A_752, %max3A_766 : vector<16xf32>
      %min3A_769 = arith.minimumf %min3A_754, %max3A_768 : vector<16xf32>
      scf.yield %min3A_759, %min3A_761, %min3A_763, %min3A_765, %min3A_767, %min3A_769 : vector<16xf32>, vector<16xf32>, vector<16xf32>, vector<16xf32>, vector<16xf32>, vector<16xf32>
    }
    %sort3A_314 = arith.constant dense<true> : vector<16xi1>
    %sort3A_315, %sort3A_316, %sort3A_317 = tpu.sort %while3A_313#0, %while3A_313#0 masked %sort3A_314 : (vector<16xf32>, vector<16xf32>, vector<16xi1>) -> (vector<16xi1>, vector<16xf32>, vector<16xf32>)
    %sort3A_318 = arith.constant dense<true> : vector<16xi1>
    %sort3A_319, %sort3A_320, %sort3A_321 = tpu.sort %while3A_313#1, %while3A_313#1 masked %sort3A_318 : (vector<16xf32>, vector<16xf32>, vector<16xi1>) -> (vector<16xi1>, vector<16xf32>, vector<16xf32>)
    %rev3A_322 = arith.constant 15 : i32
    %rev3A_323 = vector.broadcast %rev3A_322 : i32 to vector<16xi32>
    %rev3A_324 = tpu.iota {dimensions = array<i32: 0>} : vector<16xi32>
    %rev3A_325 = arith.subi %rev3A_323, %rev3A_324 : vector<16xi32>
    %rev3A_326 = tpu.dynamic_gather %sort3A_320[%rev3A_325] in [0] : vector<16xf32>, vector<16xi32> -> vector<16xf32>
    %min3A_327 = arith.minimumf %sort3A_316, %rev3A_326 : vector<16xf32>
    %sort3A_328 = arith.constant dense<true> : vector<16xi1>
    %sort3A_329, %sort3A_330, %sort3A_331 = tpu.sort %min3A_327, %min3A_327 masked %sort3A_328 : (vector<16xf32>, vector<16xf32>, vector<16xi1>) -> (vector<16xi1>, vector<16xf32>, vector<16xf32>)
    %sort3A_332 = arith.constant dense<true> : vector<16xi1>
    %sort3A_333, %sort3A_334, %sort3A_335 = tpu.sort %while3A_313#2, %while3A_313#2 masked %sort3A_332 : (vector<16xf32>, vector<16xf32>, vector<16xi1>) -> (vector<16xi1>, vector<16xf32>, vector<16xf32>)
    %rev3A_336 = arith.constant 15 : i32
    %rev3A_337 = vector.broadcast %rev3A_336 : i32 to vector<16xi32>
    %rev3A_338 = tpu.iota {dimensions = array<i32: 0>} : vector<16xi32>
    %rev3A_339 = arith.subi %rev3A_337, %rev3A_338 : vector<16xi32>
    %rev3A_340 = tpu.dynamic_gather %sort3A_334[%rev3A_339] in [0] : vector<16xf32>, vector<16xi32> -> vector<16xf32>
    %min3A_341 = arith.minimumf %sort3A_330, %rev3A_340 : vector<16xf32>
    %sort3A_342 = arith.constant dense<true> : vector<16xi1>
    %sort3A_343, %sort3A_344, %sort3A_345 = tpu.sort %min3A_341, %min3A_341 masked %sort3A_342 : (vector<16xf32>, vector<16xf32>, vector<16xi1>) -> (vector<16xi1>, vector<16xf32>, vector<16xf32>)
    %sort3A_346 = arith.constant dense<true> : vector<16xi1>
    %sort3A_347, %sort3A_348, %sort3A_349 = tpu.sort %while3A_313#3, %while3A_313#3 masked %sort3A_346 : (vector<16xf32>, vector<16xf32>, vector<16xi1>) -> (vector<16xi1>, vector<16xf32>, vector<16xf32>)
    %rev3A_350 = arith.constant 15 : i32
    %rev3A_351 = vector.broadcast %rev3A_350 : i32 to vector<16xi32>
    %rev3A_352 = tpu.iota {dimensions = array<i32: 0>} : vector<16xi32>
    %rev3A_353 = arith.subi %rev3A_351, %rev3A_352 : vector<16xi32>
    %rev3A_354 = tpu.dynamic_gather %sort3A_348[%rev3A_353] in [0] : vector<16xf32>, vector<16xi32> -> vector<16xf32>
    %min3A_355 = arith.minimumf %sort3A_344, %rev3A_354 : vector<16xf32>
    %sort3A_356 = arith.constant dense<true> : vector<16xi1>
    %sort3A_357, %sort3A_358, %sort3A_359 = tpu.sort %min3A_355, %min3A_355 masked %sort3A_356 : (vector<16xf32>, vector<16xf32>, vector<16xi1>) -> (vector<16xi1>, vector<16xf32>, vector<16xf32>)
    %sort3A_360 = arith.constant dense<true> : vector<16xi1>
    %sort3A_361, %sort3A_362, %sort3A_363 = tpu.sort %while3A_313#4, %while3A_313#4 masked %sort3A_360 : (vector<16xf32>, vector<16xf32>, vector<16xi1>) -> (vector<16xi1>, vector<16xf32>, vector<16xf32>)
    %rev3A_364 = arith.constant 15 : i32
    %rev3A_365 = vector.broadcast %rev3A_364 : i32 to vector<16xi32>
    %rev3A_366 = tpu.iota {dimensions = array<i32: 0>} : vector<16xi32>
    %rev3A_367 = arith.subi %rev3A_365, %rev3A_366 : vector<16xi32>
    %rev3A_368 = tpu.dynamic_gather %sort3A_362[%rev3A_367] in [0] : vector<16xf32>, vector<16xi32> -> vector<16xf32>
    %min3A_369 = arith.minimumf %sort3A_358, %rev3A_368 : vector<16xf32>
    %sort3A_370 = arith.constant dense<true> : vector<16xi1>
    %sort3A_371, %sort3A_372, %sort3A_373 = tpu.sort %min3A_369, %min3A_369 masked %sort3A_370 : (vector<16xf32>, vector<16xf32>, vector<16xi1>) -> (vector<16xi1>, vector<16xf32>, vector<16xf32>)
    %sort3A_374 = arith.constant dense<true> : vector<16xi1>
    %sort3A_375, %sort3A_376, %sort3A_377 = tpu.sort %while3A_313#5, %while3A_313#5 masked %sort3A_374 : (vector<16xf32>, vector<16xf32>, vector<16xi1>) -> (vector<16xi1>, vector<16xf32>, vector<16xf32>)
    %rev3A_378 = arith.constant 15 : i32
    %rev3A_379 = vector.broadcast %rev3A_378 : i32 to vector<16xi32>
    %rev3A_380 = tpu.iota {dimensions = array<i32: 0>} : vector<16xi32>
    %rev3A_381 = arith.subi %rev3A_379, %rev3A_380 : vector<16xi32>
    %rev3A_382 = tpu.dynamic_gather %sort3A_376[%rev3A_381] in [0] : vector<16xf32>, vector<16xi32> -> vector<16xf32>
    %min3A_383 = arith.minimumf %sort3A_372, %rev3A_382 : vector<16xf32>
    %sort3A_384 = arith.constant dense<true> : vector<16xi1>
    %sort3A_385, %sort3A_386, %sort3A_387 = tpu.sort %min3A_383, %min3A_383 masked %sort3A_384 : (vector<16xf32>, vector<16xf32>, vector<16xi1>) -> (vector<16xi1>, vector<16xf32>, vector<16xf32>)
    %swap3A_388 = arith.constant 1 : i32
    %swap3A_389 = arith.index_cast %swap3A_388 : i32 to index
    %swap3A_390 = arith.constant 0 : index
    %swap3A_391 = tpu.vector_load %arg7[%swap3A_389, %swap3A_390] {strides = array<i32>} : memref<4x16xf32, #tpu.memory_space<vmem>>, vector<16xf32>,
    tpu.vector_store %arg7[%swap3A_389, %swap3A_390], %sort3A_386 {strides = array<i32>} : memref<4x16xf32, #tpu.memory_space<vmem>>, vector<16xf32>,
    %dma_wait3A_392 = arith.constant 0 : i32
    %dma_wait3A_393 = tpu.memref_slice %arg2[%add3A_244, %dma_wait3A_392] : memref<128x32768xf32, #tpu.memory_space<hbm>> -> memref<1x32768xf32, #tpu.memory_space<hbm>>
    %dma_wait3A_394 = tpu.memref_squeeze %dma_wait3A_393 : memref<1x32768xf32, #tpu.memory_space<hbm>> -> memref<32768xf32, #tpu.memory_space<hbm>>
    %dma_wait3A_395 = arith.constant 0 : i32
    %dma_wait3A_396 = tpu.memref_slice %arg2[%add3A_244, %dma_wait3A_395] : memref<128x32768xf32, #tpu.memory_space<hbm>> -> memref<1x32768xf32, #tpu.memory_space<hbm>>
    %dma_wait3A_397 = tpu.memref_squeeze %dma_wait3A_396 : memref<1x32768xf32, #tpu.memory_space<hbm>> -> memref<32768xf32, #tpu.memory_space<hbm>>
    tpu.wait_dma2 semaphore(%arg8 : memref<!tpu.dma_semaphore, #tpu.memory_space<semaphore_mem>>) src(%dma_wait3A_397 : memref<32768xf32, #tpu.memory_space<hbm>>) dst(%arg4 : memref<32768xf32, #tpu.memory_space<vmem>>)
    %add3A_398 = arith.constant 2 : i32
    %add3A_399 = arith.addi %mul3A_2, %add3A_398 : i32
    %add3A_400 = arith.constant 1 : i32
    %add3A_401 = arith.addi %add3A_399, %add3A_400 : i32
    %dma_start3A_402 = arith.constant 0 : i32
    %dma_start3A_403 = tpu.memref_slice %arg2[%add3A_401, %dma_start3A_402] : memref<128x32768xf32, #tpu.memory_space<hbm>> -> memref<1x32768xf32, #tpu.memory_space<hbm>>
    %dma_start3A_404 = tpu.memref_squeeze %dma_start3A_403 : memref<1x32768xf32, #tpu.memory_space<hbm>> -> memref<32768xf32, #tpu.memory_space<hbm>>
    %dma_start3A_405 = arith.constant 0 : i32
    %dma_start3A_406 = tpu.memref_slice %arg2[%add3A_401, %dma_start3A_405] : memref<128x32768xf32, #tpu.memory_space<hbm>> -> memref<1x32768xf32, #tpu.memory_space<hbm>>
    %dma_start3A_407 = tpu.memref_squeeze %dma_start3A_406 : memref<1x32768xf32, #tpu.memory_space<hbm>> -> memref<32768xf32, #tpu.memory_space<hbm>>
    tpu.enqueue_dma source(%dma_start3A_407 : memref<32768xf32, #tpu.memory_space<hbm>>) target(%arg5 : memref<32768xf32, #tpu.memory_space<vmem>>) target_semaphore(%arg9 : memref<!tpu.dma_semaphore, #tpu.memory_space<semaphore_mem>>)
    %get3A_408 = arith.constant 0 : index
    %get3A_409 = tpu.vector_load %arg4[%get3A_408] {strides = array<i32>} : memref<32768xf32, #tpu.memory_space<vmem>>, vector<16xf32>,
    %get3A_410 = arith.constant 16 : index
    %get3A_411 = tpu.vector_load %arg4[%get3A_410] {strides = array<i32>} : memref<32768xf32, #tpu.memory_space<vmem>>, vector<16xf32>,
    %min3A_412 = arith.minimumf %get3A_409, %get3A_411 : vector<16xf32>
    %get3A_413 = arith.constant 32 : index
    %get3A_414 = tpu.vector_load %arg4[%get3A_413] {strides = array<i32>} : memref<32768xf32, #tpu.memory_space<vmem>>, vector<16xf32>,
    %get3A_415 = arith.constant 48 : index
    %get3A_416 = tpu.vector_load %arg4[%get3A_415] {strides = array<i32>} : memref<32768xf32, #tpu.memory_space<vmem>>, vector<16xf32>,
    %min3A_417 = arith.minimumf %get3A_414, %get3A_416 : vector<16xf32>
    %min3A_418 = arith.minimumf %min3A_412, %min3A_417 : vector<16xf32>
    %sort3A_419 = arith.constant dense<true> : vector<16xi1>
    %sort3A_420, %sort3A_421, %sort3A_422 = tpu.sort %min3A_418, %min3A_418 masked %sort3A_419 : (vector<16xf32>, vector<16xf32>, vector<16xi1>) -> (vector<16xi1>, vector<16xf32>, vector<16xf32>)
    %broadcast_in_dim3A_423 = vector.shape_cast %broadcast_in_dim3A_3 : vector<16xi32> to vector<16x1xi32>
    %gather3A_424 = vector.shape_cast %broadcast_in_dim3A_423 : vector<16x1xi32> to vector<16xi32>
    %gather3A_425 = tpu.dynamic_gather %sort3A_421[%gather3A_424] in [0] : vector<16xf32>, vector<16xi32> -> vector<16xf32>
    %broadcast_in_dim3A_426 = arith.constant 0 : i32
    %broadcast_in_dim3A_427 = vector.broadcast %broadcast_in_dim3A_426 : i32 to vector<16xi32>
    %scan3A_428 = arith.constant 0 : i32
    %scan3A_429 = arith.constant 128 : i32
    %scan3A_430 = arith.addi %scan3A_428, %scan3A_429 : i32
    %scan3A_431 = arith.constant 1 : i32
    %scan3A_432:7 = scf.for %scan3A_696 = %scan3A_428 to %scan3A_430 step %scan3A_431 iter_args(%scan3A_697 = %broadcast_in_dim3A_5, %scan3A_698 = %broadcast_in_dim3A_5, %scan3A_699 = %broadcast_in_dim3A_5, %scan3A_700 = %broadcast_in_dim3A_5, %scan3A_701 = %gather3A_425, %scan3A_702 = %gather3A_425, %scan3A_703 = %broadcast_in_dim3A_427) -> (vector<16xf32>, vector<16xf32>, vector<16xf32>, vector<16xf32>, vector<16xf32>, vector<16xf32>, vector<16xi32>)  : i32 {
      %min3A_704 = arith.minimumf %scan3A_697, %scan3A_698 : vector<16xf32>
      %min3A_705 = arith.minimumf %scan3A_699, %scan3A_700 : vector<16xf32>
      %min3A_706 = arith.minimumf %min3A_704, %min3A_705 : vector<16xf32>
      %sort3A_707 = arith.constant dense<true> : vector<16xi1>
      %sort3A_708, %sort3A_709, %sort3A_710 = tpu.sort %min3A_706, %min3A_706 masked %sort3A_707 : (vector<16xf32>, vector<16xf32>, vector<16xi1>) -> (vector<16xi1>, vector<16xf32>, vector<16xf32>)
      %broadcast_in_dim3A_711 = vector.shape_cast %broadcast_in_dim3A_3 : vector<16xi32> to vector<16x1xi32>
      %gather3A_712 = vector.shape_cast %broadcast_in_dim3A_711 : vector<16x1xi32> to vector<16xi32>
      %gather3A_713 = tpu.dynamic_gather %sort3A_709[%gather3A_712] in [0] : vector<16xf32>, vector<16xi32> -> vector<16xf32>
      %mul3A_714 = arith.constant 256 : i32
      %mul3A_715 = arith.muli %scan3A_696, %mul3A_714 : i32
      %mul3A_716 = arith.constant 4 : i32
      %mul3A_717 = arith.muli %scan3A_696, %mul3A_716 : i32
      %add3A_718 = arith.constant 0 : i32
      %add3A_719 = arith.addi %mul3A_715, %add3A_718 : i32
      %get3A_720 = arith.index_cast %add3A_719 : i32 to index
      %get3A_721 = tpu.vector_load %arg4[%get3A_720] {strides = array<i32>} : memref<32768xf32, #tpu.memory_space<vmem>>, vector<16xf32>,
      %add3A_722 = arith.constant 16 : i32
      %add3A_723 = arith.addi %mul3A_715, %add3A_722 : i32
      %get3A_724 = arith.index_cast %add3A_723 : i32 to index
      %get3A_725 = tpu.vector_load %arg4[%get3A_724] {strides = array<i32>} : memref<32768xf32, #tpu.memory_space<vmem>>, vector<16xf32>,
      %add3A_726 = arith.constant 32 : i32
      %add3A_727 = arith.addi %mul3A_715, %add3A_726 : i32
      %get3A_728 = arith.index_cast %add3A_727 : i32 to index
      %get3A_729 = tpu.vector_load %arg4[%get3A_728] {strides = array<i32>} : memref<32768xf32, #tpu.memory_space<vmem>>, vector<16xf32>,
      %add3A_730 = arith.constant 48 : i32
      %add3A_731 = arith.addi %mul3A_715, %add3A_730 : i32
      %get3A_732 = arith.index_cast %add3A_731 : i32 to index
      %get3A_733 = tpu.vector_load %arg4[%get3A_732] {strides = array<i32>} : memref<32768xf32, #tpu.memory_space<vmem>>, vector<16xf32>,
      %min3A_734 = arith.minimumf %get3A_721, %get3A_725 : vector<16xf32>
      %min3A_735 = arith.minimumf %get3A_729, %get3A_733 : vector<16xf32>
      %min3A_736 = arith.minimumf %min3A_734, %min3A_735 : vector<16xf32>
      %min3A_737 = arith.minimumf %scan3A_697, %min3A_736 : vector<16xf32>
      %le3A = arith.cmpf ole, %min3A_736, %scan3A_701 : vector<16xf32>
      %all_reduce_population_count3A = tpu.all_reduce %le3A {dim = 0 : i64, kind = #tpu.reduction_kind<sum>} : vector<16xi1> -> vector<16xi32>
      %gt3A = arith.constant 0 : i32
      %gt3A_738 = vector.broadcast %gt3A : i32 to vector<16xi32>
      %gt3A_739 = arith.cmpi sgt, %all_reduce_population_count3A, %gt3A_738 : vector<16xi32>
      %jit3A_740 = arith.constant 16 : i32
      %jit3A_741 = arith.constant 0 : i32
      %broadcast_in_dim3A_742 = vector.broadcast %jit3A_740 : i32 to vector<16xi32>
      %broadcast_in_dim3A_743 = vector.broadcast %jit3A_741 : i32 to vector<16xi32>
      %select_n3A_744 = arith.select %gt3A_739, %broadcast_in_dim3A_742, %broadcast_in_dim3A_743 : vector<16xi1>, vector<16xi32>
      %add3A_745 = arith.constant 64 : i32
      %add3A_746 = arith.addi %mul3A_715, %add3A_745 : i32
      %get3A_747 = arith.index_cast %add3A_746 : i32 to index
      %get3A_748 = tpu.vector_load %arg4[%get3A_747] {strides = array<i32>} : memref<32768xf32, #tpu.memory_space<vmem>>, vector<16xf32>,
      %add3A_749 = arith.constant 80 : i32
      %add3A_750 = arith.addi %mul3A_715, %add3A_749 : i32
      %get3A_751 = arith.index_cast %add3A_750 : i32 to index
      %get3A_752 = tpu.vector_load %arg4[%get3A_751] {strides = array<i32>} : memref<32768xf32, #tpu.memory_space<vmem>>, vector<16xf32>,
      %add3A_753 = arith.constant 96 : i32
      %add3A_754 = arith.addi %mul3A_715, %add3A_753 : i32
      %get3A_755 = arith.index_cast %add3A_754 : i32 to index
      %get3A_756 = tpu.vector_load %arg4[%get3A_755] {strides = array<i32>} : memref<32768xf32, #tpu.memory_space<vmem>>, vector<16xf32>,
      %add3A_757 = arith.constant 112 : i32
      %add3A_758 = arith.addi %mul3A_715, %add3A_757 : i32
      %get3A_759 = arith.index_cast %add3A_758 : i32 to index
      %get3A_760 = tpu.vector_load %arg4[%get3A_759] {strides = array<i32>} : memref<32768xf32, #tpu.memory_space<vmem>>, vector<16xf32>,
      %min3A_761 = arith.minimumf %get3A_748, %get3A_752 : vector<16xf32>
      %min3A_762 = arith.minimumf %get3A_756, %get3A_760 : vector<16xf32>
      %min3A_763 = arith.minimumf %min3A_761, %min3A_762 : vector<16xf32>
      %min3A_764 = arith.minimumf %scan3A_698, %min3A_763 : vector<16xf32>
      %le3A_765 = arith.cmpf ole, %min3A_763, %scan3A_701 : vector<16xf32>
      %all_reduce_population_count3A_766 = tpu.all_reduce %le3A_765 {dim = 0 : i64, kind = #tpu.reduction_kind<sum>} : vector<16xi1> -> vector<16xi32>
      %gt3A_767 = arith.constant 0 : i32
      %gt3A_768 = vector.broadcast %gt3A_767 : i32 to vector<16xi32>
      %gt3A_769 = arith.cmpi sgt, %all_reduce_population_count3A_766, %gt3A_768 : vector<16xi32>
      %jit3A_770 = arith.constant 16 : i32
      %jit3A_771 = arith.constant 0 : i32
      %broadcast_in_dim3A_772 = vector.broadcast %jit3A_770 : i32 to vector<16xi32>
      %broadcast_in_dim3A_773 = vector.broadcast %jit3A_771 : i32 to vector<16xi32>
      %select_n3A_774 = arith.select %gt3A_769, %broadcast_in_dim3A_772, %broadcast_in_dim3A_773 : vector<16xi1>, vector<16xi32>
      %add3A_775 = arith.constant 128 : i32
      %add3A_776 = arith.addi %mul3A_715, %add3A_775 : i32
      %get3A_777 = arith.index_cast %add3A_776 : i32 to index
      %get3A_778 = tpu.vector_load %arg4[%get3A_777] {strides = array<i32>} : memref<32768xf32, #tpu.memory_space<vmem>>, vector<16xf32>,
      %add3A_779 = arith.constant 144 : i32
      %add3A_780 = arith.addi %mul3A_715, %add3A_779 : i32
      %get3A_781 = arith.index_cast %add3A_780 : i32 to index
      %get3A_782 = tpu.vector_load %arg4[%get3A_781] {strides = array<i32>} : memref<32768xf32, #tpu.memory_space<vmem>>, vector<16xf32>,
      %add3A_783 = arith.constant 160 : i32
      %add3A_784 = arith.addi %mul3A_715, %add3A_783 : i32
      %get3A_785 = arith.index_cast %add3A_784 : i32 to index
      %get3A_786 = tpu.vector_load %arg4[%get3A_785] {strides = array<i32>} : memref<32768xf32, #tpu.memory_space<vmem>>, vector<16xf32>,
      %add3A_787 = arith.constant 176 : i32
      %add3A_788 = arith.addi %mul3A_715, %add3A_787 : i32
      %get3A_789 = arith.index_cast %add3A_788 : i32 to index
      %get3A_790 = tpu.vector_load %arg4[%get3A_789] {strides = array<i32>} : memref<32768xf32, #tpu.memory_space<vmem>>, vector<16xf32>,
      %min3A_791 = arith.minimumf %get3A_778, %get3A_782 : vector<16xf32>
      %min3A_792 = arith.minimumf %get3A_786, %get3A_790 : vector<16xf32>
      %min3A_793 = arith.minimumf %min3A_791, %min3A_792 : vector<16xf32>
      %min3A_794 = arith.minimumf %scan3A_699, %min3A_793 : vector<16xf32>
      %le3A_795 = arith.cmpf ole, %min3A_793, %scan3A_701 : vector<16xf32>
      %all_reduce_population_count3A_796 = tpu.all_reduce %le3A_795 {dim = 0 : i64, kind = #tpu.reduction_kind<sum>} : vector<16xi1> -> vector<16xi32>
      %gt3A_797 = arith.constant 0 : i32
      %gt3A_798 = vector.broadcast %gt3A_797 : i32 to vector<16xi32>
      %gt3A_799 = arith.cmpi sgt, %all_reduce_population_count3A_796, %gt3A_798 : vector<16xi32>
      %jit3A_800 = arith.constant 16 : i32
      %jit3A_801 = arith.constant 0 : i32
      %broadcast_in_dim3A_802 = vector.broadcast %jit3A_800 : i32 to vector<16xi32>
      %broadcast_in_dim3A_803 = vector.broadcast %jit3A_801 : i32 to vector<16xi32>
      %select_n3A_804 = arith.select %gt3A_799, %broadcast_in_dim3A_802, %broadcast_in_dim3A_803 : vector<16xi1>, vector<16xi32>
      %add3A_805 = arith.constant 192 : i32
      %add3A_806 = arith.addi %mul3A_715, %add3A_805 : i32
      %get3A_807 = arith.index_cast %add3A_806 : i32 to index
      %get3A_808 = tpu.vector_load %arg4[%get3A_807] {strides = array<i32>} : memref<32768xf32, #tpu.memory_space<vmem>>, vector<16xf32>,
      %add3A_809 = arith.constant 208 : i32
      %add3A_810 = arith.addi %mul3A_715, %add3A_809 : i32
      %get3A_811 = arith.index_cast %add3A_810 : i32 to index
      %get3A_812 = tpu.vector_load %arg4[%get3A_811] {strides = array<i32>} : memref<32768xf32, #tpu.memory_space<vmem>>, vector<16xf32>,
      %add3A_813 = arith.constant 224 : i32
      %add3A_814 = arith.addi %mul3A_715, %add3A_813 : i32
      %get3A_815 = arith.index_cast %add3A_814 : i32 to index
      %get3A_816 = tpu.vector_load %arg4[%get3A_815] {strides = array<i32>} : memref<32768xf32, #tpu.memory_space<vmem>>, vector<16xf32>,
      %add3A_817 = arith.constant 240 : i32
      %add3A_818 = arith.addi %mul3A_715, %add3A_817 : i32
      %get3A_819 = arith.index_cast %add3A_818 : i32 to index
      %get3A_820 = tpu.vector_load %arg4[%get3A_819] {strides = array<i32>} : memref<32768xf32, #tpu.memory_space<vmem>>, vector<16xf32>,
      %min3A_821 = arith.minimumf %get3A_808, %get3A_812 : vector<16xf32>
      %min3A_822 = arith.minimumf %get3A_816, %get3A_820 : vector<16xf32>
      %min3A_823 = arith.minimumf %min3A_821, %min3A_822 : vector<16xf32>
      %min3A_824 = arith.minimumf %scan3A_700, %min3A_823 : vector<16xf32>
      %le3A_825 = arith.cmpf ole, %min3A_823, %scan3A_701 : vector<16xf32>
      %all_reduce_population_count3A_826 = tpu.all_reduce %le3A_825 {dim = 0 : i64, kind = #tpu.reduction_kind<sum>} : vector<16xi1> -> vector<16xi32>
      %gt3A_827 = arith.constant 0 : i32
      %gt3A_828 = vector.broadcast %gt3A_827 : i32 to vector<16xi32>
      %gt3A_829 = arith.cmpi sgt, %all_reduce_population_count3A_826, %gt3A_828 : vector<16xi32>
      %jit3A_830 = arith.constant 16 : i32
      %jit3A_831 = arith.constant 0 : i32
      %broadcast_in_dim3A_832 = vector.broadcast %jit3A_830 : i32 to vector<16xi32>
      %broadcast_in_dim3A_833 = vector.broadcast %jit3A_831 : i32 to vector<16xi32>
      %select_n3A_834 = arith.select %gt3A_829, %broadcast_in_dim3A_832, %broadcast_in_dim3A_833 : vector<16xi1>, vector<16xi32>
      %add3A_835 = arith.addi %scan3A_703, %select_n3A_744 : vector<16xi32>
      %add3A_836 = arith.addi %add3A_835, %select_n3A_774 : vector<16xi32>
      %add3A_837 = arith.addi %add3A_836, %select_n3A_804 : vector<16xi32>
      %add3A_838 = arith.addi %add3A_837, %select_n3A_834 : vector<16xi32>
      %add3A_839 = arith.addi %scan3A_703, %iota3A : vector<16xi32>
      %add3A_840 = arith.constant 0 : i32
      %add3A_841 = arith.addi %mul3A_717, %add3A_840 : i32
      %broadcast_in_dim3A_842 = vector.broadcast %add3A_841 : i32 to vector<16xi32>
      tpu.vector_store_idx %arg6[%add3A_839], %broadcast_in_dim3A_842 : memref<8192xi32, #tpu.memory_space<vmem>>[vector<16xi32>], vector<16xi32>,
      %add3A_843 = arith.addi %add3A_835, %iota3A : vector<16xi32>
      %add3A_844 = arith.constant 1 : i32
      %add3A_845 = arith.addi %mul3A_717, %add3A_844 : i32
      %broadcast_in_dim3A_846 = vector.broadcast %add3A_845 : i32 to vector<16xi32>
      tpu.vector_store_idx %arg6[%add3A_843], %broadcast_in_dim3A_846 : memref<8192xi32, #tpu.memory_space<vmem>>[vector<16xi32>], vector<16xi32>,
      %add3A_847 = arith.addi %add3A_836, %iota3A : vector<16xi32>
      %add3A_848 = arith.constant 2 : i32
      %add3A_849 = arith.addi %mul3A_717, %add3A_848 : i32
      %broadcast_in_dim3A_850 = vector.broadcast %add3A_849 : i32 to vector<16xi32>
      tpu.vector_store_idx %arg6[%add3A_847], %broadcast_in_dim3A_850 : memref<8192xi32, #tpu.memory_space<vmem>>[vector<16xi32>], vector<16xi32>,
      %add3A_851 = arith.addi %add3A_837, %iota3A : vector<16xi32>
      %add3A_852 = arith.constant 3 : i32
      %add3A_853 = arith.addi %mul3A_717, %add3A_852 : i32
      %broadcast_in_dim3A_854 = vector.broadcast %add3A_853 : i32 to vector<16xi32>
      tpu.vector_store_idx %arg6[%add3A_851], %broadcast_in_dim3A_854 : memref<8192xi32, #tpu.memory_space<vmem>>[vector<16xi32>], vector<16xi32>,
      scf.yield %min3A_737, %min3A_764, %min3A_794, %min3A_824, %scan3A_702, %gather3A_713, %add3A_838 : vector<16xf32>, vector<16xf32>, vector<16xf32>, vector<16xf32>, vector<16xf32>, vector<16xf32>, vector<16xi32>
    }
    %scan3A_433 = arith.constant 128 : i32
    %slice3A_434 = vector.extract_strided_slice %scan3A_432#6 {offsets = [0], sizes = [1], strides = [1]} : vector<16xi32> to vector<1xi32>
    %squeeze3A_435 = vector.extract %slice3A_434[0] : i32 from vector<1xi32>
    %jit3A_436 = arith.constant 16 : i32
    %div3A_437 = arith.divsi %squeeze3A_435, %jit3A_436 : i32
    %sign3A_438 = arith.constant 0 : i32
    %sign3A_439 = arith.cmpi sgt, %squeeze3A_435, %sign3A_438 : i32
    %sign3A_440 = arith.extui %sign3A_439 : i1 to i32
    %sign3A_441 = arith.constant 0 : i32
    %sign3A_442 = arith.cmpi slt, %squeeze3A_435, %sign3A_441 : i32
    %sign3A_443 = arith.extui %sign3A_442 : i1 to i32
    %sign3A_444 = arith.subi %sign3A_440, %sign3A_443 : i32
    %sign3A_445 = arith.constant 0 : i32
    %sign3A_446 = arith.cmpi sgt, %jit3A_436, %sign3A_445 : i32
    %sign3A_447 = arith.extui %sign3A_446 : i1 to i32
    %sign3A_448 = arith.constant 0 : i32
    %sign3A_449 = arith.cmpi slt, %jit3A_436, %sign3A_448 : i32
    %sign3A_450 = arith.extui %sign3A_449 : i1 to i32
    %sign3A_451 = arith.subi %sign3A_447, %sign3A_450 : i32
    %ne3A_452 = arith.cmpi ne, %sign3A_444, %sign3A_451 : i32
    %rem3A_453 = arith.remsi %squeeze3A_435, %jit3A_436 : i32
    %ne3A_454 = arith.constant 0 : i32
    %ne3A_455 = arith.cmpi ne, %rem3A_453, %ne3A_454 : i32
    %and3A_456 = arith.andi %ne3A_452, %ne3A_455 : i1
    %sub3A_457 = arith.constant 1 : i32
    %sub3A_458 = arith.subi %div3A_437, %sub3A_457 : i32
    %select_n3A_459 = arith.select %and3A_456, %sub3A_458, %div3A_437 : i32
    %while3A_460 = arith.constant 0 : i32
    %while3A_461 = arith.subi %select_n3A_459, %while3A_460 : i32
    %while3A_462 = arith.addi %while3A_460, %while3A_461 : i32
    %while3A_463 = arith.constant 1 : i32
    %while3A_464 = arith.divsi %while3A_461, %while3A_463 : i32
    %while3A_465 = arith.muli %while3A_464, %while3A_463 : i32
    %while3A_466 = arith.addi %while3A_460, %while3A_465 : i32
    %while3A_467 = arith.constant 1 : i32
    %while3A_468:6 = scf.for %while3A_696 = %while3A_460 to %while3A_466 step %while3A_467 iter_args(%while3A_697 = %broadcast_in_dim3A_5, %while3A_698 = %broadcast_in_dim3A_5, %while3A_699 = %broadcast_in_dim3A_5, %while3A_700 = %broadcast_in_dim3A_5, %while3A_701 = %broadcast_in_dim3A_5, %while3A_702 = %broadcast_in_dim3A_5) -> (vector<16xf32>, vector<16xf32>, vector<16xf32>, vector<16xf32>, vector<16xf32>, vector<16xf32>)  : i32 {
      %mul3A_703 = arith.constant 16 : i32
      %mul3A_704 = arith.muli %while3A_696, %mul3A_703 : i32
      %get3A_705 = arith.index_cast %mul3A_704 : i32 to index
      %get3A_706 = tpu.vector_load %arg6[%get3A_705] {strides = array<i32>} : memref<8192xi32, #tpu.memory_space<vmem>>, vector<16xi32>,
      %slice3A_707 = vector.extract_strided_slice %get3A_706 {offsets = [0], sizes = [1], strides = [1]} : vector<16xi32> to vector<1xi32>
      %squeeze3A_708 = vector.extract %slice3A_707[0] : i32 from vector<1xi32>
      %mul3A_709 = arith.constant 64 : i32
      %mul3A_710 = arith.muli %squeeze3A_708, %mul3A_709 : i32
      %add3A_711 = arith.constant 0 : i32
      %add3A_712 = arith.addi %mul3A_710, %add3A_711 : i32
      %get3A_713 = arith.index_cast %add3A_712 : i32 to index
      %get3A_714 = tpu.vector_load %arg4[%get3A_713] {strides = array<i32>} : memref<32768xf32, #tpu.memory_space<vmem>>, vector<16xf32>,
      %min3A_715 = arith.minimumf %while3A_697, %get3A_714 : vector<16xf32>
      %max3A = arith.maximumf %while3A_697, %get3A_714 : vector<16xf32>
      %min3A_716 = arith.minimumf %while3A_698, %max3A : vector<16xf32>
      %max3A_717 = arith.maximumf %while3A_698, %max3A : vector<16xf32>
      %min3A_718 = arith.minimumf %while3A_699, %max3A_717 : vector<16xf32>
      %max3A_719 = arith.maximumf %while3A_699, %max3A_717 : vector<16xf32>
      %min3A_720 = arith.minimumf %while3A_700, %max3A_719 : vector<16xf32>
      %max3A_721 = arith.maximumf %while3A_700, %max3A_719 : vector<16xf32>
      %min3A_722 = arith.minimumf %while3A_701, %max3A_721 : vector<16xf32>
      %max3A_723 = arith.maximumf %while3A_701, %max3A_721 : vector<16xf32>
      %min3A_724 = arith.minimumf %while3A_702, %max3A_723 : vector<16xf32>
      %add3A_725 = arith.constant 16 : i32
      %add3A_726 = arith.addi %mul3A_710, %add3A_725 : i32
      %get3A_727 = arith.index_cast %add3A_726 : i32 to index
      %get3A_728 = tpu.vector_load %arg4[%get3A_727] {strides = array<i32>} : memref<32768xf32, #tpu.memory_space<vmem>>, vector<16xf32>,
      %min3A_729 = arith.minimumf %min3A_715, %get3A_728 : vector<16xf32>
      %max3A_730 = arith.maximumf %min3A_715, %get3A_728 : vector<16xf32>
      %min3A_731 = arith.minimumf %min3A_716, %max3A_730 : vector<16xf32>
      %max3A_732 = arith.maximumf %min3A_716, %max3A_730 : vector<16xf32>
      %min3A_733 = arith.minimumf %min3A_718, %max3A_732 : vector<16xf32>
      %max3A_734 = arith.maximumf %min3A_718, %max3A_732 : vector<16xf32>
      %min3A_735 = arith.minimumf %min3A_720, %max3A_734 : vector<16xf32>
      %max3A_736 = arith.maximumf %min3A_720, %max3A_734 : vector<16xf32>
      %min3A_737 = arith.minimumf %min3A_722, %max3A_736 : vector<16xf32>
      %max3A_738 = arith.maximumf %min3A_722, %max3A_736 : vector<16xf32>
      %min3A_739 = arith.minimumf %min3A_724, %max3A_738 : vector<16xf32>
      %add3A_740 = arith.constant 32 : i32
      %add3A_741 = arith.addi %mul3A_710, %add3A_740 : i32
      %get3A_742 = arith.index_cast %add3A_741 : i32 to index
      %get3A_743 = tpu.vector_load %arg4[%get3A_742] {strides = array<i32>} : memref<32768xf32, #tpu.memory_space<vmem>>, vector<16xf32>,
      %min3A_744 = arith.minimumf %min3A_729, %get3A_743 : vector<16xf32>
      %max3A_745 = arith.maximumf %min3A_729, %get3A_743 : vector<16xf32>
      %min3A_746 = arith.minimumf %min3A_731, %max3A_745 : vector<16xf32>
      %max3A_747 = arith.maximumf %min3A_731, %max3A_745 : vector<16xf32>
      %min3A_748 = arith.minimumf %min3A_733, %max3A_747 : vector<16xf32>
      %max3A_749 = arith.maximumf %min3A_733, %max3A_747 : vector<16xf32>
      %min3A_750 = arith.minimumf %min3A_735, %max3A_749 : vector<16xf32>
      %max3A_751 = arith.maximumf %min3A_735, %max3A_749 : vector<16xf32>
      %min3A_752 = arith.minimumf %min3A_737, %max3A_751 : vector<16xf32>
      %max3A_753 = arith.maximumf %min3A_737, %max3A_751 : vector<16xf32>
      %min3A_754 = arith.minimumf %min3A_739, %max3A_753 : vector<16xf32>
      %add3A_755 = arith.constant 48 : i32
      %add3A_756 = arith.addi %mul3A_710, %add3A_755 : i32
      %get3A_757 = arith.index_cast %add3A_756 : i32 to index
      %get3A_758 = tpu.vector_load %arg4[%get3A_757] {strides = array<i32>} : memref<32768xf32, #tpu.memory_space<vmem>>, vector<16xf32>,
      %min3A_759 = arith.minimumf %min3A_744, %get3A_758 : vector<16xf32>
      %max3A_760 = arith.maximumf %min3A_744, %get3A_758 : vector<16xf32>
      %min3A_761 = arith.minimumf %min3A_746, %max3A_760 : vector<16xf32>
      %max3A_762 = arith.maximumf %min3A_746, %max3A_760 : vector<16xf32>
      %min3A_763 = arith.minimumf %min3A_748, %max3A_762 : vector<16xf32>
      %max3A_764 = arith.maximumf %min3A_748, %max3A_762 : vector<16xf32>
      %min3A_765 = arith.minimumf %min3A_750, %max3A_764 : vector<16xf32>
      %max3A_766 = arith.maximumf %min3A_750, %max3A_764 : vector<16xf32>
      %min3A_767 = arith.minimumf %min3A_752, %max3A_766 : vector<16xf32>
      %max3A_768 = arith.maximumf %min3A_752, %max3A_766 : vector<16xf32>
      %min3A_769 = arith.minimumf %min3A_754, %max3A_768 : vector<16xf32>
      scf.yield %min3A_759, %min3A_761, %min3A_763, %min3A_765, %min3A_767, %min3A_769 : vector<16xf32>, vector<16xf32>, vector<16xf32>, vector<16xf32>, vector<16xf32>, vector<16xf32>
    }
    %while3A_469 = arith.constant 1 : i32
    %while3A_470:6 = scf.for %while3A_696 = %while3A_466 to %while3A_462 step %while3A_469 iter_args(%while3A_697 = %while3A_468#0, %while3A_698 = %while3A_468#1, %while3A_699 = %while3A_468#2, %while3A_700 = %while3A_468#3, %while3A_701 = %while3A_468#4, %while3A_702 = %while3A_468#5) -> (vector<16xf32>, vector<16xf32>, vector<16xf32>, vector<16xf32>, vector<16xf32>, vector<16xf32>)  : i32 {
      %mul3A_703 = arith.constant 16 : i32
      %mul3A_704 = arith.muli %while3A_696, %mul3A_703 : i32
      %get3A_705 = arith.index_cast %mul3A_704 : i32 to index
      %get3A_706 = tpu.vector_load %arg6[%get3A_705] {strides = array<i32>} : memref<8192xi32, #tpu.memory_space<vmem>>, vector<16xi32>,
      %slice3A_707 = vector.extract_strided_slice %get3A_706 {offsets = [0], sizes = [1], strides = [1]} : vector<16xi32> to vector<1xi32>
      %squeeze3A_708 = vector.extract %slice3A_707[0] : i32 from vector<1xi32>
      %mul3A_709 = arith.constant 64 : i32
      %mul3A_710 = arith.muli %squeeze3A_708, %mul3A_709 : i32
      %add3A_711 = arith.constant 0 : i32
      %add3A_712 = arith.addi %mul3A_710, %add3A_711 : i32
      %get3A_713 = arith.index_cast %add3A_712 : i32 to index
      %get3A_714 = tpu.vector_load %arg4[%get3A_713] {strides = array<i32>} : memref<32768xf32, #tpu.memory_space<vmem>>, vector<16xf32>,
      %min3A_715 = arith.minimumf %while3A_697, %get3A_714 : vector<16xf32>
      %max3A = arith.maximumf %while3A_697, %get3A_714 : vector<16xf32>
      %min3A_716 = arith.minimumf %while3A_698, %max3A : vector<16xf32>
      %max3A_717 = arith.maximumf %while3A_698, %max3A : vector<16xf32>
      %min3A_718 = arith.minimumf %while3A_699, %max3A_717 : vector<16xf32>
      %max3A_719 = arith.maximumf %while3A_699, %max3A_717 : vector<16xf32>
      %min3A_720 = arith.minimumf %while3A_700, %max3A_719 : vector<16xf32>
      %max3A_721 = arith.maximumf %while3A_700, %max3A_719 : vector<16xf32>
      %min3A_722 = arith.minimumf %while3A_701, %max3A_721 : vector<16xf32>
      %max3A_723 = arith.maximumf %while3A_701, %max3A_721 : vector<16xf32>
      %min3A_724 = arith.minimumf %while3A_702, %max3A_723 : vector<16xf32>
      %add3A_725 = arith.constant 16 : i32
      %add3A_726 = arith.addi %mul3A_710, %add3A_725 : i32
      %get3A_727 = arith.index_cast %add3A_726 : i32 to index
      %get3A_728 = tpu.vector_load %arg4[%get3A_727] {strides = array<i32>} : memref<32768xf32, #tpu.memory_space<vmem>>, vector<16xf32>,
      %min3A_729 = arith.minimumf %min3A_715, %get3A_728 : vector<16xf32>
      %max3A_730 = arith.maximumf %min3A_715, %get3A_728 : vector<16xf32>
      %min3A_731 = arith.minimumf %min3A_716, %max3A_730 : vector<16xf32>
      %max3A_732 = arith.maximumf %min3A_716, %max3A_730 : vector<16xf32>
      %min3A_733 = arith.minimumf %min3A_718, %max3A_732 : vector<16xf32>
      %max3A_734 = arith.maximumf %min3A_718, %max3A_732 : vector<16xf32>
      %min3A_735 = arith.minimumf %min3A_720, %max3A_734 : vector<16xf32>
      %max3A_736 = arith.maximumf %min3A_720, %max3A_734 : vector<16xf32>
      %min3A_737 = arith.minimumf %min3A_722, %max3A_736 : vector<16xf32>
      %max3A_738 = arith.maximumf %min3A_722, %max3A_736 : vector<16xf32>
      %min3A_739 = arith.minimumf %min3A_724, %max3A_738 : vector<16xf32>
      %add3A_740 = arith.constant 32 : i32
      %add3A_741 = arith.addi %mul3A_710, %add3A_740 : i32
      %get3A_742 = arith.index_cast %add3A_741 : i32 to index
      %get3A_743 = tpu.vector_load %arg4[%get3A_742] {strides = array<i32>} : memref<32768xf32, #tpu.memory_space<vmem>>, vector<16xf32>,
      %min3A_744 = arith.minimumf %min3A_729, %get3A_743 : vector<16xf32>
      %max3A_745 = arith.maximumf %min3A_729, %get3A_743 : vector<16xf32>
      %min3A_746 = arith.minimumf %min3A_731, %max3A_745 : vector<16xf32>
      %max3A_747 = arith.maximumf %min3A_731, %max3A_745 : vector<16xf32>
      %min3A_748 = arith.minimumf %min3A_733, %max3A_747 : vector<16xf32>
      %max3A_749 = arith.maximumf %min3A_733, %max3A_747 : vector<16xf32>
      %min3A_750 = arith.minimumf %min3A_735, %max3A_749 : vector<16xf32>
      %max3A_751 = arith.maximumf %min3A_735, %max3A_749 : vector<16xf32>
      %min3A_752 = arith.minimumf %min3A_737, %max3A_751 : vector<16xf32>
      %max3A_753 = arith.maximumf %min3A_737, %max3A_751 : vector<16xf32>
      %min3A_754 = arith.minimumf %min3A_739, %max3A_753 : vector<16xf32>
      %add3A_755 = arith.constant 48 : i32
      %add3A_756 = arith.addi %mul3A_710, %add3A_755 : i32
      %get3A_757 = arith.index_cast %add3A_756 : i32 to index
      %get3A_758 = tpu.vector_load %arg4[%get3A_757] {strides = array<i32>} : memref<32768xf32, #tpu.memory_space<vmem>>, vector<16xf32>,
      %min3A_759 = arith.minimumf %min3A_744, %get3A_758 : vector<16xf32>
      %max3A_760 = arith.maximumf %min3A_744, %get3A_758 : vector<16xf32>
      %min3A_761 = arith.minimumf %min3A_746, %max3A_760 : vector<16xf32>
      %max3A_762 = arith.maximumf %min3A_746, %max3A_760 : vector<16xf32>
      %min3A_763 = arith.minimumf %min3A_748, %max3A_762 : vector<16xf32>
      %max3A_764 = arith.maximumf %min3A_748, %max3A_762 : vector<16xf32>
      %min3A_765 = arith.minimumf %min3A_750, %max3A_764 : vector<16xf32>
      %max3A_766 = arith.maximumf %min3A_750, %max3A_764 : vector<16xf32>
      %min3A_767 = arith.minimumf %min3A_752, %max3A_766 : vector<16xf32>
      %max3A_768 = arith.maximumf %min3A_752, %max3A_766 : vector<16xf32>
      %min3A_769 = arith.minimumf %min3A_754, %max3A_768 : vector<16xf32>
      scf.yield %min3A_759, %min3A_761, %min3A_763, %min3A_765, %min3A_767, %min3A_769 : vector<16xf32>, vector<16xf32>, vector<16xf32>, vector<16xf32>, vector<16xf32>, vector<16xf32>
    }
    %sort3A_471 = arith.constant dense<true> : vector<16xi1>
    %sort3A_472, %sort3A_473, %sort3A_474 = tpu.sort %while3A_470#0, %while3A_470#0 masked %sort3A_471 : (vector<16xf32>, vector<16xf32>, vector<16xi1>) -> (vector<16xi1>, vector<16xf32>, vector<16xf32>)
    %sort3A_475 = arith.constant dense<true> : vector<16xi1>
    %sort3A_476, %sort3A_477, %sort3A_478 = tpu.sort %while3A_470#1, %while3A_470#1 masked %sort3A_475 : (vector<16xf32>, vector<16xf32>, vector<16xi1>) -> (vector<16xi1>, vector<16xf32>, vector<16xf32>)
    %rev3A_479 = arith.constant 15 : i32
    %rev3A_480 = vector.broadcast %rev3A_479 : i32 to vector<16xi32>
    %rev3A_481 = tpu.iota {dimensions = array<i32: 0>} : vector<16xi32>
    %rev3A_482 = arith.subi %rev3A_480, %rev3A_481 : vector<16xi32>
    %rev3A_483 = tpu.dynamic_gather %sort3A_477[%rev3A_482] in [0] : vector<16xf32>, vector<16xi32> -> vector<16xf32>
    %min3A_484 = arith.minimumf %sort3A_473, %rev3A_483 : vector<16xf32>
    %sort3A_485 = arith.constant dense<true> : vector<16xi1>
    %sort3A_486, %sort3A_487, %sort3A_488 = tpu.sort %min3A_484, %min3A_484 masked %sort3A_485 : (vector<16xf32>, vector<16xf32>, vector<16xi1>) -> (vector<16xi1>, vector<16xf32>, vector<16xf32>)
    %sort3A_489 = arith.constant dense<true> : vector<16xi1>
    %sort3A_490, %sort3A_491, %sort3A_492 = tpu.sort %while3A_470#2, %while3A_470#2 masked %sort3A_489 : (vector<16xf32>, vector<16xf32>, vector<16xi1>) -> (vector<16xi1>, vector<16xf32>, vector<16xf32>)
    %rev3A_493 = arith.constant 15 : i32
    %rev3A_494 = vector.broadcast %rev3A_493 : i32 to vector<16xi32>
    %rev3A_495 = tpu.iota {dimensions = array<i32: 0>} : vector<16xi32>
    %rev3A_496 = arith.subi %rev3A_494, %rev3A_495 : vector<16xi32>
    %rev3A_497 = tpu.dynamic_gather %sort3A_491[%rev3A_496] in [0] : vector<16xf32>, vector<16xi32> -> vector<16xf32>
    %min3A_498 = arith.minimumf %sort3A_487, %rev3A_497 : vector<16xf32>
    %sort3A_499 = arith.constant dense<true> : vector<16xi1>
    %sort3A_500, %sort3A_501, %sort3A_502 = tpu.sort %min3A_498, %min3A_498 masked %sort3A_499 : (vector<16xf32>, vector<16xf32>, vector<16xi1>) -> (vector<16xi1>, vector<16xf32>, vector<16xf32>)
    %sort3A_503 = arith.constant dense<true> : vector<16xi1>
    %sort3A_504, %sort3A_505, %sort3A_506 = tpu.sort %while3A_470#3, %while3A_470#3 masked %sort3A_503 : (vector<16xf32>, vector<16xf32>, vector<16xi1>) -> (vector<16xi1>, vector<16xf32>, vector<16xf32>)
    %rev3A_507 = arith.constant 15 : i32
    %rev3A_508 = vector.broadcast %rev3A_507 : i32 to vector<16xi32>
    %rev3A_509 = tpu.iota {dimensions = array<i32: 0>} : vector<16xi32>
    %rev3A_510 = arith.subi %rev3A_508, %rev3A_509 : vector<16xi32>
    %rev3A_511 = tpu.dynamic_gather %sort3A_505[%rev3A_510] in [0] : vector<16xf32>, vector<16xi32> -> vector<16xf32>
    %min3A_512 = arith.minimumf %sort3A_501, %rev3A_511 : vector<16xf32>
    %sort3A_513 = arith.constant dense<true> : vector<16xi1>
    %sort3A_514, %sort3A_515, %sort3A_516 = tpu.sort %min3A_512, %min3A_512 masked %sort3A_513 : (vector<16xf32>, vector<16xf32>, vector<16xi1>) -> (vector<16xi1>, vector<16xf32>, vector<16xf32>)
    %sort3A_517 = arith.constant dense<true> : vector<16xi1>
    %sort3A_518, %sort3A_519, %sort3A_520 = tpu.sort %while3A_470#4, %while3A_470#4 masked %sort3A_517 : (vector<16xf32>, vector<16xf32>, vector<16xi1>) -> (vector<16xi1>, vector<16xf32>, vector<16xf32>)
    %rev3A_521 = arith.constant 15 : i32
    %rev3A_522 = vector.broadcast %rev3A_521 : i32 to vector<16xi32>
    %rev3A_523 = tpu.iota {dimensions = array<i32: 0>} : vector<16xi32>
    %rev3A_524 = arith.subi %rev3A_522, %rev3A_523 : vector<16xi32>
    %rev3A_525 = tpu.dynamic_gather %sort3A_519[%rev3A_524] in [0] : vector<16xf32>, vector<16xi32> -> vector<16xf32>
    %min3A_526 = arith.minimumf %sort3A_515, %rev3A_525 : vector<16xf32>
    %sort3A_527 = arith.constant dense<true> : vector<16xi1>
    %sort3A_528, %sort3A_529, %sort3A_530 = tpu.sort %min3A_526, %min3A_526 masked %sort3A_527 : (vector<16xf32>, vector<16xf32>, vector<16xi1>) -> (vector<16xi1>, vector<16xf32>, vector<16xf32>)
    %sort3A_531 = arith.constant dense<true> : vector<16xi1>
    %sort3A_532, %sort3A_533, %sort3A_534 = tpu.sort %while3A_470#5, %while3A_470#5 masked %sort3A_531 : (vector<16xf32>, vector<16xf32>, vector<16xi1>) -> (vector<16xi1>, vector<16xf32>, vector<16xf32>)
    %rev3A_535 = arith.constant 15 : i32
    %rev3A_536 = vector.broadcast %rev3A_535 : i32 to vector<16xi32>
    %rev3A_537 = tpu.iota {dimensions = array<i32: 0>} : vector<16xi32>
    %rev3A_538 = arith.subi %rev3A_536, %rev3A_537 : vector<16xi32>
    %rev3A_539 = tpu.dynamic_gather %sort3A_533[%rev3A_538] in [0] : vector<16xf32>, vector<16xi32> -> vector<16xf32>
    %min3A_540 = arith.minimumf %sort3A_529, %rev3A_539 : vector<16xf32>
    %sort3A_541 = arith.constant dense<true> : vector<16xi1>
    %sort3A_542, %sort3A_543, %sort3A_544 = tpu.sort %min3A_540, %min3A_540 masked %sort3A_541 : (vector<16xf32>, vector<16xf32>, vector<16xi1>) -> (vector<16xi1>, vector<16xf32>, vector<16xf32>)
    %swap3A_545 = arith.constant 2 : i32
    %swap3A_546 = arith.index_cast %swap3A_545 : i32 to index
    %swap3A_547 = arith.constant 0 : index
    %swap3A_548 = tpu.vector_load %arg7[%swap3A_546, %swap3A_547] {strides = array<i32>} : memref<4x16xf32, #tpu.memory_space<vmem>>, vector<16xf32>,
    tpu.vector_store %arg7[%swap3A_546, %swap3A_547], %sort3A_543 {strides = array<i32>} : memref<4x16xf32, #tpu.memory_space<vmem>>, vector<16xf32>,
    %dma_wait3A_549 = arith.constant 0 : i32
    %dma_wait3A_550 = tpu.memref_slice %arg2[%add3A_401, %dma_wait3A_549] : memref<128x32768xf32, #tpu.memory_space<hbm>> -> memref<1x32768xf32, #tpu.memory_space<hbm>>
    %dma_wait3A_551 = tpu.memref_squeeze %dma_wait3A_550 : memref<1x32768xf32, #tpu.memory_space<hbm>> -> memref<32768xf32, #tpu.memory_space<hbm>>
    %dma_wait3A_552 = arith.constant 0 : i32
    %dma_wait3A_553 = tpu.memref_slice %arg2[%add3A_401, %dma_wait3A_552] : memref<128x32768xf32, #tpu.memory_space<hbm>> -> memref<1x32768xf32, #tpu.memory_space<hbm>>
    %dma_wait3A_554 = tpu.memref_squeeze %dma_wait3A_553 : memref<1x32768xf32, #tpu.memory_space<hbm>> -> memref<32768xf32, #tpu.memory_space<hbm>>
    tpu.wait_dma2 semaphore(%arg9 : memref<!tpu.dma_semaphore, #tpu.memory_space<semaphore_mem>>) src(%dma_wait3A_554 : memref<32768xf32, #tpu.memory_space<hbm>>) dst(%arg5 : memref<32768xf32, #tpu.memory_space<vmem>>)
    %get3A_555 = arith.constant 0 : index
    %get3A_556 = tpu.vector_load %arg5[%get3A_555] {strides = array<i32>} : memref<32768xf32, #tpu.memory_space<vmem>>, vector<16xf32>,
    %get3A_557 = arith.constant 16 : index
    %get3A_558 = tpu.vector_load %arg5[%get3A_557] {strides = array<i32>} : memref<32768xf32, #tpu.memory_space<vmem>>, vector<16xf32>,
    %min3A_559 = arith.minimumf %get3A_556, %get3A_558 : vector<16xf32>
    %get3A_560 = arith.constant 32 : index
    %get3A_561 = tpu.vector_load %arg5[%get3A_560] {strides = array<i32>} : memref<32768xf32, #tpu.memory_space<vmem>>, vector<16xf32>,
    %get3A_562 = arith.constant 48 : index
    %get3A_563 = tpu.vector_load %arg5[%get3A_562] {strides = array<i32>} : memref<32768xf32, #tpu.memory_space<vmem>>, vector<16xf32>,
    %min3A_564 = arith.minimumf %get3A_561, %get3A_563 : vector<16xf32>
    %min3A_565 = arith.minimumf %min3A_559, %min3A_564 : vector<16xf32>
    %sort3A_566 = arith.constant dense<true> : vector<16xi1>
    %sort3A_567, %sort3A_568, %sort3A_569 = tpu.sort %min3A_565, %min3A_565 masked %sort3A_566 : (vector<16xf32>, vector<16xf32>, vector<16xi1>) -> (vector<16xi1>, vector<16xf32>, vector<16xf32>)
    %broadcast_in_dim3A_570 = vector.shape_cast %broadcast_in_dim3A_3 : vector<16xi32> to vector<16x1xi32>
    %gather3A_571 = vector.shape_cast %broadcast_in_dim3A_570 : vector<16x1xi32> to vector<16xi32>
    %gather3A_572 = tpu.dynamic_gather %sort3A_568[%gather3A_571] in [0] : vector<16xf32>, vector<16xi32> -> vector<16xf32>
    %broadcast_in_dim3A_573 = arith.constant 0 : i32
    %broadcast_in_dim3A_574 = vector.broadcast %broadcast_in_dim3A_573 : i32 to vector<16xi32>
    %scan3A_575 = arith.constant 0 : i32
    %scan3A_576 = arith.constant 128 : i32
    %scan3A_577 = arith.addi %scan3A_575, %scan3A_576 : i32
    %scan3A_578 = arith.constant 1 : i32
    %scan3A_579:7 = scf.for %scan3A_696 = %scan3A_575 to %scan3A_577 step %scan3A_578 iter_args(%scan3A_697 = %broadcast_in_dim3A_5, %scan3A_698 = %broadcast_in_dim3A_5, %scan3A_699 = %broadcast_in_dim3A_5, %scan3A_700 = %broadcast_in_dim3A_5, %scan3A_701 = %gather3A_572, %scan3A_702 = %gather3A_572, %scan3A_703 = %broadcast_in_dim3A_574) -> (vector<16xf32>, vector<16xf32>, vector<16xf32>, vector<16xf32>, vector<16xf32>, vector<16xf32>, vector<16xi32>)  : i32 {
      %min3A_704 = arith.minimumf %scan3A_697, %scan3A_698 : vector<16xf32>
      %min3A_705 = arith.minimumf %scan3A_699, %scan3A_700 : vector<16xf32>
      %min3A_706 = arith.minimumf %min3A_704, %min3A_705 : vector<16xf32>
      %sort3A_707 = arith.constant dense<true> : vector<16xi1>
      %sort3A_708, %sort3A_709, %sort3A_710 = tpu.sort %min3A_706, %min3A_706 masked %sort3A_707 : (vector<16xf32>, vector<16xf32>, vector<16xi1>) -> (vector<16xi1>, vector<16xf32>, vector<16xf32>)
      %broadcast_in_dim3A_711 = vector.shape_cast %broadcast_in_dim3A_3 : vector<16xi32> to vector<16x1xi32>
      %gather3A_712 = vector.shape_cast %broadcast_in_dim3A_711 : vector<16x1xi32> to vector<16xi32>
      %gather3A_713 = tpu.dynamic_gather %sort3A_709[%gather3A_712] in [0] : vector<16xf32>, vector<16xi32> -> vector<16xf32>
      %mul3A_714 = arith.constant 256 : i32
      %mul3A_715 = arith.muli %scan3A_696, %mul3A_714 : i32
      %mul3A_716 = arith.constant 4 : i32
      %mul3A_717 = arith.muli %scan3A_696, %mul3A_716 : i32
      %add3A_718 = arith.constant 0 : i32
      %add3A_719 = arith.addi %mul3A_715, %add3A_718 : i32
      %get3A_720 = arith.index_cast %add3A_719 : i32 to index
      %get3A_721 = tpu.vector_load %arg5[%get3A_720] {strides = array<i32>} : memref<32768xf32, #tpu.memory_space<vmem>>, vector<16xf32>,
      %add3A_722 = arith.constant 16 : i32
      %add3A_723 = arith.addi %mul3A_715, %add3A_722 : i32
      %get3A_724 = arith.index_cast %add3A_723 : i32 to index
      %get3A_725 = tpu.vector_load %arg5[%get3A_724] {strides = array<i32>} : memref<32768xf32, #tpu.memory_space<vmem>>, vector<16xf32>,
      %add3A_726 = arith.constant 32 : i32
      %add3A_727 = arith.addi %mul3A_715, %add3A_726 : i32
      %get3A_728 = arith.index_cast %add3A_727 : i32 to index
      %get3A_729 = tpu.vector_load %arg5[%get3A_728] {strides = array<i32>} : memref<32768xf32, #tpu.memory_space<vmem>>, vector<16xf32>,
      %add3A_730 = arith.constant 48 : i32
      %add3A_731 = arith.addi %mul3A_715, %add3A_730 : i32
      %get3A_732 = arith.index_cast %add3A_731 : i32 to index
      %get3A_733 = tpu.vector_load %arg5[%get3A_732] {strides = array<i32>} : memref<32768xf32, #tpu.memory_space<vmem>>, vector<16xf32>,
      %min3A_734 = arith.minimumf %get3A_721, %get3A_725 : vector<16xf32>
      %min3A_735 = arith.minimumf %get3A_729, %get3A_733 : vector<16xf32>
      %min3A_736 = arith.minimumf %min3A_734, %min3A_735 : vector<16xf32>
      %min3A_737 = arith.minimumf %scan3A_697, %min3A_736 : vector<16xf32>
      %le3A = arith.cmpf ole, %min3A_736, %scan3A_701 : vector<16xf32>
      %all_reduce_population_count3A = tpu.all_reduce %le3A {dim = 0 : i64, kind = #tpu.reduction_kind<sum>} : vector<16xi1> -> vector<16xi32>
      %gt3A = arith.constant 0 : i32
      %gt3A_738 = vector.broadcast %gt3A : i32 to vector<16xi32>
      %gt3A_739 = arith.cmpi sgt, %all_reduce_population_count3A, %gt3A_738 : vector<16xi32>
      %jit3A_740 = arith.constant 16 : i32
      %jit3A_741 = arith.constant 0 : i32
      %broadcast_in_dim3A_742 = vector.broadcast %jit3A_740 : i32 to vector<16xi32>
      %broadcast_in_dim3A_743 = vector.broadcast %jit3A_741 : i32 to vector<16xi32>
      %select_n3A_744 = arith.select %gt3A_739, %broadcast_in_dim3A_742, %broadcast_in_dim3A_743 : vector<16xi1>, vector<16xi32>
      %add3A_745 = arith.constant 64 : i32
      %add3A_746 = arith.addi %mul3A_715, %add3A_745 : i32
      %get3A_747 = arith.index_cast %add3A_746 : i32 to index
      %get3A_748 = tpu.vector_load %arg5[%get3A_747] {strides = array<i32>} : memref<32768xf32, #tpu.memory_space<vmem>>, vector<16xf32>,
      %add3A_749 = arith.constant 80 : i32
      %add3A_750 = arith.addi %mul3A_715, %add3A_749 : i32
      %get3A_751 = arith.index_cast %add3A_750 : i32 to index
      %get3A_752 = tpu.vector_load %arg5[%get3A_751] {strides = array<i32>} : memref<32768xf32, #tpu.memory_space<vmem>>, vector<16xf32>,
      %add3A_753 = arith.constant 96 : i32
      %add3A_754 = arith.addi %mul3A_715, %add3A_753 : i32
      %get3A_755 = arith.index_cast %add3A_754 : i32 to index
      %get3A_756 = tpu.vector_load %arg5[%get3A_755] {strides = array<i32>} : memref<32768xf32, #tpu.memory_space<vmem>>, vector<16xf32>,
      %add3A_757 = arith.constant 112 : i32
      %add3A_758 = arith.addi %mul3A_715, %add3A_757 : i32
      %get3A_759 = arith.index_cast %add3A_758 : i32 to index
      %get3A_760 = tpu.vector_load %arg5[%get3A_759] {strides = array<i32>} : memref<32768xf32, #tpu.memory_space<vmem>>, vector<16xf32>,
      %min3A_761 = arith.minimumf %get3A_748, %get3A_752 : vector<16xf32>
      %min3A_762 = arith.minimumf %get3A_756, %get3A_760 : vector<16xf32>
      %min3A_763 = arith.minimumf %min3A_761, %min3A_762 : vector<16xf32>
      %min3A_764 = arith.minimumf %scan3A_698, %min3A_763 : vector<16xf32>
      %le3A_765 = arith.cmpf ole, %min3A_763, %scan3A_701 : vector<16xf32>
      %all_reduce_population_count3A_766 = tpu.all_reduce %le3A_765 {dim = 0 : i64, kind = #tpu.reduction_kind<sum>} : vector<16xi1> -> vector<16xi32>
      %gt3A_767 = arith.constant 0 : i32
      %gt3A_768 = vector.broadcast %gt3A_767 : i32 to vector<16xi32>
      %gt3A_769 = arith.cmpi sgt, %all_reduce_population_count3A_766, %gt3A_768 : vector<16xi32>
      %jit3A_770 = arith.constant 16 : i32
      %jit3A_771 = arith.constant 0 : i32
      %broadcast_in_dim3A_772 = vector.broadcast %jit3A_770 : i32 to vector<16xi32>
      %broadcast_in_dim3A_773 = vector.broadcast %jit3A_771 : i32 to vector<16xi32>
      %select_n3A_774 = arith.select %gt3A_769, %broadcast_in_dim3A_772, %broadcast_in_dim3A_773 : vector<16xi1>, vector<16xi32>
      %add3A_775 = arith.constant 128 : i32
      %add3A_776 = arith.addi %mul3A_715, %add3A_775 : i32
      %get3A_777 = arith.index_cast %add3A_776 : i32 to index
      %get3A_778 = tpu.vector_load %arg5[%get3A_777] {strides = array<i32>} : memref<32768xf32, #tpu.memory_space<vmem>>, vector<16xf32>,
      %add3A_779 = arith.constant 144 : i32
      %add3A_780 = arith.addi %mul3A_715, %add3A_779 : i32
      %get3A_781 = arith.index_cast %add3A_780 : i32 to index
      %get3A_782 = tpu.vector_load %arg5[%get3A_781] {strides = array<i32>} : memref<32768xf32, #tpu.memory_space<vmem>>, vector<16xf32>,
      %add3A_783 = arith.constant 160 : i32
      %add3A_784 = arith.addi %mul3A_715, %add3A_783 : i32
      %get3A_785 = arith.index_cast %add3A_784 : i32 to index
      %get3A_786 = tpu.vector_load %arg5[%get3A_785] {strides = array<i32>} : memref<32768xf32, #tpu.memory_space<vmem>>, vector<16xf32>,
      %add3A_787 = arith.constant 176 : i32
      %add3A_788 = arith.addi %mul3A_715, %add3A_787 : i32
      %get3A_789 = arith.index_cast %add3A_788 : i32 to index
      %get3A_790 = tpu.vector_load %arg5[%get3A_789] {strides = array<i32>} : memref<32768xf32, #tpu.memory_space<vmem>>, vector<16xf32>,
      %min3A_791 = arith.minimumf %get3A_778, %get3A_782 : vector<16xf32>
      %min3A_792 = arith.minimumf %get3A_786, %get3A_790 : vector<16xf32>
      %min3A_793 = arith.minimumf %min3A_791, %min3A_792 : vector<16xf32>
      %min3A_794 = arith.minimumf %scan3A_699, %min3A_793 : vector<16xf32>
      %le3A_795 = arith.cmpf ole, %min3A_793, %scan3A_701 : vector<16xf32>
      %all_reduce_population_count3A_796 = tpu.all_reduce %le3A_795 {dim = 0 : i64, kind = #tpu.reduction_kind<sum>} : vector<16xi1> -> vector<16xi32>
      %gt3A_797 = arith.constant 0 : i32
      %gt3A_798 = vector.broadcast %gt3A_797 : i32 to vector<16xi32>
      %gt3A_799 = arith.cmpi sgt, %all_reduce_population_count3A_796, %gt3A_798 : vector<16xi32>
      %jit3A_800 = arith.constant 16 : i32
      %jit3A_801 = arith.constant 0 : i32
      %broadcast_in_dim3A_802 = vector.broadcast %jit3A_800 : i32 to vector<16xi32>
      %broadcast_in_dim3A_803 = vector.broadcast %jit3A_801 : i32 to vector<16xi32>
      %select_n3A_804 = arith.select %gt3A_799, %broadcast_in_dim3A_802, %broadcast_in_dim3A_803 : vector<16xi1>, vector<16xi32>
      %add3A_805 = arith.constant 192 : i32
      %add3A_806 = arith.addi %mul3A_715, %add3A_805 : i32
      %get3A_807 = arith.index_cast %add3A_806 : i32 to index
      %get3A_808 = tpu.vector_load %arg5[%get3A_807] {strides = array<i32>} : memref<32768xf32, #tpu.memory_space<vmem>>, vector<16xf32>,
      %add3A_809 = arith.constant 208 : i32
      %add3A_810 = arith.addi %mul3A_715, %add3A_809 : i32
      %get3A_811 = arith.index_cast %add3A_810 : i32 to index
      %get3A_812 = tpu.vector_load %arg5[%get3A_811] {strides = array<i32>} : memref<32768xf32, #tpu.memory_space<vmem>>, vector<16xf32>,
      %add3A_813 = arith.constant 224 : i32
      %add3A_814 = arith.addi %mul3A_715, %add3A_813 : i32
      %get3A_815 = arith.index_cast %add3A_814 : i32 to index
      %get3A_816 = tpu.vector_load %arg5[%get3A_815] {strides = array<i32>} : memref<32768xf32, #tpu.memory_space<vmem>>, vector<16xf32>,
      %add3A_817 = arith.constant 240 : i32
      %add3A_818 = arith.addi %mul3A_715, %add3A_817 : i32
      %get3A_819 = arith.index_cast %add3A_818 : i32 to index
      %get3A_820 = tpu.vector_load %arg5[%get3A_819] {strides = array<i32>} : memref<32768xf32, #tpu.memory_space<vmem>>, vector<16xf32>,
      %min3A_821 = arith.minimumf %get3A_808, %get3A_812 : vector<16xf32>
      %min3A_822 = arith.minimumf %get3A_816, %get3A_820 : vector<16xf32>
      %min3A_823 = arith.minimumf %min3A_821, %min3A_822 : vector<16xf32>
      %min3A_824 = arith.minimumf %scan3A_700, %min3A_823 : vector<16xf32>
      %le3A_825 = arith.cmpf ole, %min3A_823, %scan3A_701 : vector<16xf32>
      %all_reduce_population_count3A_826 = tpu.all_reduce %le3A_825 {dim = 0 : i64, kind = #tpu.reduction_kind<sum>} : vector<16xi1> -> vector<16xi32>
      %gt3A_827 = arith.constant 0 : i32
      %gt3A_828 = vector.broadcast %gt3A_827 : i32 to vector<16xi32>
      %gt3A_829 = arith.cmpi sgt, %all_reduce_population_count3A_826, %gt3A_828 : vector<16xi32>
      %jit3A_830 = arith.constant 16 : i32
      %jit3A_831 = arith.constant 0 : i32
      %broadcast_in_dim3A_832 = vector.broadcast %jit3A_830 : i32 to vector<16xi32>
      %broadcast_in_dim3A_833 = vector.broadcast %jit3A_831 : i32 to vector<16xi32>
      %select_n3A_834 = arith.select %gt3A_829, %broadcast_in_dim3A_832, %broadcast_in_dim3A_833 : vector<16xi1>, vector<16xi32>
      %add3A_835 = arith.addi %scan3A_703, %select_n3A_744 : vector<16xi32>
      %add3A_836 = arith.addi %add3A_835, %select_n3A_774 : vector<16xi32>
      %add3A_837 = arith.addi %add3A_836, %select_n3A_804 : vector<16xi32>
      %add3A_838 = arith.addi %add3A_837, %select_n3A_834 : vector<16xi32>
      %add3A_839 = arith.addi %scan3A_703, %iota3A : vector<16xi32>
      %add3A_840 = arith.constant 0 : i32
      %add3A_841 = arith.addi %mul3A_717, %add3A_840 : i32
      %broadcast_in_dim3A_842 = vector.broadcast %add3A_841 : i32 to vector<16xi32>
      tpu.vector_store_idx %arg6[%add3A_839], %broadcast_in_dim3A_842 : memref<8192xi32, #tpu.memory_space<vmem>>[vector<16xi32>], vector<16xi32>,
      %add3A_843 = arith.addi %add3A_835, %iota3A : vector<16xi32>
      %add3A_844 = arith.constant 1 : i32
      %add3A_845 = arith.addi %mul3A_717, %add3A_844 : i32
      %broadcast_in_dim3A_846 = vector.broadcast %add3A_845 : i32 to vector<16xi32>
      tpu.vector_store_idx %arg6[%add3A_843], %broadcast_in_dim3A_846 : memref<8192xi32, #tpu.memory_space<vmem>>[vector<16xi32>], vector<16xi32>,
      %add3A_847 = arith.addi %add3A_836, %iota3A : vector<16xi32>
      %add3A_848 = arith.constant 2 : i32
      %add3A_849 = arith.addi %mul3A_717, %add3A_848 : i32
      %broadcast_in_dim3A_850 = vector.broadcast %add3A_849 : i32 to vector<16xi32>
      tpu.vector_store_idx %arg6[%add3A_847], %broadcast_in_dim3A_850 : memref<8192xi32, #tpu.memory_space<vmem>>[vector<16xi32>], vector<16xi32>,
      %add3A_851 = arith.addi %add3A_837, %iota3A : vector<16xi32>
      %add3A_852 = arith.constant 3 : i32
      %add3A_853 = arith.addi %mul3A_717, %add3A_852 : i32
      %broadcast_in_dim3A_854 = vector.broadcast %add3A_853 : i32 to vector<16xi32>
      tpu.vector_store_idx %arg6[%add3A_851], %broadcast_in_dim3A_854 : memref<8192xi32, #tpu.memory_space<vmem>>[vector<16xi32>], vector<16xi32>,
      scf.yield %min3A_737, %min3A_764, %min3A_794, %min3A_824, %scan3A_702, %gather3A_713, %add3A_838 : vector<16xf32>, vector<16xf32>, vector<16xf32>, vector<16xf32>, vector<16xf32>, vector<16xf32>, vector<16xi32>
    }
    %scan3A_580 = arith.constant 128 : i32
    %slice3A_581 = vector.extract_strided_slice %scan3A_579#6 {offsets = [0], sizes = [1], strides = [1]} : vector<16xi32> to vector<1xi32>
    %squeeze3A_582 = vector.extract %slice3A_581[0] : i32 from vector<1xi32>
    %jit3A_583 = arith.constant 16 : i32
    %div3A_584 = arith.divsi %squeeze3A_582, %jit3A_583 : i32
    %sign3A_585 = arith.constant 0 : i32
    %sign3A_586 = arith.cmpi sgt, %squeeze3A_582, %sign3A_585 : i32
    %sign3A_587 = arith.extui %sign3A_586 : i1 to i32
    %sign3A_588 = arith.constant 0 : i32
    %sign3A_589 = arith.cmpi slt, %squeeze3A_582, %sign3A_588 : i32
    %sign3A_590 = arith.extui %sign3A_589 : i1 to i32
    %sign3A_591 = arith.subi %sign3A_587, %sign3A_590 : i32
    %sign3A_592 = arith.constant 0 : i32
    %sign3A_593 = arith.cmpi sgt, %jit3A_583, %sign3A_592 : i32
    %sign3A_594 = arith.extui %sign3A_593 : i1 to i32
    %sign3A_595 = arith.constant 0 : i32
    %sign3A_596 = arith.cmpi slt, %jit3A_583, %sign3A_595 : i32
    %sign3A_597 = arith.extui %sign3A_596 : i1 to i32
    %sign3A_598 = arith.subi %sign3A_594, %sign3A_597 : i32
    %ne3A_599 = arith.cmpi ne, %sign3A_591, %sign3A_598 : i32
    %rem3A_600 = arith.remsi %squeeze3A_582, %jit3A_583 : i32
    %ne3A_601 = arith.constant 0 : i32
    %ne3A_602 = arith.cmpi ne, %rem3A_600, %ne3A_601 : i32
    %and3A_603 = arith.andi %ne3A_599, %ne3A_602 : i1
    %sub3A_604 = arith.constant 1 : i32
    %sub3A_605 = arith.subi %div3A_584, %sub3A_604 : i32
    %select_n3A_606 = arith.select %and3A_603, %sub3A_605, %div3A_584 : i32
    %while3A_607 = arith.constant 0 : i32
    %while3A_608 = arith.subi %select_n3A_606, %while3A_607 : i32
    %while3A_609 = arith.addi %while3A_607, %while3A_608 : i32
    %while3A_610 = arith.constant 1 : i32
    %while3A_611 = arith.divsi %while3A_608, %while3A_610 : i32
    %while3A_612 = arith.muli %while3A_611, %while3A_610 : i32
    %while3A_613 = arith.addi %while3A_607, %while3A_612 : i32
    %while3A_614 = arith.constant 1 : i32
    %while3A_615:6 = scf.for %while3A_696 = %while3A_607 to %while3A_613 step %while3A_614 iter_args(%while3A_697 = %broadcast_in_dim3A_5, %while3A_698 = %broadcast_in_dim3A_5, %while3A_699 = %broadcast_in_dim3A_5, %while3A_700 = %broadcast_in_dim3A_5, %while3A_701 = %broadcast_in_dim3A_5, %while3A_702 = %broadcast_in_dim3A_5) -> (vector<16xf32>, vector<16xf32>, vector<16xf32>, vector<16xf32>, vector<16xf32>, vector<16xf32>)  : i32 {
      %mul3A_703 = arith.constant 16 : i32
      %mul3A_704 = arith.muli %while3A_696, %mul3A_703 : i32
      %get3A_705 = arith.index_cast %mul3A_704 : i32 to index
      %get3A_706 = tpu.vector_load %arg6[%get3A_705] {strides = array<i32>} : memref<8192xi32, #tpu.memory_space<vmem>>, vector<16xi32>,
      %slice3A_707 = vector.extract_strided_slice %get3A_706 {offsets = [0], sizes = [1], strides = [1]} : vector<16xi32> to vector<1xi32>
      %squeeze3A_708 = vector.extract %slice3A_707[0] : i32 from vector<1xi32>
      %mul3A_709 = arith.constant 64 : i32
      %mul3A_710 = arith.muli %squeeze3A_708, %mul3A_709 : i32
      %add3A_711 = arith.constant 0 : i32
      %add3A_712 = arith.addi %mul3A_710, %add3A_711 : i32
      %get3A_713 = arith.index_cast %add3A_712 : i32 to index
      %get3A_714 = tpu.vector_load %arg5[%get3A_713] {strides = array<i32>} : memref<32768xf32, #tpu.memory_space<vmem>>, vector<16xf32>,
      %min3A_715 = arith.minimumf %while3A_697, %get3A_714 : vector<16xf32>
      %max3A = arith.maximumf %while3A_697, %get3A_714 : vector<16xf32>
      %min3A_716 = arith.minimumf %while3A_698, %max3A : vector<16xf32>
      %max3A_717 = arith.maximumf %while3A_698, %max3A : vector<16xf32>
      %min3A_718 = arith.minimumf %while3A_699, %max3A_717 : vector<16xf32>
      %max3A_719 = arith.maximumf %while3A_699, %max3A_717 : vector<16xf32>
      %min3A_720 = arith.minimumf %while3A_700, %max3A_719 : vector<16xf32>
      %max3A_721 = arith.maximumf %while3A_700, %max3A_719 : vector<16xf32>
      %min3A_722 = arith.minimumf %while3A_701, %max3A_721 : vector<16xf32>
      %max3A_723 = arith.maximumf %while3A_701, %max3A_721 : vector<16xf32>
      %min3A_724 = arith.minimumf %while3A_702, %max3A_723 : vector<16xf32>
      %add3A_725 = arith.constant 16 : i32
      %add3A_726 = arith.addi %mul3A_710, %add3A_725 : i32
      %get3A_727 = arith.index_cast %add3A_726 : i32 to index
      %get3A_728 = tpu.vector_load %arg5[%get3A_727] {strides = array<i32>} : memref<32768xf32, #tpu.memory_space<vmem>>, vector<16xf32>,
      %min3A_729 = arith.minimumf %min3A_715, %get3A_728 : vector<16xf32>
      %max3A_730 = arith.maximumf %min3A_715, %get3A_728 : vector<16xf32>
      %min3A_731 = arith.minimumf %min3A_716, %max3A_730 : vector<16xf32>
      %max3A_732 = arith.maximumf %min3A_716, %max3A_730 : vector<16xf32>
      %min3A_733 = arith.minimumf %min3A_718, %max3A_732 : vector<16xf32>
      %max3A_734 = arith.maximumf %min3A_718, %max3A_732 : vector<16xf32>
      %min3A_735 = arith.minimumf %min3A_720, %max3A_734 : vector<16xf32>
      %max3A_736 = arith.maximumf %min3A_720, %max3A_734 : vector<16xf32>
      %min3A_737 = arith.minimumf %min3A_722, %max3A_736 : vector<16xf32>
      %max3A_738 = arith.maximumf %min3A_722, %max3A_736 : vector<16xf32>
      %min3A_739 = arith.minimumf %min3A_724, %max3A_738 : vector<16xf32>
      %add3A_740 = arith.constant 32 : i32
      %add3A_741 = arith.addi %mul3A_710, %add3A_740 : i32
      %get3A_742 = arith.index_cast %add3A_741 : i32 to index
      %get3A_743 = tpu.vector_load %arg5[%get3A_742] {strides = array<i32>} : memref<32768xf32, #tpu.memory_space<vmem>>, vector<16xf32>,
      %min3A_744 = arith.minimumf %min3A_729, %get3A_743 : vector<16xf32>
      %max3A_745 = arith.maximumf %min3A_729, %get3A_743 : vector<16xf32>
      %min3A_746 = arith.minimumf %min3A_731, %max3A_745 : vector<16xf32>
      %max3A_747 = arith.maximumf %min3A_731, %max3A_745 : vector<16xf32>
      %min3A_748 = arith.minimumf %min3A_733, %max3A_747 : vector<16xf32>
      %max3A_749 = arith.maximumf %min3A_733, %max3A_747 : vector<16xf32>
      %min3A_750 = arith.minimumf %min3A_735, %max3A_749 : vector<16xf32>
      %max3A_751 = arith.maximumf %min3A_735, %max3A_749 : vector<16xf32>
      %min3A_752 = arith.minimumf %min3A_737, %max3A_751 : vector<16xf32>
      %max3A_753 = arith.maximumf %min3A_737, %max3A_751 : vector<16xf32>
      %min3A_754 = arith.minimumf %min3A_739, %max3A_753 : vector<16xf32>
      %add3A_755 = arith.constant 48 : i32
      %add3A_756 = arith.addi %mul3A_710, %add3A_755 : i32
      %get3A_757 = arith.index_cast %add3A_756 : i32 to index
      %get3A_758 = tpu.vector_load %arg5[%get3A_757] {strides = array<i32>} : memref<32768xf32, #tpu.memory_space<vmem>>, vector<16xf32>,
      %min3A_759 = arith.minimumf %min3A_744, %get3A_758 : vector<16xf32>
      %max3A_760 = arith.maximumf %min3A_744, %get3A_758 : vector<16xf32>
      %min3A_761 = arith.minimumf %min3A_746, %max3A_760 : vector<16xf32>
      %max3A_762 = arith.maximumf %min3A_746, %max3A_760 : vector<16xf32>
      %min3A_763 = arith.minimumf %min3A_748, %max3A_762 : vector<16xf32>
      %max3A_764 = arith.maximumf %min3A_748, %max3A_762 : vector<16xf32>
      %min3A_765 = arith.minimumf %min3A_750, %max3A_764 : vector<16xf32>
      %max3A_766 = arith.maximumf %min3A_750, %max3A_764 : vector<16xf32>
      %min3A_767 = arith.minimumf %min3A_752, %max3A_766 : vector<16xf32>
      %max3A_768 = arith.maximumf %min3A_752, %max3A_766 : vector<16xf32>
      %min3A_769 = arith.minimumf %min3A_754, %max3A_768 : vector<16xf32>
      scf.yield %min3A_759, %min3A_761, %min3A_763, %min3A_765, %min3A_767, %min3A_769 : vector<16xf32>, vector<16xf32>, vector<16xf32>, vector<16xf32>, vector<16xf32>, vector<16xf32>
    }
    %while3A_616 = arith.constant 1 : i32
    %while3A_617:6 = scf.for %while3A_696 = %while3A_613 to %while3A_609 step %while3A_616 iter_args(%while3A_697 = %while3A_615#0, %while3A_698 = %while3A_615#1, %while3A_699 = %while3A_615#2, %while3A_700 = %while3A_615#3, %while3A_701 = %while3A_615#4, %while3A_702 = %while3A_615#5) -> (vector<16xf32>, vector<16xf32>, vector<16xf32>, vector<16xf32>, vector<16xf32>, vector<16xf32>)  : i32 {
      %mul3A_703 = arith.constant 16 : i32
      %mul3A_704 = arith.muli %while3A_696, %mul3A_703 : i32
      %get3A_705 = arith.index_cast %mul3A_704 : i32 to index
      %get3A_706 = tpu.vector_load %arg6[%get3A_705] {strides = array<i32>} : memref<8192xi32, #tpu.memory_space<vmem>>, vector<16xi32>,
      %slice3A_707 = vector.extract_strided_slice %get3A_706 {offsets = [0], sizes = [1], strides = [1]} : vector<16xi32> to vector<1xi32>
      %squeeze3A_708 = vector.extract %slice3A_707[0] : i32 from vector<1xi32>
      %mul3A_709 = arith.constant 64 : i32
      %mul3A_710 = arith.muli %squeeze3A_708, %mul3A_709 : i32
      %add3A_711 = arith.constant 0 : i32
      %add3A_712 = arith.addi %mul3A_710, %add3A_711 : i32
      %get3A_713 = arith.index_cast %add3A_712 : i32 to index
      %get3A_714 = tpu.vector_load %arg5[%get3A_713] {strides = array<i32>} : memref<32768xf32, #tpu.memory_space<vmem>>, vector<16xf32>,
      %min3A_715 = arith.minimumf %while3A_697, %get3A_714 : vector<16xf32>
      %max3A = arith.maximumf %while3A_697, %get3A_714 : vector<16xf32>
      %min3A_716 = arith.minimumf %while3A_698, %max3A : vector<16xf32>
      %max3A_717 = arith.maximumf %while3A_698, %max3A : vector<16xf32>
      %min3A_718 = arith.minimumf %while3A_699, %max3A_717 : vector<16xf32>
      %max3A_719 = arith.maximumf %while3A_699, %max3A_717 : vector<16xf32>
      %min3A_720 = arith.minimumf %while3A_700, %max3A_719 : vector<16xf32>
      %max3A_721 = arith.maximumf %while3A_700, %max3A_719 : vector<16xf32>
      %min3A_722 = arith.minimumf %while3A_701, %max3A_721 : vector<16xf32>
      %max3A_723 = arith.maximumf %while3A_701, %max3A_721 : vector<16xf32>
      %min3A_724 = arith.minimumf %while3A_702, %max3A_723 : vector<16xf32>
      %add3A_725 = arith.constant 16 : i32
      %add3A_726 = arith.addi %mul3A_710, %add3A_725 : i32
      %get3A_727 = arith.index_cast %add3A_726 : i32 to index
      %get3A_728 = tpu.vector_load %arg5[%get3A_727] {strides = array<i32>} : memref<32768xf32, #tpu.memory_space<vmem>>, vector<16xf32>,
      %min3A_729 = arith.minimumf %min3A_715, %get3A_728 : vector<16xf32>
      %max3A_730 = arith.maximumf %min3A_715, %get3A_728 : vector<16xf32>
      %min3A_731 = arith.minimumf %min3A_716, %max3A_730 : vector<16xf32>
      %max3A_732 = arith.maximumf %min3A_716, %max3A_730 : vector<16xf32>
      %min3A_733 = arith.minimumf %min3A_718, %max3A_732 : vector<16xf32>
      %max3A_734 = arith.maximumf %min3A_718, %max3A_732 : vector<16xf32>
      %min3A_735 = arith.minimumf %min3A_720, %max3A_734 : vector<16xf32>
      %max3A_736 = arith.maximumf %min3A_720, %max3A_734 : vector<16xf32>
      %min3A_737 = arith.minimumf %min3A_722, %max3A_736 : vector<16xf32>
      %max3A_738 = arith.maximumf %min3A_722, %max3A_736 : vector<16xf32>
      %min3A_739 = arith.minimumf %min3A_724, %max3A_738 : vector<16xf32>
      %add3A_740 = arith.constant 32 : i32
      %add3A_741 = arith.addi %mul3A_710, %add3A_740 : i32
      %get3A_742 = arith.index_cast %add3A_741 : i32 to index
      %get3A_743 = tpu.vector_load %arg5[%get3A_742] {strides = array<i32>} : memref<32768xf32, #tpu.memory_space<vmem>>, vector<16xf32>,
      %min3A_744 = arith.minimumf %min3A_729, %get3A_743 : vector<16xf32>
      %max3A_745 = arith.maximumf %min3A_729, %get3A_743 : vector<16xf32>
      %min3A_746 = arith.minimumf %min3A_731, %max3A_745 : vector<16xf32>
      %max3A_747 = arith.maximumf %min3A_731, %max3A_745 : vector<16xf32>
      %min3A_748 = arith.minimumf %min3A_733, %max3A_747 : vector<16xf32>
      %max3A_749 = arith.maximumf %min3A_733, %max3A_747 : vector<16xf32>
      %min3A_750 = arith.minimumf %min3A_735, %max3A_749 : vector<16xf32>
      %max3A_751 = arith.maximumf %min3A_735, %max3A_749 : vector<16xf32>
      %min3A_752 = arith.minimumf %min3A_737, %max3A_751 : vector<16xf32>
      %max3A_753 = arith.maximumf %min3A_737, %max3A_751 : vector<16xf32>
      %min3A_754 = arith.minimumf %min3A_739, %max3A_753 : vector<16xf32>
      %add3A_755 = arith.constant 48 : i32
      %add3A_756 = arith.addi %mul3A_710, %add3A_755 : i32
      %get3A_757 = arith.index_cast %add3A_756 : i32 to index
      %get3A_758 = tpu.vector_load %arg5[%get3A_757] {strides = array<i32>} : memref<32768xf32, #tpu.memory_space<vmem>>, vector<16xf32>,
      %min3A_759 = arith.minimumf %min3A_744, %get3A_758 : vector<16xf32>
      %max3A_760 = arith.maximumf %min3A_744, %get3A_758 : vector<16xf32>
      %min3A_761 = arith.minimumf %min3A_746, %max3A_760 : vector<16xf32>
      %max3A_762 = arith.maximumf %min3A_746, %max3A_760 : vector<16xf32>
      %min3A_763 = arith.minimumf %min3A_748, %max3A_762 : vector<16xf32>
      %max3A_764 = arith.maximumf %min3A_748, %max3A_762 : vector<16xf32>
      %min3A_765 = arith.minimumf %min3A_750, %max3A_764 : vector<16xf32>
      %max3A_766 = arith.maximumf %min3A_750, %max3A_764 : vector<16xf32>
      %min3A_767 = arith.minimumf %min3A_752, %max3A_766 : vector<16xf32>
      %max3A_768 = arith.maximumf %min3A_752, %max3A_766 : vector<16xf32>
      %min3A_769 = arith.minimumf %min3A_754, %max3A_768 : vector<16xf32>
      scf.yield %min3A_759, %min3A_761, %min3A_763, %min3A_765, %min3A_767, %min3A_769 : vector<16xf32>, vector<16xf32>, vector<16xf32>, vector<16xf32>, vector<16xf32>, vector<16xf32>
    }
    %sort3A_618 = arith.constant dense<true> : vector<16xi1>
    %sort3A_619, %sort3A_620, %sort3A_621 = tpu.sort %while3A_617#0, %while3A_617#0 masked %sort3A_618 : (vector<16xf32>, vector<16xf32>, vector<16xi1>) -> (vector<16xi1>, vector<16xf32>, vector<16xf32>)
    %sort3A_622 = arith.constant dense<true> : vector<16xi1>
    %sort3A_623, %sort3A_624, %sort3A_625 = tpu.sort %while3A_617#1, %while3A_617#1 masked %sort3A_622 : (vector<16xf32>, vector<16xf32>, vector<16xi1>) -> (vector<16xi1>, vector<16xf32>, vector<16xf32>)
    %rev3A_626 = arith.constant 15 : i32
    %rev3A_627 = vector.broadcast %rev3A_626 : i32 to vector<16xi32>
    %rev3A_628 = tpu.iota {dimensions = array<i32: 0>} : vector<16xi32>
    %rev3A_629 = arith.subi %rev3A_627, %rev3A_628 : vector<16xi32>
    %rev3A_630 = tpu.dynamic_gather %sort3A_624[%rev3A_629] in [0] : vector<16xf32>, vector<16xi32> -> vector<16xf32>
    %min3A_631 = arith.minimumf %sort3A_620, %rev3A_630 : vector<16xf32>
    %sort3A_632 = arith.constant dense<true> : vector<16xi1>
    %sort3A_633, %sort3A_634, %sort3A_635 = tpu.sort %min3A_631, %min3A_631 masked %sort3A_632 : (vector<16xf32>, vector<16xf32>, vector<16xi1>) -> (vector<16xi1>, vector<16xf32>, vector<16xf32>)
    %sort3A_636 = arith.constant dense<true> : vector<16xi1>
    %sort3A_637, %sort3A_638, %sort3A_639 = tpu.sort %while3A_617#2, %while3A_617#2 masked %sort3A_636 : (vector<16xf32>, vector<16xf32>, vector<16xi1>) -> (vector<16xi1>, vector<16xf32>, vector<16xf32>)
    %rev3A_640 = arith.constant 15 : i32
    %rev3A_641 = vector.broadcast %rev3A_640 : i32 to vector<16xi32>
    %rev3A_642 = tpu.iota {dimensions = array<i32: 0>} : vector<16xi32>
    %rev3A_643 = arith.subi %rev3A_641, %rev3A_642 : vector<16xi32>
    %rev3A_644 = tpu.dynamic_gather %sort3A_638[%rev3A_643] in [0] : vector<16xf32>, vector<16xi32> -> vector<16xf32>
    %min3A_645 = arith.minimumf %sort3A_634, %rev3A_644 : vector<16xf32>
    %sort3A_646 = arith.constant dense<true> : vector<16xi1>
    %sort3A_647, %sort3A_648, %sort3A_649 = tpu.sort %min3A_645, %min3A_645 masked %sort3A_646 : (vector<16xf32>, vector<16xf32>, vector<16xi1>) -> (vector<16xi1>, vector<16xf32>, vector<16xf32>)
    %sort3A_650 = arith.constant dense<true> : vector<16xi1>
    %sort3A_651, %sort3A_652, %sort3A_653 = tpu.sort %while3A_617#3, %while3A_617#3 masked %sort3A_650 : (vector<16xf32>, vector<16xf32>, vector<16xi1>) -> (vector<16xi1>, vector<16xf32>, vector<16xf32>)
    %rev3A_654 = arith.constant 15 : i32
    %rev3A_655 = vector.broadcast %rev3A_654 : i32 to vector<16xi32>
    %rev3A_656 = tpu.iota {dimensions = array<i32: 0>} : vector<16xi32>
    %rev3A_657 = arith.subi %rev3A_655, %rev3A_656 : vector<16xi32>
    %rev3A_658 = tpu.dynamic_gather %sort3A_652[%rev3A_657] in [0] : vector<16xf32>, vector<16xi32> -> vector<16xf32>
    %min3A_659 = arith.minimumf %sort3A_648, %rev3A_658 : vector<16xf32>
    %sort3A_660 = arith.constant dense<true> : vector<16xi1>
    %sort3A_661, %sort3A_662, %sort3A_663 = tpu.sort %min3A_659, %min3A_659 masked %sort3A_660 : (vector<16xf32>, vector<16xf32>, vector<16xi1>) -> (vector<16xi1>, vector<16xf32>, vector<16xf32>)
    %sort3A_664 = arith.constant dense<true> : vector<16xi1>
    %sort3A_665, %sort3A_666, %sort3A_667 = tpu.sort %while3A_617#4, %while3A_617#4 masked %sort3A_664 : (vector<16xf32>, vector<16xf32>, vector<16xi1>) -> (vector<16xi1>, vector<16xf32>, vector<16xf32>)
    %rev3A_668 = arith.constant 15 : i32
    %rev3A_669 = vector.broadcast %rev3A_668 : i32 to vector<16xi32>
    %rev3A_670 = tpu.iota {dimensions = array<i32: 0>} : vector<16xi32>
    %rev3A_671 = arith.subi %rev3A_669, %rev3A_670 : vector<16xi32>
    %rev3A_672 = tpu.dynamic_gather %sort3A_666[%rev3A_671] in [0] : vector<16xf32>, vector<16xi32> -> vector<16xf32>
    %min3A_673 = arith.minimumf %sort3A_662, %rev3A_672 : vector<16xf32>
    %sort3A_674 = arith.constant dense<true> : vector<16xi1>
    %sort3A_675, %sort3A_676, %sort3A_677 = tpu.sort %min3A_673, %min3A_673 masked %sort3A_674 : (vector<16xf32>, vector<16xf32>, vector<16xi1>) -> (vector<16xi1>, vector<16xf32>, vector<16xf32>)
    %sort3A_678 = arith.constant dense<true> : vector<16xi1>
    %sort3A_679, %sort3A_680, %sort3A_681 = tpu.sort %while3A_617#5, %while3A_617#5 masked %sort3A_678 : (vector<16xf32>, vector<16xf32>, vector<16xi1>) -> (vector<16xi1>, vector<16xf32>, vector<16xf32>)
    %rev3A_682 = arith.constant 15 : i32
    %rev3A_683 = vector.broadcast %rev3A_682 : i32 to vector<16xi32>
    %rev3A_684 = tpu.iota {dimensions = array<i32: 0>} : vector<16xi32>
    %rev3A_685 = arith.subi %rev3A_683, %rev3A_684 : vector<16xi32>
    %rev3A_686 = tpu.dynamic_gather %sort3A_680[%rev3A_685] in [0] : vector<16xf32>, vector<16xi32> -> vector<16xf32>
    %min3A_687 = arith.minimumf %sort3A_676, %rev3A_686 : vector<16xf32>
    %sort3A_688 = arith.constant dense<true> : vector<16xi1>
    %sort3A_689, %sort3A_690, %sort3A_691 = tpu.sort %min3A_687, %min3A_687 masked %sort3A_688 : (vector<16xf32>, vector<16xf32>, vector<16xi1>) -> (vector<16xi1>, vector<16xf32>, vector<16xf32>)
    %swap3A_692 = arith.constant 3 : i32
    %swap3A_693 = arith.index_cast %swap3A_692 : i32 to index
    %swap3A_694 = arith.constant 0 : index
    %swap3A_695 = tpu.vector_load %arg7[%swap3A_693, %swap3A_694] {strides = array<i32>} : memref<4x16xf32, #tpu.memory_space<vmem>>, vector<16xf32>,
    tpu.vector_store %arg7[%swap3A_693, %swap3A_694], %sort3A_690 {strides = array<i32>} : memref<4x16xf32, #tpu.memory_space<vmem>>, vector<16xf32>,
    "tpu.region"() ({
      %run_scoped3A = tpu.sem_alloc : memref<!tpu.dma_semaphore, #tpu.memory_space<semaphore_mem>>
      %dma_start3A_696 = arith.constant 0 : i32
      %dma_start3A_697 = tpu.memref_slice %arg3[%mul3A_2, %dma_start3A_696] : memref<128x16xf32, #tpu.memory_space<hbm>> -> memref<4x16xf32, #tpu.memory_space<hbm>>
      %dma_start3A_698 = arith.constant 0 : i32
      %dma_start3A_699 = tpu.memref_slice %arg3[%mul3A_2, %dma_start3A_698] : memref<128x16xf32, #tpu.memory_space<hbm>> -> memref<4x16xf32, #tpu.memory_space<hbm>>
      tpu.enqueue_dma source(%arg7 : memref<4x16xf32, #tpu.memory_space<vmem>>) target(%dma_start3A_699 : memref<4x16xf32, #tpu.memory_space<hbm>>) target_semaphore(%run_scoped3A : memref<!tpu.dma_semaphore, #tpu.memory_space<semaphore_mem>>)
      %dma_wait3A_700 = arith.constant 0 : i32
      %dma_wait3A_701 = tpu.memref_slice %arg3[%mul3A_2, %dma_wait3A_700] : memref<128x16xf32, #tpu.memory_space<hbm>> -> memref<4x16xf32, #tpu.memory_space<hbm>>
      %dma_wait3A_702 = arith.constant 0 : i32
      %dma_wait3A_703 = tpu.memref_slice %arg3[%mul3A_2, %dma_wait3A_702] : memref<128x16xf32, #tpu.memory_space<hbm>> -> memref<4x16xf32, #tpu.memory_space<hbm>>
      tpu.wait_dma2 semaphore(%run_scoped3A : memref<!tpu.dma_semaphore, #tpu.memory_space<semaphore_mem>>) src(%arg7 : memref<4x16xf32, #tpu.memory_space<vmem>>) dst(%dma_wait3A_703 : memref<4x16xf32, #tpu.memory_space<hbm>>)
      tpu.yield
    }) : () -> ()
    return
  }
}

module attributes {stable_mosaic.version = 14 : i64} {
  func.func @_tc_comb_body(%arg0: memref<128x16xf32, #tpu.memory_space<vmem>>, %arg1: memref<128x1xf32, #tpu.memory_space<vmem>>, %arg2: memref<1x1xf32, #tpu.memory_space<smem>>) attributes {dimension_semantics = [], scalar_prefetch = 0 : i64, scratch_operands = 0 : i64, tpu.core_type = #tpu.core_type<tc>} {
    %get3A = arith.constant 0 : index
    %get3A_0 = arith.constant 0 : index
    %get3A_1 = vector.load %arg0[%get3A, %get3A_0] : memref<128x16xf32, #tpu.memory_space<vmem>>, vector<128x16xf32>
    %exp3A = math.exp %get3A_1 : vector<128x16xf32>
    %get3A_2 = arith.constant 0 : index
    %get3A_3 = arith.constant 0 : index
    %get3A_4 = vector.load %arg1[%get3A_2, %get3A_3] : memref<128x1xf32, #tpu.memory_space<vmem>>, vector<128x1xf32>
    %div3A = vector.broadcast %get3A_4 : vector<128x1xf32> to vector<128x16xf32>
    %div3A_5 = arith.divf %exp3A, %div3A : vector<128x16xf32>
    %sub3A = arith.constant 9.99999974E-6 : f32
    %sub3A_6 = vector.broadcast %sub3A : f32 to vector<128x16xf32>
    %sub3A_7 = arith.subf %sub3A_6, %div3A_5 : vector<128x16xf32>
    %mul3A = arith.mulf %sub3A_7, %sub3A_7 : vector<128x16xf32>
    %mul3A_8 = arith.constant 5.000000e-01 : f32
    %mul3A_9 = vector.broadcast %mul3A_8 : f32 to vector<128x16xf32>
    %mul3A_10 = arith.mulf %mul3A, %mul3A_9 : vector<128x16xf32>
    %sub3A_11 = arith.subf %mul3A_10, %sub3A_7 : vector<128x16xf32>
    %iota3A = tpu.iota {dimensions = array<i32: 1>} : vector<128x16xi32>
    %lt3A = arith.constant 6 : i32
    %lt3A_12 = vector.broadcast %lt3A : i32 to vector<128x16xi32>
    %lt3A_13 = arith.cmpi slt, %iota3A, %lt3A_12 : vector<128x16xi32>
    %jit3A = arith.constant 0.000000e+00 : f32
    %broadcast_in_dim3A = vector.broadcast %jit3A : f32 to vector<128x16xf32>
    %select_n3A = arith.select %lt3A_13, %sub3A_11, %broadcast_in_dim3A : vector<128x16xi1>, vector<128x16xf32>
    %reduce_sum3A = vector.shape_cast %select_n3A : vector<128x16xf32> to vector<1x128x16xf32>
    %reduce_sum3A_14 = arith.constant dense<0.000000e+00> : vector<1xf32>
    %reduce_sum3A_15 = vector.multi_reduction <add>, %reduce_sum3A, %reduce_sum3A_14 [1, 2] : vector<1x128x16xf32> to vector<1xf32>
    %reduce_sum3A_16 = vector.shape_cast %reduce_sum3A_15 : vector<1xf32> to vector<1x1x1xf32>
    %reduce_sum3A_17 = vector.extract %reduce_sum3A_16[0, 0, 0] : f32 from vector<1x1x1xf32>
    %mul3A_18 = arith.constant 0.00130208337 : f32
    %mul3A_19 = arith.mulf %reduce_sum3A_17, %mul3A_18 : f32
    %swap3A = arith.constant 0 : index
    %swap3A_20 = arith.constant 0 : index
    %swap3A_21 = memref.load %arg2[%swap3A, %swap3A_20] : memref<1x1xf32, #tpu.memory_space<smem>>
    memref.store %mul3A_19, %arg2[%swap3A, %swap3A_20] : memref<1x1xf32, #tpu.memory_space<smem>>
    return
  }
}

module attributes {stable_mosaic.version = 14 : i64} {
  func.func @_tc_rowsum_body(%arg0: i32, %arg1: memref<128x4096xf32, #tpu.memory_space<vmem>>, %arg2: memref<128x1xf32, #tpu.memory_space<vmem>>) attributes {dimension_semantics = [#tpu.dimension_semantics<arbitrary>], iteration_bounds = array<i64: 8>, scalar_prefetch = 0 : i64, scratch_operands = 0 : i64, tpu.core_type = #tpu.core_type<tc>, window_params = [{transform_indices = @transform_0, window_bounds = array<i64: 128, 4096>}, {pipeline_mode = #tpu.pipeline_mode<synchronous>, transform_indices = @transform_1, window_bounds = array<i64: 128, 1>}]} {
    %get3A = arith.constant 0 : index
    %get3A_0 = arith.constant 0 : index
    %get3A_1 = vector.load %arg1[%get3A, %get3A_0] : memref<128x4096xf32, #tpu.memory_space<vmem>>, vector<128x4096xf32>
    %exp3A = math.exp %get3A_1 : vector<128x4096xf32>
    %reduce_sum3A = arith.constant dense<0.000000e+00> : vector<128xf32>
    %reduce_sum3A_2 = vector.multi_reduction <add>, %exp3A, %reduce_sum3A [1] : vector<128x4096xf32> to vector<128xf32>
    %broadcast_in_dim3A = vector.shape_cast %reduce_sum3A_2 : vector<128xf32> to vector<128x1xf32>
    %eq3A = arith.constant 0 : i32
    %eq3A_3 = arith.cmpi eq, %arg0, %eq3A : i32
    %convert_element_type3A = arith.extui %eq3A_3 : i1 to i32
    %cond3A = arith.constant 0 : i32
    %cond3A_4 = arith.cmpi ne, %convert_element_type3A, %cond3A : i32
    scf.if %cond3A_4 {
      %swap3A = arith.constant 0 : index
      %swap3A_9 = arith.constant 0 : index
      %swap3A_10 = vector.load %arg2[%swap3A, %swap3A_9] : memref<128x1xf32, #tpu.memory_space<vmem>>, vector<128x1xf32>
      tpu.vector_store %arg2[%swap3A, %swap3A_9], %broadcast_in_dim3A {strides = array<i32>} : memref<128x1xf32, #tpu.memory_space<vmem>>, vector<128x1xf32>,
    } else {
    }
    %gt3A = arith.constant 0 : i32
    %gt3A_5 = arith.cmpi sgt, %arg0, %gt3A : i32
    %convert_element_type3A_6 = arith.extui %gt3A_5 : i1 to i32
    %cond3A_7 = arith.constant 0 : i32
    %cond3A_8 = arith.cmpi ne, %convert_element_type3A_6, %cond3A_7 : i32
    scf.if %cond3A_8 {
      %get3A_9 = arith.constant 0 : index
      %get3A_10 = arith.constant 0 : index
      %get3A_11 = vector.load %arg2[%get3A_9, %get3A_10] : memref<128x1xf32, #tpu.memory_space<vmem>>, vector<128x1xf32>
      %add3A = arith.addf %get3A_11, %broadcast_in_dim3A : vector<128x1xf32>
      %swap3A = arith.constant 0 : index
      %swap3A_12 = arith.constant 0 : index
      %swap3A_13 = vector.load %arg2[%swap3A, %swap3A_12] : memref<128x1xf32, #tpu.memory_space<vmem>>, vector<128x1xf32>
      tpu.vector_store %arg2[%swap3A, %swap3A_12], %add3A {strides = array<i32>} : memref<128x1xf32, #tpu.memory_space<vmem>>, vector<128x1xf32>,
    } else {
    }
    return
  }
  func.func @transform_0(%arg0: i32) -> (i32, i32) {
    %c0_i32 = arith.constant 0 : i32
    %c0_i32_0 = arith.constant 0 : i32
    return %c0_i32, %arg0 : i32, i32
  }
  func.func @transform_1(%arg0: i32) -> (i32, i32) {
    %c0_i32 = arith.constant 0 : i32
    %c0_i32_0 = arith.constant 0 : i32
    %c0_i32_1 = arith.constant 0 : i32
    return %c0_i32, %c0_i32_0 : i32, i32
  }
}

</mosaic_0001>

<sc_bundles>
// kernel: kernel.5.cloned.1.call-start
scs
__scs_entry_jumppad:
0x0: {  	(pc) =	sbr.rel $0x88, $3  }
0x1: {  	(tag) =	ssettag $0x0;
	lr =	simm.s32 $0x1  }
0x2: {  	[smem:$0x3FA0] =	sst lr;
	_ =	strace $0xD0000000  }
0x3: {  	_ = 	snop  }
0x4: {  	_ = 	snop  }
0x5: {  	_ = 	snop  }
0x6: {  	_ = 	snop  }
0x7: {  	_ = 	snop  }
__scs_overlays_trampoline_lowered:
0x8: {  	[smem:$0x3FAF] =	sst s0  }
0x9: {  	[smem:$0x3FB0] =	sst s1  }
0xa: {  	[smem:$0x3FB1] =	sst s2  }
0xb: {  	[smem:$0x3FB2] =	sst s3  }
0xc: {  	[smem:$0x3FB3] =	sst s4  }
0xd: {  	[smem:$0x3FB4] =	sst s5  }
0xe: {  	[smem:$0x3FB5] =	sst s6  }
0xf: {  	[smem:$0x3FB6] =	sst s7  }
0x10: {  	[smem:$0x3FB7] =	sst s8  }
0x11: {  	[smem:$0x3FB8] =	sst s9;
	s0 =	simm.s32 @!p0 $0x0  }
0x12: {  	s1 =	sld [smem:$0x3F9E];
	s0 =	simm.s32 @p0 $0x1  }
0x13: {  	[smem:$0x3FB9] =	sst s0;
	s0 =	simm.s32 @!p1 $0x0  }
0x14: {  	s2 =	sld [smem:$0x3F9D];
	s0 =	simm.s32 @p1 $0x1  }
0x15: {  	[smem:$0x3FBA] =	sst s0;
	s0 =	simm.s32 @!p2 $0x0  }
0x16: {  	s3 =	sld [smem:$0x3FDB];
	s0 =	simm.s32 @p2 $0x1  }
0x17: {  	s4 =	simm.s32 $0x1BF5;
	[smem:$0x3FBC] =	sst s0  }
0x18: {  	s0 =	sld [smem:$0x3F9F];
	_ =	swait.ge [sflag:s4], $0x0  }
0x19: {  	s7 =	sld [smem:$0x3FA0]  }
0x1a: {  	s8 =	sadd.s32 $0xFFFFE003, lr  }
0x1b: {  	s9 =	sadd.s32 $0xFFFFFEF7, lr;
	s5 =	simm.s32 $0xFFFFFFFF;
	p2 =	slt.u32 s8, $0xFFFFF086  }
0x1c: {  	p1 =	slt.u32 s9, $0xF7A;
	s5 =	simm.s32 @!p2 $0x0  }
0x1d: {  	s5 =	simm.s32 @p1 $0x1;
	p0 =	seq.s32 s7, s2  }
0x1e: {  	s7 =	smul.u32 @!p0 $0xF7A, s2;
	p2 =	seq.s32 @!p0 s5, $0x0  }
0x1f: {  	s9 =	smul.u32 $0xF7A, s1;
	s8 =	simm.s32 @!p0 $0x1BF5;
	p2 =	por !p2, p0  }
0x20: {  	[sflag:s8] =	ssyncset.s32 @!p0 $0xFFFFF086;
	s6 =	sadd.s32 @!p0 s3, s7;
	s7 =	simm.s32 @!p0 $0x108  }
0x21: {  	s3 =	sadd.s32 s3, s9;
	s6 =	sadd.s32 @!p0 $0x88, s6;
	s7 =	simm.s32 @p2 $0x1082  }
0x22: {  	[simem:s7], [sflag:s8] =	dma.local @!p0 [hbm:s6], $0xF7A  }
0x23: {  	s9 =	sor.u32 $0xD0000000, s2;
	s6 =	simm.s32 $0x108;
	_ =	swait.ge @!p0 [sflag:s8], $0x0  }
0x24: {  	s3 =	sadd.s32 $0x88, s3;
	s6 =	simm.s32 @!p1 $0x1082;
	[sflag:s4] =	ssyncset.s32 $0xFFFFF086  }
0x25: {  	[simem:s6], [sflag:s4] =	dma.local [hbm:s3], $0xF7A  }
0x26: {  	[smem:$0x3FA0] =	sst s1;
	(tag) =	ssettag s2;
	_ =	strace s9  }
0x27: {  	s1 =	sld [smem:$0x3FB0]  }
0x28: {  	s2 =	sld [smem:$0x3FB1]  }
0x29: {  	s4 =	sld [smem:$0x3FB3]  }
0x2a: {  	p0 =	seq.s32 s5, $0x0;
	s5 =	sld [smem:$0x3FB4]  }
0x2b: {  	s6 =	sld [smem:$0x3FB5]  }
0x2c: {  	s7 =	sld [smem:$0x3FB6]  }
0x2d: {  	s3 =	simm.s32 $0x108;
	s8 =	sld [smem:$0x3FB7]  }
0x2e: {  	s3 =	simm.s32 @!p0 $0x1082;
	s9 =	sld [smem:$0x3FB8]  }
0x2f: {  	lr =	sadd.s32 s0, s3;
	s0 =	sld [smem:$0x3FAF]  }
0x30: {  	s3 =	sld [smem:$0x3FB2]  }
0x31: {  	[smem:$0x3FBB] =	sst s10  }
0x32: {  	s10 =	sld [smem:$0x3FB9];
	_ =	sdelay $0x3  }
0x33: {  	p0 =	seq.s32 s10, $0x1;
	s10 =	sld [smem:$0x3FBB];
	_ =	sdelay $0x3  }
0x34: {  	[smem:$0x3FBB] =	sst s10  }
0x35: {  	s10 =	sld [smem:$0x3FBA];
	_ =	sdelay $0x3  }
0x36: {  	p1 =	seq.s32 s10, $0x1;
	s10 =	sld [smem:$0x3FBB];
	_ =	sdelay $0x3  }
0x37: {  	[smem:$0x3FBB] =	sst s10  }
0x38: {  	s10 =	sld [smem:$0x3FBC]  }
0x39: {  	_ = 	snop;
	(pc) =	sbr.ind lr, $3  }
0x3a: {  	_ = 	snop  }
0x3b: {  	_ = 	snop  }
0x3c: {  	p2 =	seq.s32 s10, $0x1;
	s10 =	sld [smem:$0x3FBB]  }
0x3d: {  	_ =	shalt  }
0x3e: {  	_ =	shalt  }
0x3f: {  	_ =	shalt  }
0x40: {  	_ =	shalt  }
0x41: {  	_ =	shalt  }
0x42: {  	_ =	shalt  }
0x43: {  	_ =	shalt  }
0x44: {  	_ =	shalt  }
0x45: {  	_ =	shalt  }
0x46: {  	_ =	shalt  }
0x47: {  	_ =	shalt  }
0x48: {  	_ =	shalt  }
0x49: {  	_ =	shalt  }
0x4a: {  	_ =	shalt  }
0x4b: {  	_ =	shalt  }
0x4c: {  	_ =	shalt  }
0x4d: {  	_ =	shalt  }
0x4e: {  	_ =	shalt  }
0x4f: {  	_ =	shalt  }
0x50: {  	_ =	shalt  }
0x51: {  	_ =	shalt  }
0x52: {  	_ =	shalt  }
0x53: {  	_ =	shalt  }
0x54: {  	_ =	shalt  }
0x55: {  	_ =	shalt  }
0x56: {  	_ =	shalt  }
0x57: {  	_ =	shalt  }
0x58: {  	_ =	shalt  }
0x59: {  	_ =	shalt  }
0x5a: {  	_ =	shalt  }
0x5b: {  	_ =	shalt  }
0x5c: {  	_ =	shalt  }
0x5d: {  	_ =	shalt  }
0x5e: {  	_ =	shalt  }
0x5f: {  	_ =	shalt  }
0x60: {  	_ =	shalt  }
0x61: {  	_ =	shalt  }
0x62: {  	_ =	shalt  }
0x63: {  	_ =	shalt  }
0x64: {  	_ =	shalt  }
0x65: {  	_ =	shalt  }
0x66: {  	_ =	shalt  }
0x67: {  	_ =	shalt  }
0x68: {  	_ =	shalt  }
0x69: {  	_ =	shalt  }
0x6a: {  	_ =	shalt  }
0x6b: {  	_ =	shalt  }
0x6c: {  	_ =	shalt  }
0x6d: {  	_ =	shalt  }
0x6e: {  	_ =	shalt  }
0x6f: {  	_ =	shalt  }
0x70: {  	_ =	shalt  }
0x71: {  	_ =	shalt  }
0x72: {  	_ =	shalt  }
0x73: {  	_ =	shalt  }
0x74: {  	_ =	shalt  }
0x75: {  	_ =	shalt  }
0x76: {  	_ =	shalt  }
0x77: {  	_ =	shalt  }
0x78: {  	_ =	shalt  }
0x79: {  	_ =	shalt  }
0x7a: {  	_ =	shalt  }
0x7b: {  	_ =	shalt  }
0x7c: {  	_ =	shalt  }
0x7d: {  	_ =	shalt  }
0x7e: {  	_ =	shalt  }
0x7f: {  	_ =	shalt  }
0x80: {  	_ =	shalt  }
0x81: {  	_ =	shalt  }
0x82: {  	_ =	shalt  }
0x83: {  	_ =	shalt  }
0x84: {  	_ =	shalt  }
0x85: {  	_ =	shalt  }
0x86: {  	_ =	shalt  }
0x87: {  	_ =	shalt  }
.Lfunc_end0:
.L_simem_size_0:
called_computation_lowered:
.L_overlay_start_0:
0x88: {  	s2 =	sld [smem:$0x3FD9]  }
0x89: {  	s3 =	sld [smem:$0x3FFE];
	_ =	sdelay $0x1  }
0x8a: {  	s1 =	srdreg.scid  }
0x8b: {  	s0 =	sand.u32 $0x1, s1  }
0x8c: {  	s17 =	sshll.u32 s0, $0xA;
	s2 =	sadd.s32 s3, s2  }
0x8d: {  	s2 =	sadd.s32 s2, s17  }
0x8e: {  	[smem:$0x3FC7] =	sst s2  }
0x8f: {  	_ = 	snop  }
0x90: {  	s2 =	sld [smem:$0x3FC9];
	(tm) =	ssettm $0x1  }
0x91: {  	s18 =	sld [smem:$0x3FFB];
	_ =	sdelay $0x3  }
0x92: {  	_ =	strace s18  }
0x93: {  	s3 =	sld [smem:$0x3FFC];
	_ =	sdelay $0x3  }
0x94: {  	_ =	strace s3  }
0x95: {  	s3 =	sld [smem:$0x3FFD];
	_ =	sdelay $0x3  }
0x96: {  	_ =	strace s3  }
0x97: {  	_ =	strace $0x8FFFFFFF  }
0x98: {  	s19 =	sld [smem:$0x3FDB];
	_ =	sdelay $0x1  }
0x99: {  	s4 =	simm.s32 $_scs_section_size  }
0x9a: {  	s5 =	simm.s32 $_size__tile_overlayer_lowered;
	s6 =	simm.s32 $_tile_overlayer_lowered  }
0x9b: {  	s22 =	simm.s32 $0x1BFF;
	s21 =	sshll.u32 s6, $0x1;
	s3 =	sadd.s32 s4, s19  }
0x9c: {  	s7 =	simm.s32 $0x0;
	s20 =	sshll.u32 s5, $0x1;
	s5 =	sadd.s32 s21, s3  }
0x9d: {  	[timem:s7], [sflag:s22] =	dma.local [hbm:s5], s20  }
0x9e: {  	_ =	swait.ge [sflag:s22], s20  }
0x9f: {  	s4 =	ssub.s32 $0x0, s20;
	[sflag:s22] =	ssyncset.done $0x0  }
0xa0: {  	[sflag:s22] =	ssyncadd.s32 s4;
	_ =	sdelay $0x1  }
0xa1: {  	s23 =	simm.s32 $0x1B8B  }
0xa2: {  	_ =	swait.ge [sflag:s23], $0x1  }
0xa3: {  	[sflag:s23] =	ssyncset.done $0x0  }
0xa4: {  	s25 =	simm.s32 $0x1B8E;
	s24 =	sld [smem:$0x3FFE];
	[sflag:s23] =	ssyncadd.s32 $0xFFFFFFFF  }
0xa5: {  	s26 =	simm.s32 $execute0_lowered;
	[smem:$0x3FD2] =	sst s25  }
0xa6: {  	s5 =	sshll.u32 s26, $0x1;
	_ =	strace $0x80000046;
	[dreg:$0x1] =	wrdreg $0xFFFFFFFF  }
0xa7: {  	s28 =	simm.s32 $_size_execute0_lowered;
	s3 =	sadd.s32 s3, s5;
	[dreg:$0x0] =	wrdreg $0x0  }
0xa8: {  	s5 =	sshll.u32 s28, $0x1;
	[dreg:$0x2] =	wrdreg s3  }
0xa9: {  	[dreg:$0x3] =	wrdreg s5  }
0xaa: {  	[dreg:$0x4] =	wrdreg $0xC0  }
0xab: {  	_ =	task [dreg:s7], $0x5FFFF  }
0xac: {  	[dreg:$0x1] =	wrdreg $0xFFFFFFFF  }
0xad: {  	[dreg:$0x0] =	wrdreg $0x60  }
0xae: {  	[dreg:$0x2] =	wrdreg s2  }
0xaf: {  	[dreg:$0x3] =	wrdreg s24  }
0xb0: {  	[dreg:$0x4] =	wrdreg $0x9  }
0xb1: {  	_ =	task.clear_ibuf [dreg:s7], $0x5FFFF;
	_ =	strace $0x90000046  }
0xb2: {  	s29 =	simm.s32 $0x9;
	_ =	strace $0x80000048  }
0xb3: {  	_ =	swait.ge [sflag:s29], $0x1  }
0xb4: {  	[sflag:s29] =	ssyncadd.s32 $0xFFFFFFFF  }
0xb5: {  	_ =	strace $0x90000048  }
0xb6: {  	_ =	sfence  }
0xb7: {  	s30 =	sld [smem:$0x0];
	_ =	sdelay $0x2  }
0xb8: {  	s31 =	sshll.u32 s1, $0xD;
	s1 =	sshrl.u32 s1, $0x2  }
0xb9: {  	s3 =	sand.u32 $0x4000, s31;
	s1 =	sadd.s32 s1, s30  }
0xba: {  	s0 =	sor.u32 s3, s0;
	s1 =	sshll.u32 s1, $0x11  }
0xbb: {  	s0 =	sor.u32 s1, s0  }
0xbc: {  	s0 =	sadd.s32 $0x8F2B, s0  }
0xbd: {  	[sflag:s0] =	ssyncadd.remote.s32 $0x1  }
0xbe: {  	_ =	sfence.sel $0xFFFF  }
0xbf: {  	[dreg:$0x0] =	wrdreg $0xFFFFFFFF;
	(pc) =	sbr.abs _section_cstart, $3  }
0xc0: {  	[dreg:$0x1] =	wrdreg $0xFFFFFFFF  }
0xc1: {  	_ =	task.clear_ibuf [dreg:s7], $0x2FFFF;
	_ =	strace $0x9FFFFFFF  }
0xc2: {  	(tm) =	ssettm $0x7FFFFFFF  }
0xc3: {  	_ =	shalt  }
tec
execute0_lowered:
.L_overlay_start_1:
0x0: {  	(tag) =	ssettag $0x1  }
0x1: {  	s3 =	rddreg [dreg:$0x0]  }
0x2: {  	s4 =	rddreg [dreg:$0x1]  }
0x3: {  	s0 =	rddreg [dreg:$0x2]  }
0x4: {  	s2 =	simm.s32 $0x0;
	s5 =	srdreg.scid;
	s1 =	stileid.u32  }
0x5: {  	s12 =	simm.s32 $0x400;
	s13 =	simm.s32 $0x2000;
	s14 =	simm.s32 $0x4000  }
0x6: {  	s15 =	simm.s32 $0x6000;
	s16 =	simm.s32 $0x1;
	s17 =	simm.s32 $0x8000  }
0x7: {  	s18 =	simm.s32 $0x10000;
	s19 =	simm.s32 $0x2;
	s20 =	simm.s32 $0x80  }
0x8: {  	s21 =	simm.s32 $0x12000;
	s22 =	simm.s32 $0x3;
	s23 =	simm.s32 $0x0  }
0x9: {  	[smem:$0x7FF] =	sst s2;
	s5 =	sand.u32 $0x1, s5;
	s7 =	sshll.u32 s1, $0xA  }
0xa: {  	s8 =	sshll.u32 s1, $0x12;
	s6 =	sshll.u32 s5, $0x9;
	_ =	strace $0x80000047  }
0xb: {  	s5 =	ssub.s32 $0x2, s5;
	s7 =	sor.u32 s6, s7;
	s6 =	sor.u32 s6, s8  }
.Ltmp0:
0xc: {  	s31 =	sshrl.u32 s5, $0x1;
	s6 =	sshrl.u32 s6, $0x3;
	(pc) =	sbr.rel .LBB2_1-.Ltmp0, $4  }
0xd: {  	s7 =	sshrl.u32 s7, $0x3;
	s11 =	ssub.s32 s5, s31;
	s3 =	sadd.s32 s3, s6  }
0xe: {  	s10 =	sadd.s32 s7, s4;
	s11 =	smax.u32 s11, $0x1;
	s4 =	sadd.s32 $0x2000, s3  }
0xf: {  	s5 =	sadd.s32 $0x4000, s3;
	s6 =	sadd.s32 $0x6000, s3;
	s7 =	sadd.s32 $0x10, s3  }
0x10: {  	v0 =	vimm.s32 $0x5;
	v1 =	vimm.s32 $0x0;
	v2 =	vlaneseq.u32;
	s8 =	sadd.s32 $0x20, s3;
	s9 =	sadd.s32 $0x30, s3;
	s10 =	sadd.s32 $0x800, s10  }
.LBB2_43:
0x11: {  	v7 =	vimm.f32 $+Inf;
	v9 =	vimm.f32 $+Inf  }
0x12: {  	v8 =	vimm.f32 $+Inf;
	v6 =	vimm.f32 $+Inf;
	v5 =	vimm.f32 $+Inf  }
.LBB2_52:
0x13: {  	(xrf1) =	vsort.ascd.msk.f32 $0xffff, v4, v4  }
0x14: {  	(xrf1) =	vsort.ascd.msk.f32 $0xffff, v7, v7;
	_ =	sdelay $0xc  }
0x15: {  	v4, _, _ =	vpop (xrf1)  }
0x16: {  	v7, _, _ =	vpop (xrf1)  }
0x17: {  	v7 =	vperm.xlane v7, v3;
	_ =	sdelay $0x1  }
0x18: {  	v4 =	vmin.f32 v4, v7  }
0x19: {  	(xrf1) =	vsort.ascd.msk.f32 $0xffff, v4, v4  }
0x1a: {  	(xrf1) =	vsort.ascd.msk.f32 $0xffff, v9, v9;
	_ =	sdelay $0xc  }
0x1b: {  	v4, _, _ =	vpop (xrf1)  }
0x1c: {  	v62, _, _ =	vpop (xrf1)  }
0x1d: {  	v7 =	vperm.xlane v62, v3;
	_ =	sdelay $0x1  }
0x1e: {  	v4 =	vmin.f32 v4, v7  }
0x1f: {  	(xrf1) =	vsort.ascd.msk.f32 $0xffff, v4, v4  }
0x20: {  	(xrf1) =	vsort.ascd.msk.f32 $0xffff, v8, v8;
	_ =	sdelay $0xc  }
0x21: {  	v4, _, _ =	vpop (xrf1)  }
0x22: {  	v63, _, _ =	vpop (xrf1)  }
0x23: {  	v7 =	vperm.xlane v63, v3;
	_ =	sdelay $0x1  }
0x24: {  	v4 =	vmin.f32 v4, v7  }
0x25: {  	(xrf1) =	vsort.ascd.msk.f32 $0xffff, v4, v4  }
0x26: {  	(xrf1) =	vsort.ascd.msk.f32 $0xffff, v6, v6;
	_ =	sdelay $0xc  }
0x27: {  	v4, _, _ =	vpop (xrf1)  }
0x28: {  	v6, _, _ =	vpop (xrf1)  }
0x29: {  	v6 =	vperm.xlane v6, v3;
	_ =	sdelay $0x1  }
0x2a: {  	v4 =	vmin.f32 v4, v6  }
0x2b: {  	(xrf1) =	vsort.ascd.msk.f32 $0xffff, v4, v4  }
0x2c: {  	(xrf1) =	vsort.ascd.msk.f32 $0xffff, v5, v5;
	_ =	sdelay $0xc  }
0x2d: {  	v4, _, _ =	vpop (xrf1)  }
0x2e: {  	v5, _, _ =	vpop (xrf1)  }
0x2f: {  	v3 =	vperm.xlane v5, v3;
	_ =	sdelay $0x1  }
0x30: {  	v3 =	vmin.f32 v4, v3  }
0x31: {  	(xrf1) =	vsort.ascd.msk.f32 $0xffff, v3, v3;
	_ =	sdelay $0xc  }
0x32: {  	s23 =	sadd.s32 $0x1, s23  }
0x33: {  	p0 =	sne.s32 s23, s11;
	v3, _, _ =	vpop (xrf1)  }
.Ltmp1:
0x34: {  	[tilespmem:$0x12180] =	vst v3;
	(pc) =	sbr.rel @!p0 .LBB2_53-.Ltmp1, $4  }
0x35: {  	[hbm4b:s10+s2] =	stream.linear.scatter [tilespmem:s21], [sflag:$0x3], $0x200, $0x38;
	[tilespmem:$0x12200] =	vst v63  }
0x36: {  	_ =	swait.ge [sflag:s22], $0x200  }
0x37: {  	[sflag:s22] =	ssyncset.done $0x0  }
0x38: {  	[sflag:s22] =	ssyncadd.s32 $0xFFFFFE00  }
.LBB2_1:
0x39: {  	[tilespmem:s2], [sflag:$0x1] =	stream.strided.gather [hbm4b:s3+s20], $0x2000, s12, s20, $0x38;
	[tilespmem:$0x12200] =	vst v63  }
0x3a: {  	_ = 	snop  }
0x3b: {  	[tilespmem:s13], [sflag:$0x1] =	stream.strided.gather [hbm4b:s4+s20], $0x2000, s12, s20, $0x38;
	[tilespmem:$0x12200] =	vst v63  }
0x3c: {  	_ = 	snop  }
0x3d: {  	[tilespmem:s14], [sflag:$0x1] =	stream.strided.gather [hbm4b:s5+s20], $0x2000, s12, s20, $0x38;
	[tilespmem:$0x12200] =	vst v63  }
0x3e: {  	_ = 	snop  }
0x3f: {  	[tilespmem:s15], [sflag:$0x1] =	stream.strided.gather [hbm4b:s6+s20], $0x2000, s12, s20, $0x38;
	[tilespmem:$0x12200] =	vst v63  }
0x40: {  	_ =	swait.ge [sflag:s16], $0x2000  }
0x41: {  	[sflag:s16] =	ssyncset.done $0x0  }
0x42: {  	[sflag:s16] =	ssyncadd.s32 $0xFFFFE000  }
0x43: {  	[tilespmem:s17], [sflag:$0x2] =	stream.strided.gather [hbm4b:s7+s20], $0x8000, s12, s20, $0x38;
	[tilespmem:$0x12200] =	vst v63  }
0x44: {  	v3 =	vld [tilespmem:$0x0]  }
0x45: {  	v4 =	vld [tilespmem:$0x10]  }
0x46: {  	v5 =	vld [tilespmem:$0x20]  }
0x47: {  	v6 =	vld [tilespmem:$0x30];
	_ =	sdelay $0x4  }
0x48: {  	v3 =	vmin.f32 v3, v4;
	v4 =	vmin.f32 v5, v6  }
0x49: {  	v3 =	vmin.f32 v3, v4  }
0x4a: {  	(xrf1) =	vsort.ascd.msk.f32 $0xffff, v3, v3;
	_ =	sdelay $0xd  }
0x4b: {  	v3, _, _ =	vpop (xrf1)  }
0x4c: {  	v7 =	vperm.xlane v3, v0  }
0x4d: {  	v8 =	vimm.s32 $0x0;
	v5 =	vimm.f32 $+Inf  }
0x4e: {  	s24 =	simm.s32 $0x80;
	s25 =	simm.s32 $0x0;
	v6 =	vimm.f32 $+Inf;
	v4 =	vimm.f32 $+Inf;
	v3 =	vimm.f32 $+Inf;
	v9 =	vmovc v7  }
.LBB2_2:
0x4f: {  	v10 =	vld [tilespmem:s24+$0xFFFFFF80]  }
0x50: {  	v11 =	vld [tilespmem:s24+$0xFFFFFF90]  }
0x51: {  	v12 =	vld [tilespmem:s24+$0xFFFFFFA0]  }
0x52: {  	v13 =	vld [tilespmem:s24+$0xFFFFFFB0]  }
0x53: {  	v14 =	vld [tilespmem:s24+$0xFFFFFFC0]  }
0x54: {  	v15 =	vld [tilespmem:s24+$0xFFFFFFD0]  }
0x55: {  	v16 =	vld [tilespmem:s24+$0xFFFFFFE0]  }
0x56: {  	v17 =	vld [tilespmem:s24+$0xFFFFFFF0]  }
0x57: {  	v18 =	vld [tilespmem:s24+$0x0]  }
0x58: {  	v19 =	vld [tilespmem:s24+$0x10]  }
0x59: {  	v20 =	vld [tilespmem:s24+$0x20]  }
0x5a: {  	v23 =	vld [tilespmem:s24+$0x30]  }
0x5b: {  	v21 =	vmin.f32 v6, v5;
	v22 =	vmin.f32 v4, v3;
	v50 =	vld [tilespmem:s24+$0x40]  }
0x5c: {  	v52 =	vld [tilespmem:s24+$0x50];
	v21 =	vmin.f32 v21, v22  }
0x5d: {  	v54 =	vld [tilespmem:s24+$0x60];
	(xrf1) =	vsort.ascd.msk.f32 $0xffff, v21, v21;
	v10 =	vmin.f32 v10, v11  }
0x5e: {  	v57 =	vld [tilespmem:s24+$0x70];
	v11 =	vmin.f32 v12, v13;
	v47 =	vmin.f32 v16, v17;
	v48 =	vmin.f32 v18, v19  }
0x5f: {  	v49 =	vmin.f32 v20, v23;
	v10 =	vmin.f32 v10, v11;
	v11 =	vmin.f32 v14, v15  }
0x60: {  	v51 =	vmin.f32 v48, v49;
	vm0 =	vle.f32 v10, v9;
	v11 =	vmin.f32 v11, v47  }
0x61: {  	vm1 =	vle.f32 v51, v9;
	v53 =	vmpcnt.ones.xlane vm0;
	vm12 =	vle.f32 v11, v9  }
0x62: {  	v56 =	vmpcnt.ones.xlane vm1;
	v55 =	vmpcnt.ones.xlane vm12  }
0x63: {  	v13 =	vmin.f32 v50, v52;
	v58 =	vmin.f32 v54, v57;
	vm13 =	vgt.s32 v53, $0x0  }
0x64: {  	vm2 =	vgt.s32 v56, $0x0;
	vm14 =	vgt.s32 v55, $0x0;
	v14 =	vsel vm13, $0x10, v1  }
0x65: {  	v17 =	vsel vm14, $0x10, v1;
	v14 =	vadd.s32 v8, v14;
	v8 =	vadd.s32 v2, v8  }
0x66: {  	v18 =	vsel vm2, $0x10, v1;
	v59 =	vadd.s32 v14, v17;
	v14 =	vadd.s32 v2, v14  }
0x67: {  	v13 =	vmin.f32 v13, v58;
	v60 =	vadd.s32 v59, v18;
	v16 =	vadd.s32 v2, v59  }
0x68: {  	p0 =	sne.s32 s25, $0x7C;
	vm15 =	vle.f32 v13, v9;
	v61 =	vadd.s32 v2, v60  }
.Ltmp2:
0x69: {  	v63 =	vmov s25;
	s26 =	sadd.s32 $0x1, s25;
	v62 =	vmpcnt.ones.xlane vm15;
	(pc) =	sbr.rel @p0 .LBB2_2-.Ltmp2, $4  }
0x6a: {  	s30 =	sadd.s32 $0x2, s25;
	v6 =	vmin.f32 v6, v10;
	v4 =	vmin.f32 v4, v51;
	[tilespmem:v8+s18+$0x0] =	vst.idx.msk $0xffff, v63;
	v8 =	vmov s26  }
0x6b: {  	s31 =	sadd.s32 $0x3, s25;
	v3 =	vmin.f32 v3, v13;
	v9 =	vmovc v7;
	vm0 =	vgt.s32 v62, $0x0;
	[tilespmem:v14+s18+$0x0] =	vst.idx.msk $0xffff, v8;
	v8 =	vmov s30  }
0x6c: {  	v5 =	vmin.f32 v5, v11;
	v11 =	vmov s31;
	v10 =	vsel vm0, $0x10, v1;
	v7, _, _ =	vpop (xrf1);
	[tilespmem:v16+s18+$0x0] =	vst.idx.msk $0xffff, v8  }
0x6d: {  	s24 =	sadd.s32 $0x100, s24;
	s25 =	sadd.s32 $0x4, s25;
	v7 =	vperm.xlane v7, v0;
	v8 =	vadd.s32 v60, v10;
	[tilespmem:v61+s18+$0x0] =	vst.idx.msk $0xffff, v11  }
0x6e: {  	_ =	swait.ge [sflag:s16], $0x2000  }
0x6f: {  	[sflag:s16] =	ssyncset.done $0x0  }
0x70: {  	s24 =	simm.s32 $0x80;
	s25 =	simm.s32 $0x20F0;
	[sflag:s16] =	ssyncadd.s32 $0xFFFFE000  }
.LBB2_4:
0x71: {  	v10 =	vld [tilespmem:s25+$0xFFFFFF10]  }
0x72: {  	v11 =	vld [tilespmem:s25+$0xFFFFFF20]  }
0x73: {  	v12 =	vld [tilespmem:s25+$0xFFFFFF30]  }
0x74: {  	v13 =	vld [tilespmem:s25+$0xFFFFFF40]  }
0x75: {  	v14 =	vld [tilespmem:s25+$0xFFFFFF50]  }
0x76: {  	v15 =	vld [tilespmem:s25+$0xFFFFFF60]  }
0x77: {  	v16 =	vld [tilespmem:s25+$0xFFFFFF70]  }
0x78: {  	v17 =	vld [tilespmem:s25+$0xFFFFFF80]  }
0x79: {  	v18 =	vld [tilespmem:s25+$0xFFFFFF90]  }
0x7a: {  	v19 =	vld [tilespmem:s25+$0xFFFFFFA0]  }
0x7b: {  	v20 =	vld [tilespmem:s25+$0xFFFFFFB0]  }
0x7c: {  	v23 =	vld [tilespmem:s25+$0xFFFFFFC0]  }
0x7d: {  	v21 =	vmin.f32 v6, v5;
	v22 =	vmin.f32 v4, v3;
	v50 =	vld [tilespmem:s25+$0xFFFFFFD0]  }
0x7e: {  	v52 =	vld [tilespmem:s25+$0xFFFFFFE0];
	v21 =	vmin.f32 v21, v22  }
0x7f: {  	v54 =	vld [tilespmem:s25+$0xFFFFFFF0];
	(xrf1) =	vsort.ascd.msk.f32 $0xffff, v21, v21;
	v10 =	vmin.f32 v10, v11  }
0x80: {  	v57 =	vld [tilespmem:s25+$0x0];
	v11 =	vmin.f32 v12, v13;
	v47 =	vmin.f32 v16, v17;
	v48 =	vmin.f32 v18, v19  }
0x81: {  	v49 =	vmin.f32 v20, v23;
	v10 =	vmin.f32 v10, v11;
	v11 =	vmin.f32 v14, v15  }
0x82: {  	v51 =	vmin.f32 v48, v49;
	vm0 =	vle.f32 v10, v9;
	v11 =	vmin.f32 v11, v47  }
0x83: {  	vm1 =	vle.f32 v51, v9;
	v53 =	vmpcnt.ones.xlane vm0;
	vm12 =	vle.f32 v11, v9  }
0x84: {  	v56 =	vmpcnt.ones.xlane vm1;
	v55 =	vmpcnt.ones.xlane vm12  }
0x85: {  	v13 =	vmin.f32 v50, v52;
	v58 =	vmin.f32 v54, v57;
	vm13 =	vgt.s32 v53, $0x0  }
0x86: {  	vm2 =	vgt.s32 v56, $0x0;
	vm14 =	vgt.s32 v55, $0x0;
	v14 =	vsel vm13, $0x10, v1  }
0x87: {  	v17 =	vsel vm14, $0x10, v1;
	v14 =	vadd.s32 v8, v14;
	v8 =	vadd.s32 v2, v8  }
0x88: {  	v18 =	vsel vm2, $0x10, v1;
	v59 =	vadd.s32 v14, v17;
	v14 =	vadd.s32 v2, v14  }
0x89: {  	v13 =	vmin.f32 v13, v58;
	v60 =	vadd.s32 v59, v18;
	v16 =	vadd.s32 v2, v59  }
0x8a: {  	p0 =	sne.s32 s24, $0xFC;
	vm15 =	vle.f32 v13, v9;
	v61 =	vadd.s32 v2, v60  }
.Ltmp3:
0x8b: {  	v63 =	vmov s24;
	s26 =	sadd.s32 $0x1, s24;
	v62 =	vmpcnt.ones.xlane vm15;
	(pc) =	sbr.rel @p0 .LBB2_4-.Ltmp3, $4  }
0x8c: {  	s30 =	sadd.s32 $0x2, s24;
	v6 =	vmin.f32 v6, v10;
	v4 =	vmin.f32 v4, v51;
	[tilespmem:v8+s18+$0x0] =	vst.idx.msk $0xffff, v63;
	v8 =	vmov s26  }
0x8d: {  	s31 =	sadd.s32 $0x3, s24;
	v3 =	vmin.f32 v3, v13;
	v9 =	vmovc v7;
	vm0 =	vgt.s32 v62, $0x0;
	[tilespmem:v14+s18+$0x0] =	vst.idx.msk $0xffff, v8;
	v8 =	vmov s30  }
0x8e: {  	v5 =	vmin.f32 v5, v11;
	v11 =	vmov s31;
	v10 =	vsel vm0, $0x10, v1;
	v7, _, _ =	vpop (xrf1);
	[tilespmem:v16+s18+$0x0] =	vst.idx.msk $0xffff, v8  }
0x8f: {  	s25 =	sadd.s32 $0x100, s25;
	s24 =	sadd.s32 $0x4, s24;
	v7 =	vperm.xlane v7, v0;
	v8 =	vadd.s32 v60, v10;
	[tilespmem:v61+s18+$0x0] =	vst.idx.msk $0xffff, v11  }
0x90: {  	_ =	swait.ge [sflag:s16], $0x2000  }
0x91: {  	[sflag:s16] =	ssyncset.done $0x0  }
0x92: {  	s24 =	simm.s32 $0x0;
	s25 =	simm.s32 $0x103;
	[sflag:s16] =	ssyncadd.s32 $0xFFFFE000  }
.LBB2_6:
0x93: {  	s26 =	sshra.s32 s24, $0x2  }
0x94: {  	v10 =	vld [tilespmem:s26+$0x4000]  }
0x95: {  	v11 =	vld [tilespmem:s26+$0x4010]  }
0x96: {  	v12 =	vld [tilespmem:s26+$0x4020]  }
0x97: {  	v13 =	vld [tilespmem:s26+$0x4030]  }
0x98: {  	v14 =	vld [tilespmem:s26+$0x4040]  }
0x99: {  	v15 =	vld [tilespmem:s26+$0x4050]  }
0x9a: {  	v16 =	vld [tilespmem:s26+$0x4060]  }
0x9b: {  	v17 =	vld [tilespmem:s26+$0x4070]  }
0x9c: {  	v18 =	vld [tilespmem:s26+$0x4080]  }
0x9d: {  	v19 =	vld [tilespmem:s26+$0x4090]  }
0x9e: {  	v20 =	vld [tilespmem:s26+$0x40A0]  }
0x9f: {  	v23 =	vld [tilespmem:s26+$0x40B0]  }
0xa0: {  	v21 =	vmin.f32 v6, v5;
	v22 =	vmin.f32 v4, v3;
	v50 =	vld [tilespmem:s26+$0x40C0]  }
0xa1: {  	v21 =	vmin.f32 v21, v22;
	v52 =	vld [tilespmem:s26+$0x40D0]  }
0xa2: {  	v54 =	vld [tilespmem:s26+$0x40E0];
	(xrf1) =	vsort.ascd.msk.f32 $0xffff, v21, v21;
	v10 =	vmin.f32 v10, v11  }
0xa3: {  	v57 =	vld [tilespmem:s26+$0x40F0];
	v11 =	vmin.f32 v12, v13;
	v47 =	vmin.f32 v16, v17;
	v48 =	vmin.f32 v18, v19  }
0xa4: {  	v49 =	vmin.f32 v20, v23;
	v10 =	vmin.f32 v10, v11;
	v11 =	vmin.f32 v14, v15  }
0xa5: {  	v51 =	vmin.f32 v48, v49;
	vm0 =	vle.f32 v10, v9;
	v11 =	vmin.f32 v11, v47  }
0xa6: {  	vm1 =	vle.f32 v51, v9;
	v53 =	vmpcnt.ones.xlane vm0;
	vm12 =	vle.f32 v11, v9  }
0xa7: {  	v56 =	vmpcnt.ones.xlane vm1;
	v55 =	vmpcnt.ones.xlane vm12  }
0xa8: {  	v13 =	vmin.f32 v50, v52;
	v58 =	vmin.f32 v54, v57;
	vm13 =	vgt.s32 v53, $0x0  }
0xa9: {  	vm2 =	vgt.s32 v56, $0x0;
	vm14 =	vgt.s32 v55, $0x0;
	v14 =	vsel vm13, $0x10, v1  }
0xaa: {  	v17 =	vsel vm14, $0x10, v1;
	v14 =	vadd.s32 v8, v14;
	v8 =	vadd.s32 v2, v8  }
0xab: {  	v18 =	vsel vm2, $0x10, v1;
	v59 =	vadd.s32 v14, v17;
	v14 =	vadd.s32 v2, v14  }
0xac: {  	v13 =	vmin.f32 v13, v58;
	v60 =	vadd.s32 v59, v18;
	v16 =	vadd.s32 v2, v59  }
0xad: {  	s29 =	sadd.s32 $0xFFFFFFFD, s25;
	p0 =	sne.s32 s24, $0x7C00;
	vm15 =	vle.f32 v13, v9;
	v61 =	vadd.s32 v2, v60  }
.Ltmp4:
0xae: {  	s30 =	sadd.s32 $0xFFFFFFFE, s25;
	v63 =	vmov s29;
	v62 =	vmpcnt.ones.xlane vm15;
	(pc) =	sbr.rel @p0 .LBB2_6-.Ltmp4, $4  }
0xaf: {  	s31 =	sadd.s32 $0xFFFFFFFF, s25;
	v6 =	vmin.f32 v6, v10;
	v4 =	vmin.f32 v4, v51;
	[tilespmem:v8+s18+$0x0] =	vst.idx.msk $0xffff, v63;
	v8 =	vmov s30  }
0xb0: {  	v3 =	vmin.f32 v3, v13;
	v9 =	vmovc v7;
	vm0 =	vgt.s32 v62, $0x0;
	[tilespmem:v14+s18+$0x0] =	vst.idx.msk $0xffff, v8;
	v8 =	vmov s31  }
0xb1: {  	v5 =	vmin.f32 v5, v11;
	v11 =	vmov s25;
	v10 =	vsel vm0, $0x10, v1;
	v7, _, _ =	vpop (xrf1);
	[tilespmem:v16+s18+$0x0] =	vst.idx.msk $0xffff, v8  }
0xb2: {  	s24 =	sadd.s32 $0x400, s24;
	s25 =	sadd.s32 $0x4, s25;
	v7 =	vperm.xlane v7, v0;
	v8 =	vadd.s32 v60, v10;
	[tilespmem:v61+s18+$0x0] =	vst.idx.msk $0xffff, v11  }
0xb3: {  	_ =	swait.ge [sflag:s16], $0x2000  }
0xb4: {  	[sflag:s16] =	ssyncset.done $0x0  }
0xb5: {  	s24 =	simm.s32 $0x0;
	s25 =	simm.s32 $0x183;
	[sflag:s16] =	ssyncadd.s32 $0xFFFFE000  }
.LBB2_8:
0xb6: {  	s26 =	sshra.s32 s24, $0x2  }
0xb7: {  	v10 =	vld [tilespmem:s26+$0x6000]  }
0xb8: {  	v11 =	vld [tilespmem:s26+$0x6010]  }
0xb9: {  	v12 =	vld [tilespmem:s26+$0x6020]  }
0xba: {  	v13 =	vld [tilespmem:s26+$0x6030]  }
0xbb: {  	v14 =	vld [tilespmem:s26+$0x6040]  }
0xbc: {  	v15 =	vld [tilespmem:s26+$0x6050]  }
0xbd: {  	v16 =	vld [tilespmem:s26+$0x6060]  }
0xbe: {  	v17 =	vld [tilespmem:s26+$0x6070]  }
0xbf: {  	v18 =	vld [tilespmem:s26+$0x6080]  }
0xc0: {  	v19 =	vld [tilespmem:s26+$0x6090]  }
0xc1: {  	v20 =	vld [tilespmem:s26+$0x60A0]  }
0xc2: {  	v23 =	vld [tilespmem:s26+$0x60B0]  }
0xc3: {  	v21 =	vmin.f32 v6, v5;
	v22 =	vmin.f32 v4, v3;
	v50 =	vld [tilespmem:s26+$0x60C0]  }
0xc4: {  	v21 =	vmin.f32 v21, v22;
	v52 =	vld [tilespmem:s26+$0x60D0]  }
0xc5: {  	v54 =	vld [tilespmem:s26+$0x60E0];
	(xrf1) =	vsort.ascd.msk.f32 $0xffff, v21, v21;
	v10 =	vmin.f32 v10, v11  }
0xc6: {  	v57 =	vld [tilespmem:s26+$0x60F0];
	v11 =	vmin.f32 v12, v13;
	v47 =	vmin.f32 v16, v17;
	v48 =	vmin.f32 v18, v19  }
0xc7: {  	v49 =	vmin.f32 v20, v23;
	v10 =	vmin.f32 v10, v11;
	v11 =	vmin.f32 v14, v15  }
0xc8: {  	v51 =	vmin.f32 v48, v49;
	vm0 =	vle.f32 v10, v9;
	v11 =	vmin.f32 v11, v47  }
0xc9: {  	vm1 =	vle.f32 v51, v9;
	v53 =	vmpcnt.ones.xlane vm0;
	vm12 =	vle.f32 v11, v9  }
0xca: {  	v56 =	vmpcnt.ones.xlane vm1;
	v55 =	vmpcnt.ones.xlane vm12  }
0xcb: {  	v13 =	vmin.f32 v50, v52;
	v58 =	vmin.f32 v54, v57;
	vm13 =	vgt.s32 v53, $0x0  }
0xcc: {  	vm2 =	vgt.s32 v56, $0x0;
	vm14 =	vgt.s32 v55, $0x0;
	v14 =	vsel vm13, $0x10, v1  }
0xcd: {  	v17 =	vsel vm14, $0x10, v1;
	v14 =	vadd.s32 v8, v14;
	v8 =	vadd.s32 v2, v8  }
0xce: {  	v18 =	vsel vm2, $0x10, v1;
	v59 =	vadd.s32 v14, v17;
	v14 =	vadd.s32 v2, v14  }
0xcf: {  	v13 =	vmin.f32 v13, v58;
	v60 =	vadd.s32 v59, v18;
	v16 =	vadd.s32 v2, v59  }
0xd0: {  	s29 =	sadd.s32 $0xFFFFFFFD, s25;
	p0 =	sne.s32 s24, $0x7C00;
	vm15 =	vle.f32 v13, v9;
	v61 =	vadd.s32 v2, v60  }
.Ltmp5:
0xd1: {  	s30 =	sadd.s32 $0xFFFFFFFE, s25;
	v63 =	vmov s29;
	v62 =	vmpcnt.ones.xlane vm15;
	(pc) =	sbr.rel @p0 .LBB2_8-.Ltmp5, $4  }
0xd2: {  	s31 =	sadd.s32 $0xFFFFFFFF, s25;
	v6 =	vmin.f32 v6, v10;
	v4 =	vmin.f32 v4, v51;
	[tilespmem:v8+s18+$0x0] =	vst.idx.msk $0xffff, v63;
	v8 =	vmov s30  }
0xd3: {  	v3 =	vmin.f32 v3, v13;
	v9 =	vmovc v7;
	vm0 =	vgt.s32 v62, $0x0;
	[tilespmem:v14+s18+$0x0] =	vst.idx.msk $0xffff, v8;
	v8 =	vmov s31  }
0xd4: {  	v5 =	vmin.f32 v5, v11;
	v11 =	vmov s25;
	v10 =	vsel vm0, $0x10, v1;
	v7, _, _ =	vpop (xrf1);
	[tilespmem:v16+s18+$0x0] =	vst.idx.msk $0xffff, v8  }
0xd5: {  	s24 =	sadd.s32 $0x400, s24;
	s25 =	sadd.s32 $0x4, s25;
	v7 =	vperm.xlane v7, v0;
	v8 =	vadd.s32 v60, v10;
	[tilespmem:v61+s18+$0x0] =	vst.idx.msk $0xffff, v11  }
0xd6: {  	(v2sf) =	vpush v8, $0x0;
	_ =	sdelay $0xe  }
0xd7: {  	s24 =	spop (v2sf)  }
0xd8: {  	s25 =	sand.u32 $0xF, s24  }
0xd9: {  	s31 =	sshra.s32 s24, $0x1F;
	p1 =	slt.s32 s24, $0x1;
	p0 =	sne.s32 s25, $0x0  }
0xda: {  	s25 =	sshrl.u32 s31, $0x1C;
	p0 =	por !p1, !p0  }
0xdb: {  	s24 =	sadd.s32 s25, s24;
	s25 =	simm.s32 $0x1;
	p0 =	por !p0, !p0  }
0xdc: {  	s24 =	sshra.s32 s24, $0x4;
	s25 =	simm.s32 @!p0 $0x0  }
0xdd: {  	s24 =	ssub.s32 s24, s25  }
0xde: {  	p0 =	slt.s32 s24, $0x1  }
.Ltmp6:
0xdf: {  	_ = 	snop;
	(pc) =	sbr.rel @p0 .LBB2_18-.Ltmp6, $4  }
0xe0: {  	_ = 	snop  }
0xe1: {  	v4 =	vimm.f32 $+Inf  }
0xe2: {  	v3 =	vimm.f32 $+Inf;
	v8 =	vimm.f32 $+Inf;
	v9 =	vimm.f32 $+Inf  }
0xe3: {  	s26 =	simm.s32 $0x10000;
	v7 =	vimm.f32 $+Inf;
	v6 =	vimm.f32 $+Inf;
	v5 =	vimm.f32 $+Inf  }
0xe4: {  	v3 =	vld [tilespmem:s26+$0x0];
	p2 =	sne.s32 s24, $0x1  }
.Ltmp7:
0xe5: {  	_ = 	snop;
	(pc) =	sbr.rel @!p2 .LBB2_11-.Ltmp7, $3  }
0xe6: {  	_ =	sdelay $0x1  }
0xe7: {  	s25 =	sadd.s32 $0xFFFFFFFF, s24  }
0xe8: {  	s26 =	sadd.s32 $0x10, s26;
	p0 =	por $0x0, $0x0;
	p1 =	por $0x0, $0x0;
	(v2sf) =	vpush v3, $0x0  }
0xe9: {  	_ =	sdelay $0xc  }
0xea: {  	v5 =	vld [tilespmem:s26+$0x0];
	p2 =	sne.s32 s25, $0x1  }
.Ltmp8:
0xeb: {  	s24 =	spop (v2sf);
	(pc) =	sbr.rel @!p2 .LBB2_13-.Ltmp8, $4  }
0xec: {  	s24 =	sshll.u32 s24, $0x8  }
0xed: {  	s24 =	sshra.s32 s24, $0x2  }
0xee: {  	v3 =	vld [tilespmem:s24+$0x0]  }
0xef: {  	s25 =	sadd.s32 $0xFFFFFFFF, s25;
	s26 =	sadd.s32 $0x10, s26;
	p0 =	por $0x1, $0x1;
	(v2sf) =	vpush v5, $0x0;
	v5 =	vld [tilespmem:s24+$0x10]  }
0xf0: {  	_ =	sdelay $0x3  }
0xf1: {  	v6 =	vld [tilespmem:s26+$0x0];
	_ =	sdelay $0x3  }
0xf2: {  	v9 =	vld [tilespmem:s24+$0x20]  }
0xf3: {  	(v2sf) =	vpush v6, $0x0  }
0xf4: {  	v7 =	vmax.f32 v4, v3;
	v3 =	vmin.f32 v4, v3  }
0xf5: {  	v14 =	vmin.f32 v3, v5  }
0xf6: {  	v16 =	vld [tilespmem:s24+$0x30];
	v3 =	vmax.f32 v3, v5;
	v5 =	vmax.f32 v4, v7;
	v6 =	vmin.f32 v4, v7  }
0xf7: {  	p2 =	sne.s32 s25, $0x1;
	v17 =	vmax.f32 v14, v9;
	v9 =	vmin.f32 v14, v9;
	v15 =	vmin.f32 v6, v3  }
.Ltmp9:
0xf8: {  	v3 =	vmax.f32 v6, v3;
	v6 =	vmax.f32 v4, v5;
	v5 =	vmin.f32 v4, v5;
	s31 =	spop (v2sf);
	(pc) =	sbr.rel @!p2 .LBB2_15-.Ltmp9, $4  }
0xf9: {  	v13 =	vmax.f32 v4, v6;
	v7 =	vmin.f32 v5, v3;
	v10 =	vmax.f32 v5, v3;
	s24 =	sshll.u32 s31, $0x8  }
0xfa: {  	v11 =	vmin.f32 v4, v6;
	v12 =	vmin.f32 v15, v17;
	v15 =	vmax.f32 v15, v17;
	s24 =	sshra.s32 s24, $0x2  }
0xfb: {  	v6 =	vmin.f32 v9, v16;
	v16 =	vmax.f32 v9, v16;
	v9 =	vimm.f32 $+Inf;
	v3 =	vld [tilespmem:s24+$0x0]  }
0xfc: {  	s25 =	sadd.s32 $0xFFFFFFFF, s25;
	s26 =	sadd.s32 $0x10, s26;
	p1 =	por $0x1, $0x1;
	v8 =	vmin.f32 v4, v13;
	v13 =	vmax.f32 v4, v13;
	v14 =	vmax.f32 v11, v10;
	v5 =	vld [tilespmem:s24+$0x10]  }
.LBB2_16:
0xfd: {  	v17 =	vld [tilespmem:s26+$0x0];
	p2 =	sne.s32 s25, $0x1;
	s25 =	sadd.s32 $0xFFFFFFFF, s25;
	v9 =	vmin.f32 v9, v13;
	v10 =	vmin.f32 v11, v10;
	v11 =	vmin.f32 v7, v15  }
0xfe: {  	v13 =	vmin.f32 v8, v14;
	v7 =	vmax.f32 v7, v15;
	v15 =	vmin.f32 v12, v16  }
0xff: {  	v18 =	vmin.f32 v10, v7;
	v7 =	vmax.f32 v10, v7;
	v10 =	vmax.f32 v12, v16  }
0x100: {  	v8 =	vmax.f32 v8, v14;
	v12 =	vmin.f32 v13, v7;
	v14 =	vmax.f32 v11, v10  }
0x101: {  	v8 =	vmin.f32 v9, v8;
	v16 =	vmin.f32 v18, v14;
	v9 =	vmax.f32 v18, v14  }
0x102: {  	v7 =	vmax.f32 v13, v7;
	v13 =	vmax.f32 v12, v9;
	(v2sf) =	vpush v17, $0x0;
	s28 =	spop (v2sf);
	v14 =	vld [tilespmem:s24+$0x20]  }
0x103: {  	v7 =	vmin.f32 v8, v7;
	v8 =	vmin.f32 v11, v10;
	v17 =	vmin.f32 v12, v9;
	s28 =	sshll.u32 s28, $0x8  }
0x104: {  	v10 =	vmin.f32 v6, v3;
	v6 =	vmax.f32 v6, v3;
	v9 =	vmin.f32 v7, v13;
	v18 =	vld [tilespmem:s24+$0x30];
	s24 =	sshra.s32 s28, $0x2  }
0x105: {  	v19 =	vmin.f32 v10, v5;
	v5 =	vmax.f32 v10, v5;
	v7 =	vmin.f32 v15, v6;
	v3 =	vld [tilespmem:s24+$0x0]  }
0x106: {  	v6 =	vmax.f32 v15, v6;
	v15 =	vmin.f32 v7, v5;
	v10 =	vmax.f32 v7, v5  }
.Ltmp10:
0x107: {  	v11 =	vmin.f32 v8, v6;
	v6 =	vmax.f32 v8, v6;
	v5 =	vld [tilespmem:s24+$0x10];
	v20 =	vmax.f32 v19, v14;
	(pc) =	sbr.rel @p2 .LBB2_16-.Ltmp10, $4  }
0x108: {  	v13 =	vmax.f32 v16, v6;
	v7 =	vmin.f32 v11, v10;
	v10 =	vmax.f32 v11, v10  }
0x109: {  	v11 =	vmin.f32 v16, v6;
	v8 =	vmin.f32 v17, v13;
	v12 =	vmin.f32 v15, v20  }
0x10a: {  	v13 =	vmax.f32 v17, v13;
	v16 =	vmin.f32 v19, v14;
	v15 =	vmax.f32 v15, v20  }
0x10b: {  	s26 =	sadd.s32 $0x10, s26;
	v14 =	vmax.f32 v11, v10;
	v6 =	vmin.f32 v16, v18;
	v16 =	vmax.f32 v16, v18  }
.LBB2_17:
0x10c: {  	v9 =	vmin.f32 @p1 v9, v13;
	v10 =	vmin.f32 @p1 v11, v10;
	v11 =	vmin.f32 @p1 v7, v15  }
0x10d: {  	v13 =	vmin.f32 @p1 v8, v14;
	v7 =	vmax.f32 @p1 v7, v15;
	v15 =	vmin.f32 @p1 v12, v16  }
0x10e: {  	v8 =	vmax.f32 @p1 v8, v14;
	v17 =	vmin.f32 @p1 v10, v7;
	v7 =	vmax.f32 @p1 v10, v7  }
0x10f: {  	v10 =	vmax.f32 @p1 v12, v16;
	v8 =	vmin.f32 @p1 v9, v8;
	v12 =	vmin.f32 @p1 v13, v7  }
0x110: {  	v14 =	vmax.f32 @p1 v11, v10;
	v7 =	vmax.f32 @p1 v13, v7;
	v10 =	vmin.f32 @p1 v11, v10  }
0x111: {  	v11 =	vmin.f32 @p0 v6, v3;
	v3 =	vmax.f32 @p0 v6, v3;
	v9 =	vmax.f32 @p1 v17, v14  }
0x112: {  	v13 =	vmin.f32 @p1 v17, v14;
	v7 =	vmin.f32 @p1 v8, v7;
	v8 =	vld @p0 [tilespmem:s24+$0x20];
	v10 =	vpsel p1, v10, v4  }
0x113: {  	v14 =	vmax.f32 @p1 v12, v9;
	v9 =	vmin.f32 @p1 v12, v9;
	v13 =	vpsel p1, v13, v4  }
0x114: {  	v6 =	vmin.f32 @p1 v7, v14;
	v7 =	vpsel p1, v15, v4;
	v14 =	vmin.f32 @p0 v11, v5  }
0x115: {  	v5 =	vmax.f32 @p0 v11, v5;
	v12 =	vmin.f32 @p0 v7, v3;
	v3 =	vmax.f32 @p0 v7, v3  }
0x116: {  	v6 =	vpsel p1, v6, v4;
	v7 =	vmin.f32 @p0 v12, v5;
	v5 =	vmax.f32 @p0 v12, v5  }
0x117: {  	v11 =	vld @p0 [tilespmem:s24+$0x30];
	v12 =	vmax.f32 @p0 v10, v3;
	v3 =	vmin.f32 @p0 v10, v3;
	v10 =	vmax.f32 @p0 v14, v8  }
0x118: {  	v15 =	vmax.f32 @p0 v13, v12;
	v16 =	vmin.f32 @p0 v3, v5;
	v3 =	vmax.f32 @p0 v3, v5  }
0x119: {  	v5 =	vpsel p1, v9, v4;
	v9 =	vmin.f32 @p0 v13, v12;
	v8 =	vmin.f32 @p0 v14, v8  }
0x11a: {  	v12 =	vmin.f32 @p0 v5, v15;
	v13 =	vmin.f32 @p0 v7, v10;
	v5 =	vmax.f32 @p0 v5, v15  }
0x11b: {  	v7 =	vmax.f32 @p0 v7, v10;
	v10 =	vmax.f32 @p0 v9, v3;
	v9 =	vpsel p0, v9, v0  }
0x11c: {  	v3 =	vpsel p0, v3, v0;
	v14 =	vmin.f32 @p0 v8, v11;
	v8 =	vmax.f32 @p0 v8, v11  }
0x11d: {  	v5 =	vpsel p0, v5, v0;
	v11 =	vpsel p0, v16, v0;
	v7 =	vpsel p0, v7, v0  }
0x11e: {  	s31 =	spop (v2sf);
	v12 =	vpsel p0, v12, v0;
	v10 =	vpsel p0, v10, v0;
	v13 =	vpsel p0, v13, v0  }
0x11f: {  	s24 =	sshll.u32 s31, $0x8;
	v3 =	vmin.f32 @p0 v9, v3;
	v8 =	vpsel p0, v8, v0;
	v14 =	vpsel p0, v14, v4  }
0x120: {  	s24 =	sshra.s32 s24, $0x2;
	v5 =	vmin.f32 @p0 v6, v5;
	v6 =	vmin.f32 @p0 v11, v7;
	v7 =	vmax.f32 @p0 v11, v7  }
0x121: {  	v9 =	vld [tilespmem:s24+$0x0];
	v11 =	vmin.f32 @p0 v12, v10;
	v15 =	vmin.f32 @p0 v13, v8;
	v16 =	vmin.f32 @p0 v3, v7  }
0x122: {  	v3 =	vmax.f32 @p0 v3, v7;
	v7 =	vmax.f32 @p0 v13, v8;
	v8 =	vmax.f32 @p0 v12, v10  }
0x123: {  	v10 =	vld [tilespmem:s24+$0x10];
	v12 =	vmin.f32 @p0 v11, v3;
	v13 =	vmax.f32 @p0 v6, v7;
	v5 =	vmin.f32 @p0 v5, v8  }
0x124: {  	v3 =	vmax.f32 @p0 v11, v3;
	v53 =	vpsel p0, v15, v4;
	v8 =	vmin.f32 @p0 v16, v13  }
0x125: {  	v13 =	vmax.f32 @p0 v16, v13;
	v3 =	vmin.f32 @p0 v5, v3;
	v5 =	vmin.f32 @p0 v6, v7  }
0x126: {  	v6 =	vld [tilespmem:s24+$0x20];
	v11 =	vmax.f32 @p0 v12, v13;
	v7 =	vmin.f32 @p0 v12, v13;
	v52 =	vmax.f32 v14, v9  }
0x127: {  	v9 =	vmin.f32 v14, v9;
	v5 =	vpsel p0, v5, v4;
	v11 =	vmin.f32 @p0 v3, v11  }
0x128: {  	v3 =	vmin.f32 v53, v52;
	v14 =	vmin.f32 v9, v10;
	v9 =	vmax.f32 v9, v10  }
0x129: {  	v8 =	vpsel p0, v8, v4;
	v10 =	vmax.f32 v53, v52;
	v54 =	vmin.f32 v3, v9  }
0x12a: {  	v3 =	vmax.f32 v3, v9;
	v9 =	vld [tilespmem:s24+$0x30];
	v13 =	vmin.f32 v5, v10;
	v5 =	vmax.f32 v5, v10  }
0x12b: {  	v10 =	vmax.f32 v14, v6;
	v55 =	vmax.f32 v8, v5;
	v56 =	vmin.f32 v13, v3  }
0x12c: {  	v13 =	vmax.f32 v13, v3;
	v5 =	vmin.f32 v8, v5;
	v3 =	vpsel p0, v7, v4  }
0x12d: {  	v6 =	vmin.f32 v14, v6;
	v7 =	vmin.f32 v3, v55;
	v57 =	vmin.f32 v54, v10  }
0x12e: {  	v8 =	vmax.f32 v3, v55;
	v10 =	vmax.f32 v54, v10;
	v58 =	vmax.f32 v5, v13  }
0x12f: {  	v5 =	vmin.f32 v5, v13;
	v59 =	vmin.f32 v7, v58;
	v3 =	vmin.f32 v6, v9  }
0x130: {  	v6 =	vmax.f32 v6, v9;
	v9 =	vpsel p0, v11, v4;
	v11 =	vmin.f32 v56, v10  }
0x131: {  	v10 =	vmax.f32 v56, v10;
	v9 =	vmin.f32 v9, v8;
	v8 =	vmin.f32 v57, v6  }
0x132: {  	v60 =	vmin.f32 v5, v10;
	v5 =	vmax.f32 v5, v10;
	v6 =	vmax.f32 v57, v6  }
0x133: {  	v7 =	vmax.f32 v7, v58;
	v10 =	vmin.f32 v59, v5;
	v61 =	vmax.f32 v11, v6  }
0x134: {  	v9 =	vmin.f32 v9, v7;
	v5 =	vmax.f32 v59, v5;
	v62 =	vmax.f32 v60, v61  }
0x135: {  	v7 =	vmin.f32 v60, v61;
	v5 =	vmin.f32 v9, v5;
	v63 =	vmax.f32 v10, v62  }
0x136: {  	v9 =	vmin.f32 v11, v6;
	v6 =	vmin.f32 v10, v62;
	v5 =	vmin.f32 v5, v63  }
.LBB2_18:
0x137: {  	(xrf1) =	vsort.ascd.msk.f32 $0xffff, v3, v3  }
0x138: {  	(xrf1) =	vsort.ascd.msk.f32 $0xffff, v8, v8;
	_ =	sdelay $0xb  }
0x139: {  	v3 =	vmul.u32 $0xFFFFFFFF, v2  }
0x13a: {  	v8, _, _ =	vpop (xrf1)  }
0x13b: {  	v3 =	vadd.s32 $0xF, v3;
	v10, _, _ =	vpop (xrf1)  }
0x13c: {  	v10 =	vperm.xlane v10, v3;
	_ =	sdelay $0x1  }
0x13d: {  	v8 =	vmin.f32 v8, v10  }
0x13e: {  	(xrf1) =	vsort.ascd.msk.f32 $0xffff, v8, v8  }
0x13f: {  	(xrf1) =	vsort.ascd.msk.f32 $0xffff, v9, v9;
	_ =	sdelay $0xc  }
0x140: {  	v8, _, _ =	vpop (xrf1)  }
0x141: {  	v9, _, _ =	vpop (xrf1)  }
0x142: {  	v9 =	vperm.xlane v9, v3;
	_ =	sdelay $0x1  }
0x143: {  	v8 =	vmin.f32 v8, v9  }
0x144: {  	(xrf1) =	vsort.ascd.msk.f32 $0xffff, v8, v8  }
0x145: {  	(xrf1) =	vsort.ascd.msk.f32 $0xffff, v7, v7;
	_ =	sdelay $0xc  }
0x146: {  	v7, _, _ =	vpop (xrf1)  }
0x147: {  	v8, _, _ =	vpop (xrf1)  }
0x148: {  	v8 =	vperm.xlane v8, v3;
	_ =	sdelay $0x1  }
0x149: {  	v7 =	vmin.f32 v7, v8  }
0x14a: {  	(xrf1) =	vsort.ascd.msk.f32 $0xffff, v7, v7  }
0x14b: {  	(xrf1) =	vsort.ascd.msk.f32 $0xffff, v6, v6;
	_ =	sdelay $0xc  }
0x14c: {  	v6, _, _ =	vpop (xrf1)  }
0x14d: {  	v7, _, _ =	vpop (xrf1)  }
0x14e: {  	v7 =	vperm.xlane v7, v3;
	_ =	sdelay $0x1  }
0x14f: {  	v6 =	vmin.f32 v6, v7  }
0x150: {  	(xrf1) =	vsort.ascd.msk.f32 $0xffff, v6, v6  }
0x151: {  	(xrf1) =	vsort.ascd.msk.f32 $0xffff, v5, v5;
	_ =	sdelay $0xc  }
0x152: {  	v5, _, _ =	vpop (xrf1)  }
0x153: {  	v6, _, _ =	vpop (xrf1)  }
0x154: {  	v6 =	vperm.xlane v6, v3;
	_ =	sdelay $0x1  }
0x155: {  	v5 =	vmin.f32 v5, v6  }
0x156: {  	(xrf1) =	vsort.ascd.msk.f32 $0xffff, v5, v5;
	_ =	sdelay $0xd  }
0x157: {  	v5, _, _ =	vpop (xrf1)  }
0x158: {  	[tilespmem:$0x12000] =	vst v5  }
0x159: {  	_ =	swait.ge [sflag:s19], $0x8000  }
0x15a: {  	[sflag:s19] =	ssyncset.done $0x0  }
0x15b: {  	s24 =	simm.s32 $0x0;
	[sflag:s19] =	ssyncadd.s32 $0xFFFF8000  }
0x15c: {  	[tilespmem:s24], [sflag:$0x1] =	stream.strided.gather [hbm4b:s8+s20], $0x8000, s12, s20, $0x38;
	[tilespmem:$0x12200] =	vst v63  }
0x15d: {  	v5 =	vld [tilespmem:$0x8000]  }
0x15e: {  	v6 =	vld [tilespmem:$0x8010]  }
0x15f: {  	v7 =	vld [tilespmem:$0x8020]  }
0x160: {  	v8 =	vld [tilespmem:$0x8030];
	_ =	sdelay $0x4  }
0x161: {  	v5 =	vmin.f32 v5, v6;
	v6 =	vmin.f32 v7, v8  }
0x162: {  	v5 =	vmin.f32 v5, v6  }
0x163: {  	(xrf1) =	vsort.ascd.msk.f32 $0xffff, v5, v5;
	_ =	sdelay $0xd  }
0x164: {  	v5, _, _ =	vpop (xrf1)  }
0x165: {  	v7 =	vperm.xlane v5, v0  }
0x166: {  	v9 =	vimm.s32 $0x0  }
0x167: {  	s25 =	simm.s32 $0x8080;
	v8 =	vimm.f32 $+Inf;
	v6 =	vimm.f32 $+Inf;
	v5 =	vimm.f32 $+Inf;
	v10 =	vmovc v7  }
.LBB2_19:
0x168: {  	v11 =	vld [tilespmem:s25+$0xFFFFFF80]  }
0x169: {  	v12 =	vld [tilespmem:s25+$0xFFFFFF90]  }
0x16a: {  	v13 =	vld [tilespmem:s25+$0xFFFFFFA0]  }
0x16b: {  	v14 =	vld [tilespmem:s25+$0xFFFFFFB0]  }
0x16c: {  	v15 =	vld [tilespmem:s25+$0xFFFFFFC0]  }
0x16d: {  	v16 =	vld [tilespmem:s25+$0xFFFFFFD0]  }
0x16e: {  	v17 =	vld [tilespmem:s25+$0xFFFFFFE0]  }
0x16f: {  	v18 =	vld [tilespmem:s25+$0xFFFFFFF0]  }
0x170: {  	v19 =	vld [tilespmem:s25+$0x0]  }
0x171: {  	v20 =	vld [tilespmem:s25+$0x10]  }
0x172: {  	v21 =	vld [tilespmem:s25+$0x20]  }
0x173: {  	v24 =	vld [tilespmem:s25+$0x30]  }
0x174: {  	v22 =	vmin.f32 v8, v6;
	v23 =	vmin.f32 v5, v4;
	v49 =	vld [tilespmem:s25+$0x40]  }
0x175: {  	v51 =	vld [tilespmem:s25+$0x50];
	v22 =	vmin.f32 v22, v23  }
0x176: {  	v53 =	vld [tilespmem:s25+$0x60];
	(xrf1) =	vsort.ascd.msk.f32 $0xffff, v22, v22;
	v11 =	vmin.f32 v11, v12  }
0x177: {  	v56 =	vld [tilespmem:s25+$0x70];
	v44 =	vmin.f32 v13, v14;
	v45 =	vmin.f32 v15, v16;
	v46 =	vmin.f32 v17, v18  }
0x178: {  	v47 =	vmin.f32 v19, v20;
	v48 =	vmin.f32 v21, v24;
	v11 =	vmin.f32 v11, v44  }
0x179: {  	v12 =	vmin.f32 v45, v46;
	v50 =	vmin.f32 v47, v48;
	vm0 =	vle.f32 v11, v10  }
0x17a: {  	vm12 =	vle.f32 v12, v10;
	vm1 =	vle.f32 v50, v10;
	v52 =	vmpcnt.ones.xlane vm0  }
0x17b: {  	v54 =	vmpcnt.ones.xlane vm12;
	v55 =	vmpcnt.ones.xlane vm1  }
0x17c: {  	v14 =	vmin.f32 v49, v51;
	v57 =	vmin.f32 v53, v56;
	vm13 =	vgt.s32 v52, $0x0  }
0x17d: {  	vm14 =	vgt.s32 v54, $0x0;
	vm2 =	vgt.s32 v55, $0x0;
	v15 =	vsel vm13, $0x10, v1  }
0x17e: {  	v18 =	vsel vm14, $0x10, v1;
	v15 =	vadd.s32 v9, v15;
	v9 =	vadd.s32 v2, v9  }
0x17f: {  	v19 =	vsel vm2, $0x10, v1;
	v58 =	vadd.s32 v15, v18;
	v15 =	vadd.s32 v2, v15  }
0x180: {  	v14 =	vmin.f32 v14, v57;
	v59 =	vadd.s32 v58, v19;
	v17 =	vadd.s32 v2, v58  }
0x181: {  	p0 =	sne.s32 s24, $0x1FC;
	vm15 =	vle.f32 v14, v10;
	v60 =	vadd.s32 v2, v59  }
.Ltmp11:
0x182: {  	v62 =	vmov s24;
	s26 =	sadd.s32 $0x1, s24;
	s31 =	sadd.s32 $0x3, s24;
	v61 =	vmpcnt.ones.xlane vm15;
	(pc) =	sbr.rel @p0 .LBB2_19-.Ltmp11, $4  }
0x183: {  	s30 =	sadd.s32 $0x2, s24;
	v63 =	vmov s31;
	v8 =	vmin.f32 v8, v11;
	[tilespmem:v9+s18+$0x0] =	vst.idx.msk $0xffff, v62;
	v9 =	vmov s26  }
0x184: {  	v10 =	vmovc v7;
	v6 =	vmin.f32 v6, v12;
	vm0 =	vgt.s32 v61, $0x0;
	[tilespmem:v15+s18+$0x0] =	vst.idx.msk $0xffff, v9;
	v9 =	vmov s30  }
0x185: {  	v5 =	vmin.f32 v5, v50;
	v4 =	vmin.f32 v4, v14;
	v11 =	vsel vm0, $0x10, v1;
	v7, _, _ =	vpop (xrf1);
	[tilespmem:v17+s18+$0x0] =	vst.idx.msk $0xffff, v9  }
0x186: {  	s25 =	sadd.s32 $0x100, s25;
	s24 =	sadd.s32 $0x4, s24;
	v7 =	vperm.xlane v7, v0;
	v9 =	vadd.s32 v59, v11;
	[tilespmem:v60+s18+$0x0] =	vst.idx.msk $0xffff, v63  }
0x187: {  	(v2sf) =	vpush v9, $0x0;
	_ =	sdelay $0xe  }
0x188: {  	s24 =	spop (v2sf)  }
0x189: {  	s25 =	sand.u32 $0xF, s24  }
0x18a: {  	s31 =	sshra.s32 s24, $0x1F;
	p1 =	slt.s32 s24, $0x1;
	p0 =	sne.s32 s25, $0x0  }
0x18b: {  	s25 =	sshrl.u32 s31, $0x1C;
	p0 =	por !p1, !p0  }
0x18c: {  	s24 =	sadd.s32 s25, s24;
	s25 =	simm.s32 $0x1;
	p0 =	por !p0, !p0  }
0x18d: {  	s24 =	sshra.s32 s24, $0x4;
	s25 =	simm.s32 @!p0 $0x0  }
0x18e: {  	s24 =	ssub.s32 s24, s25  }
0x18f: {  	p0 =	slt.s32 s24, $0x1  }
.Ltmp12:
0x190: {  	_ = 	snop;
	(pc) =	sbr.rel @p0 .LBB2_29-.Ltmp12, $4  }
0x191: {  	_ = 	snop  }
0x192: {  	v4 =	vimm.f32 $+Inf  }
0x193: {  	v5 =	vimm.f32 $+Inf;
	v7 =	vimm.f32 $+Inf;
	v10 =	vimm.f32 $+Inf  }
0x194: {  	s26 =	simm.s32 $0x10000;
	v9 =	vimm.f32 $+Inf;
	v8 =	vimm.f32 $+Inf;
	v6 =	vimm.f32 $+Inf  }
0x195: {  	v5 =	vld [tilespmem:s26+$0x0];
	p2 =	sne.s32 s24, $0x1  }
.Ltmp13:
0x196: {  	_ = 	snop;
	(pc) =	sbr.rel @!p2 .LBB2_22-.Ltmp13, $3  }
0x197: {  	_ =	sdelay $0x1  }
0x198: {  	s25 =	sadd.s32 $0xFFFFFFFF, s24  }
0x199: {  	s26 =	sadd.s32 $0x10, s26;
	p0 =	por $0x0, $0x0;
	p1 =	por $0x0, $0x0;
	(v2sf) =	vpush v5, $0x0  }
0x19a: {  	_ =	sdelay $0xc  }
0x19b: {  	v6 =	vld [tilespmem:s26+$0x0];
	p2 =	sne.s32 s25, $0x1  }
.Ltmp14:
0x19c: {  	s24 =	spop (v2sf);
	(pc) =	sbr.rel @!p2 .LBB2_24-.Ltmp14, $4  }
0x19d: {  	s24 =	sshll.u32 s24, $0x8  }
0x19e: {  	s24 =	sshra.s32 s24, $0x2  }
0x19f: {  	v5 =	vld [tilespmem:s24+$0x8000]  }
0x1a0: {  	s25 =	sadd.s32 $0xFFFFFFFF, s25;
	s26 =	sadd.s32 $0x10, s26;
	p0 =	por $0x1, $0x1;
	(v2sf) =	vpush v6, $0x0;
	v6 =	vld [tilespmem:s24+$0x8010]  }
0x1a1: {  	_ =	sdelay $0x3  }
0x1a2: {  	v7 =	vld [tilespmem:s26+$0x0];
	_ =	sdelay $0x3  }
0x1a3: {  	v10 =	vld [tilespmem:s24+$0x8020]  }
0x1a4: {  	(v2sf) =	vpush v7, $0x0  }
0x1a5: {  	v8 =	vmax.f32 v4, v5;
	v5 =	vmin.f32 v4, v5  }
0x1a6: {  	v15 =	vmin.f32 v5, v6  }
0x1a7: {  	v17 =	vld [tilespmem:s24+$0x8030];
	v5 =	vmax.f32 v5, v6;
	v6 =	vmax.f32 v4, v8;
	v7 =	vmin.f32 v4, v8  }
0x1a8: {  	p2 =	sne.s32 s25, $0x1;
	v18 =	vmax.f32 v15, v10;
	v10 =	vmin.f32 v15, v10;
	v16 =	vmin.f32 v7, v5  }
.Ltmp15:
0x1a9: {  	v5 =	vmax.f32 v7, v5;
	v7 =	vmax.f32 v4, v6;
	v6 =	vmin.f32 v4, v6;
	s31 =	spop (v2sf);
	(pc) =	sbr.rel @!p2 .LBB2_26-.Ltmp15, $4  }
0x1aa: {  	v14 =	vmax.f32 v4, v7;
	v8 =	vmin.f32 v6, v5;
	v11 =	vmax.f32 v6, v5;
	s24 =	sshll.u32 s31, $0x8  }
0x1ab: {  	v12 =	vmin.f32 v4, v7;
	v13 =	vmin.f32 v16, v18;
	v16 =	vmax.f32 v16, v18;
	s24 =	sshra.s32 s24, $0x2  }
0x1ac: {  	v7 =	vmin.f32 v10, v17;
	v17 =	vmax.f32 v10, v17;
	v10 =	vimm.f32 $+Inf;
	v5 =	vld [tilespmem:s24+$0x8000]  }
0x1ad: {  	s25 =	sadd.s32 $0xFFFFFFFF, s25;
	s26 =	sadd.s32 $0x10, s26;
	p1 =	por $0x1, $0x1;
	v9 =	vmin.f32 v4, v14;
	v14 =	vmax.f32 v4, v14;
	v15 =	vmax.f32 v12, v11;
	v6 =	vld [tilespmem:s24+$0x8010]  }
.LBB2_27:
0x1ae: {  	v18 =	vld [tilespmem:s26+$0x0];
	p2 =	sne.s32 s25, $0x1;
	s25 =	sadd.s32 $0xFFFFFFFF, s25;
	v10 =	vmin.f32 v10, v14;
	v11 =	vmin.f32 v12, v11;
	v12 =	vmin.f32 v8, v16  }
0x1af: {  	v14 =	vmin.f32 v9, v15;
	v8 =	vmax.f32 v8, v16;
	v16 =	vmin.f32 v13, v17  }
0x1b0: {  	v19 =	vmin.f32 v11, v8;
	v8 =	vmax.f32 v11, v8;
	v11 =	vmax.f32 v13, v17  }
0x1b1: {  	v9 =	vmax.f32 v9, v15;
	v13 =	vmin.f32 v14, v8;
	v15 =	vmax.f32 v12, v11  }
0x1b2: {  	v9 =	vmin.f32 v10, v9;
	v17 =	vmin.f32 v19, v15;
	v10 =	vmax.f32 v19, v15  }
0x1b3: {  	v8 =	vmax.f32 v14, v8;
	v14 =	vmax.f32 v13, v10;
	(v2sf) =	vpush v18, $0x0;
	s28 =	spop (v2sf);
	v15 =	vld [tilespmem:s24+$0x8020]  }
0x1b4: {  	v8 =	vmin.f32 v9, v8;
	v9 =	vmin.f32 v12, v11;
	v18 =	vmin.f32 v13, v10;
	s28 =	sshll.u32 s28, $0x8  }
0x1b5: {  	v11 =	vmin.f32 v7, v5;
	v7 =	vmax.f32 v7, v5;
	v10 =	vmin.f32 v8, v14;
	v19 =	vld [tilespmem:s24+$0x8030];
	s24 =	sshra.s32 s28, $0x2  }
0x1b6: {  	v20 =	vmin.f32 v11, v6;
	v6 =	vmax.f32 v11, v6;
	v8 =	vmin.f32 v16, v7;
	v5 =	vld [tilespmem:s24+$0x8000]  }
0x1b7: {  	v7 =	vmax.f32 v16, v7;
	v16 =	vmin.f32 v8, v6;
	v11 =	vmax.f32 v8, v6  }
.Ltmp16:
0x1b8: {  	v12 =	vmin.f32 v9, v7;
	v7 =	vmax.f32 v9, v7;
	v6 =	vld [tilespmem:s24+$0x8010];
	v21 =	vmax.f32 v20, v15;
	(pc) =	sbr.rel @p2 .LBB2_27-.Ltmp16, $4  }
0x1b9: {  	v14 =	vmax.f32 v17, v7;
	v8 =	vmin.f32 v12, v11;
	v11 =	vmax.f32 v12, v11  }
0x1ba: {  	v12 =	vmin.f32 v17, v7;
	v9 =	vmin.f32 v18, v14;
	v13 =	vmin.f32 v16, v21  }
0x1bb: {  	v14 =	vmax.f32 v18, v14;
	v17 =	vmin.f32 v20, v15;
	v16 =	vmax.f32 v16, v21  }
0x1bc: {  	s26 =	sadd.s32 $0x10, s26;
	v15 =	vmax.f32 v12, v11;
	v7 =	vmin.f32 v17, v19;
	v17 =	vmax.f32 v17, v19  }
.LBB2_28:
0x1bd: {  	v10 =	vmin.f32 @p1 v10, v14;
	v11 =	vmin.f32 @p1 v12, v11;
	v12 =	vmin.f32 @p1 v8, v16  }
0x1be: {  	v14 =	vmin.f32 @p1 v9, v15;
	v8 =	vmax.f32 @p1 v8, v16;
	v16 =	vmin.f32 @p1 v13, v17  }
0x1bf: {  	v9 =	vmax.f32 @p1 v9, v15;
	v18 =	vmin.f32 @p1 v11, v8;
	v8 =	vmax.f32 @p1 v11, v8  }
0x1c0: {  	v11 =	vmax.f32 @p1 v13, v17;
	v9 =	vmin.f32 @p1 v10, v9;
	v13 =	vmin.f32 @p1 v14, v8  }
0x1c1: {  	v15 =	vmax.f32 @p1 v12, v11;
	v8 =	vmax.f32 @p1 v14, v8;
	v11 =	vmin.f32 @p1 v12, v11  }
0x1c2: {  	v12 =	vmin.f32 @p0 v7, v5;
	v5 =	vmax.f32 @p0 v7, v5;
	v10 =	vmax.f32 @p1 v18, v15  }
0x1c3: {  	v14 =	vmin.f32 @p1 v18, v15;
	v8 =	vmin.f32 @p1 v9, v8;
	v9 =	vld @p0 [tilespmem:s24+$0x8020];
	v11 =	vpsel p1, v11, v4  }
0x1c4: {  	v15 =	vmax.f32 @p1 v13, v10;
	v10 =	vmin.f32 @p1 v13, v10;
	v14 =	vpsel p1, v14, v4  }
0x1c5: {  	v7 =	vmin.f32 @p1 v8, v15;
	v8 =	vpsel p1, v16, v4;
	v15 =	vmin.f32 @p0 v12, v6  }
0x1c6: {  	v6 =	vmax.f32 @p0 v12, v6;
	v13 =	vmin.f32 @p0 v8, v5;
	v5 =	vmax.f32 @p0 v8, v5  }
0x1c7: {  	v7 =	vpsel p1, v7, v4;
	v8 =	vmin.f32 @p0 v13, v6;
	v6 =	vmax.f32 @p0 v13, v6  }
0x1c8: {  	v12 =	vld @p0 [tilespmem:s24+$0x8030];
	v13 =	vmax.f32 @p0 v11, v5;
	v5 =	vmin.f32 @p0 v11, v5;
	v11 =	vmax.f32 @p0 v15, v9  }
0x1c9: {  	v16 =	vmax.f32 @p0 v14, v13;
	v17 =	vmin.f32 @p0 v5, v6;
	v5 =	vmax.f32 @p0 v5, v6  }
0x1ca: {  	v6 =	vpsel p1, v10, v4;
	v10 =	vmin.f32 @p0 v14, v13;
	v9 =	vmin.f32 @p0 v15, v9  }
0x1cb: {  	v13 =	vmin.f32 @p0 v6, v16;
	v14 =	vmin.f32 @p0 v8, v11;
	v6 =	vmax.f32 @p0 v6, v16  }
0x1cc: {  	v8 =	vmax.f32 @p0 v8, v11;
	v11 =	vmax.f32 @p0 v10, v5;
	v10 =	vpsel p0, v10, v0  }
0x1cd: {  	v5 =	vpsel p0, v5, v0;
	v15 =	vmin.f32 @p0 v9, v12;
	v9 =	vmax.f32 @p0 v9, v12  }
0x1ce: {  	v6 =	vpsel p0, v6, v0;
	v12 =	vpsel p0, v17, v0;
	v8 =	vpsel p0, v8, v0  }
0x1cf: {  	s31 =	spop (v2sf);
	v13 =	vpsel p0, v13, v0;
	v11 =	vpsel p0, v11, v0;
	v14 =	vpsel p0, v14, v0  }
0x1d0: {  	s24 =	sshll.u32 s31, $0x8;
	v5 =	vmin.f32 @p0 v10, v5;
	v9 =	vpsel p0, v9, v0;
	v15 =	vpsel p0, v15, v4  }
0x1d1: {  	s24 =	sshra.s32 s24, $0x2;
	v6 =	vmin.f32 @p0 v7, v6;
	v7 =	vmin.f32 @p0 v12, v8;
	v8 =	vmax.f32 @p0 v12, v8  }
0x1d2: {  	v10 =	vld [tilespmem:s24+$0x8000];
	v12 =	vmin.f32 @p0 v13, v11;
	v16 =	vmin.f32 @p0 v14, v9;
	v17 =	vmin.f32 @p0 v5, v8  }
0x1d3: {  	v5 =	vmax.f32 @p0 v5, v8;
	v8 =	vmax.f32 @p0 v14, v9;
	v9 =	vmax.f32 @p0 v13, v11  }
0x1d4: {  	v11 =	vld [tilespmem:s24+$0x8010];
	v13 =	vmin.f32 @p0 v12, v5;
	v14 =	vmax.f32 @p0 v7, v8;
	v6 =	vmin.f32 @p0 v6, v9  }
0x1d5: {  	v5 =	vmax.f32 @p0 v12, v5;
	v54 =	vpsel p0, v16, v4;
	v9 =	vmin.f32 @p0 v17, v14  }
0x1d6: {  	v14 =	vmax.f32 @p0 v17, v14;
	v5 =	vmin.f32 @p0 v6, v5;
	v6 =	vmin.f32 @p0 v7, v8  }
0x1d7: {  	v7 =	vld [tilespmem:s24+$0x8020];
	v12 =	vmax.f32 @p0 v13, v14;
	v8 =	vmin.f32 @p0 v13, v14;
	v53 =	vmax.f32 v15, v10  }
0x1d8: {  	v10 =	vmin.f32 v15, v10;
	v6 =	vpsel p0, v6, v4;
	v12 =	vmin.f32 @p0 v5, v12  }
0x1d9: {  	v5 =	vmin.f32 v54, v53;
	v15 =	vmin.f32 v10, v11;
	v10 =	vmax.f32 v10, v11  }
0x1da: {  	v9 =	vpsel p0, v9, v4;
	v11 =	vmax.f32 v54, v53;
	v55 =	vmin.f32 v5, v10  }
0x1db: {  	v5 =	vmax.f32 v5, v10;
	v14 =	vmin.f32 v6, v11;
	v6 =	vmax.f32 v6, v11  }
0x1dc: {  	v11 =	vmax.f32 v15, v7;
	v56 =	vmax.f32 v9, v6;
	v57 =	vmin.f32 v14, v5  }
0x1dd: {  	v10 =	vld [tilespmem:s24+$0x8030];
	v14 =	vmax.f32 v14, v5;
	v6 =	vmin.f32 v9, v6;
	v5 =	vpsel p0, v8, v4  }
0x1de: {  	v7 =	vmin.f32 v15, v7;
	v8 =	vmin.f32 v5, v56;
	v9 =	vmin.f32 v55, v11  }
0x1df: {  	v16 =	vmax.f32 v5, v56;
	v11 =	vmax.f32 v55, v11;
	v58 =	vmax.f32 v6, v14  }
0x1e0: {  	v6 =	vmin.f32 v6, v14;
	v59 =	vmin.f32 v57, v11;
	v11 =	vmax.f32 v57, v11  }
0x1e1: {  	v60 =	vmin.f32 v8, v58;
	v61 =	vmin.f32 v6, v11;
	v6 =	vmax.f32 v6, v11  }
0x1e2: {  	v5 =	vmin.f32 v7, v10;
	v10 =	vmax.f32 v7, v10;
	v7 =	vpsel p0, v12, v4  }
0x1e3: {  	v12 =	vmin.f32 v7, v16;
	v7 =	vmin.f32 v9, v10;
	v10 =	vmax.f32 v9, v10  }
0x1e4: {  	v8 =	vmax.f32 v8, v58;
	v11 =	vmin.f32 v60, v6;
	v9 =	vmax.f32 v59, v10  }
0x1e5: {  	v6 =	vmax.f32 v60, v6;
	v8 =	vmin.f32 v12, v8;
	v62 =	vmax.f32 v61, v9  }
0x1e6: {  	v10 =	vmin.f32 v59, v10;
	v6 =	vmin.f32 v8, v6;
	v63 =	vmax.f32 v11, v62  }
0x1e7: {  	v9 =	vmin.f32 v61, v9;
	v8 =	vmin.f32 v11, v62;
	v6 =	vmin.f32 v6, v63  }
.LBB2_29:
0x1e8: {  	(xrf1) =	vsort.ascd.msk.f32 $0xffff, v5, v5  }
0x1e9: {  	(xrf1) =	vsort.ascd.msk.f32 $0xffff, v7, v7;
	_ =	sdelay $0xc  }
0x1ea: {  	v5, _, _ =	vpop (xrf1)  }
0x1eb: {  	v7, _, _ =	vpop (xrf1)  }
0x1ec: {  	v7 =	vperm.xlane v7, v3;
	_ =	sdelay $0x1  }
0x1ed: {  	v5 =	vmin.f32 v5, v7  }
0x1ee: {  	(xrf1) =	vsort.ascd.msk.f32 $0xffff, v5, v5  }
0x1ef: {  	(xrf1) =	vsort.ascd.msk.f32 $0xffff, v10, v10;
	_ =	sdelay $0xc  }
0x1f0: {  	v5, _, _ =	vpop (xrf1)  }
0x1f1: {  	v7, _, _ =	vpop (xrf1)  }
0x1f2: {  	v7 =	vperm.xlane v7, v3;
	_ =	sdelay $0x1  }
0x1f3: {  	v5 =	vmin.f32 v5, v7  }
0x1f4: {  	(xrf1) =	vsort.ascd.msk.f32 $0xffff, v5, v5  }
0x1f5: {  	(xrf1) =	vsort.ascd.msk.f32 $0xffff, v9, v9;
	_ =	sdelay $0xc  }
0x1f6: {  	v5, _, _ =	vpop (xrf1)  }
0x1f7: {  	v7, _, _ =	vpop (xrf1)  }
0x1f8: {  	v7 =	vperm.xlane v7, v3;
	_ =	sdelay $0x1  }
0x1f9: {  	v5 =	vmin.f32 v5, v7  }
0x1fa: {  	(xrf1) =	vsort.ascd.msk.f32 $0xffff, v5, v5  }
0x1fb: {  	(xrf1) =	vsort.ascd.msk.f32 $0xffff, v8, v8;
	_ =	sdelay $0xc  }
0x1fc: {  	v5, _, _ =	vpop (xrf1)  }
0x1fd: {  	v7, _, _ =	vpop (xrf1)  }
0x1fe: {  	v7 =	vperm.xlane v7, v3;
	_ =	sdelay $0x1  }
0x1ff: {  	v5 =	vmin.f32 v5, v7  }
0x200: {  	(xrf1) =	vsort.ascd.msk.f32 $0xffff, v5, v5  }
0x201: {  	(xrf1) =	vsort.ascd.msk.f32 $0xffff, v6, v6;
	_ =	sdelay $0xc  }
0x202: {  	v5, _, _ =	vpop (xrf1)  }
0x203: {  	v6, _, _ =	vpop (xrf1)  }
0x204: {  	v6 =	vperm.xlane v6, v3;
	_ =	sdelay $0x1  }
0x205: {  	v5 =	vmin.f32 v5, v6  }
0x206: {  	(xrf1) =	vsort.ascd.msk.f32 $0xffff, v5, v5;
	_ =	sdelay $0xd  }
0x207: {  	v5, _, _ =	vpop (xrf1)  }
0x208: {  	[tilespmem:$0x12080] =	vst v5  }
0x209: {  	_ =	swait.ge [sflag:s16], $0x8000  }
0x20a: {  	[sflag:s16] =	ssyncset.done $0x0  }
0x20b: {  	s24 =	simm.s32 $0x80;
	[sflag:s16] =	ssyncadd.s32 $0xFFFF8000  }
0x20c: {  	[tilespmem:s17], [sflag:$0x2] =	stream.strided.gather [hbm4b:s9+s24], $0x8000, s12, s24, $0x38;
	[tilespmem:$0x12200] =	vst v63  }
0x20d: {  	v5 =	vld [tilespmem:$0x0]  }
0x20e: {  	v6 =	vld [tilespmem:$0x10]  }
0x20f: {  	v7 =	vld [tilespmem:$0x20]  }
0x210: {  	v8 =	vld [tilespmem:$0x30];
	_ =	sdelay $0x4  }
0x211: {  	v5 =	vmin.f32 v5, v6;
	v6 =	vmin.f32 v7, v8  }
0x212: {  	v5 =	vmin.f32 v5, v6  }
0x213: {  	(xrf1) =	vsort.ascd.msk.f32 $0xffff, v5, v5;
	_ =	sdelay $0xd  }
0x214: {  	v5, _, _ =	vpop (xrf1)  }
0x215: {  	v7 =	vperm.xlane v5, v0  }
0x216: {  	v9 =	vimm.s32 $0x0  }
0x217: {  	s25 =	simm.s32 $0x0;
	v8 =	vimm.f32 $+Inf;
	v6 =	vimm.f32 $+Inf;
	v5 =	vimm.f32 $+Inf;
	v10 =	vmovc v7  }
.LBB2_30:
0x218: {  	v11 =	vld [tilespmem:s24+$0xFFFFFF80]  }
0x219: {  	v12 =	vld [tilespmem:s24+$0xFFFFFF90]  }
0x21a: {  	v13 =	vld [tilespmem:s24+$0xFFFFFFA0]  }
0x21b: {  	v14 =	vld [tilespmem:s24+$0xFFFFFFB0]  }
0x21c: {  	v15 =	vld [tilespmem:s24+$0xFFFFFFC0]  }
0x21d: {  	v16 =	vld [tilespmem:s24+$0xFFFFFFD0]  }
0x21e: {  	v17 =	vld [tilespmem:s24+$0xFFFFFFE0]  }
0x21f: {  	v18 =	vld [tilespmem:s24+$0xFFFFFFF0]  }
0x220: {  	v19 =	vld [tilespmem:s24+$0x0]  }
0x221: {  	v20 =	vld [tilespmem:s24+$0x10]  }
0x222: {  	v21 =	vld [tilespmem:s24+$0x20]  }
0x223: {  	v24 =	vld [tilespmem:s24+$0x30]  }
0x224: {  	v22 =	vmin.f32 v8, v6;
	v23 =	vmin.f32 v5, v4;
	v49 =	vld [tilespmem:s24+$0x40]  }
0x225: {  	v51 =	vld [tilespmem:s24+$0x50];
	v22 =	vmin.f32 v22, v23  }
0x226: {  	v53 =	vld [tilespmem:s24+$0x60];
	(xrf1) =	vsort.ascd.msk.f32 $0xffff, v22, v22;
	v11 =	vmin.f32 v11, v12  }
0x227: {  	v56 =	vld [tilespmem:s24+$0x70];
	v44 =	vmin.f32 v13, v14;
	v45 =	vmin.f32 v15, v16;
	v46 =	vmin.f32 v17, v18  }
0x228: {  	v47 =	vmin.f32 v19, v20;
	v48 =	vmin.f32 v21, v24;
	v11 =	vmin.f32 v11, v44  }
0x229: {  	v12 =	vmin.f32 v45, v46;
	v50 =	vmin.f32 v47, v48;
	vm0 =	vle.f32 v11, v10  }
0x22a: {  	vm12 =	vle.f32 v12, v10;
	vm1 =	vle.f32 v50, v10;
	v52 =	vmpcnt.ones.xlane vm0  }
0x22b: {  	v54 =	vmpcnt.ones.xlane vm12;
	v55 =	vmpcnt.ones.xlane vm1  }
0x22c: {  	v14 =	vmin.f32 v49, v51;
	v57 =	vmin.f32 v53, v56;
	vm13 =	vgt.s32 v52, $0x0  }
0x22d: {  	vm14 =	vgt.s32 v54, $0x0;
	vm2 =	vgt.s32 v55, $0x0;
	v15 =	vsel vm13, $0x10, v1  }
0x22e: {  	v18 =	vsel vm14, $0x10, v1;
	v15 =	vadd.s32 v9, v15;
	v9 =	vadd.s32 v2, v9  }
0x22f: {  	v19 =	vsel vm2, $0x10, v1;
	v58 =	vadd.s32 v15, v18;
	v15 =	vadd.s32 v2, v15  }
0x230: {  	v14 =	vmin.f32 v14, v57;
	v59 =	vadd.s32 v58, v19;
	v17 =	vadd.s32 v2, v58  }
0x231: {  	p0 =	sne.s32 s25, $0x1FC;
	vm15 =	vle.f32 v14, v10;
	v60 =	vadd.s32 v2, v59  }
.Ltmp17:
0x232: {  	v62 =	vmov s25;
	s26 =	sadd.s32 $0x1, s25;
	s31 =	sadd.s32 $0x3, s25;
	v61 =	vmpcnt.ones.xlane vm15;
	(pc) =	sbr.rel @p0 .LBB2_30-.Ltmp17, $4  }
0x233: {  	s30 =	sadd.s32 $0x2, s25;
	v63 =	vmov s31;
	v8 =	vmin.f32 v8, v11;
	[tilespmem:v9+s18+$0x0] =	vst.idx.msk $0xffff, v62;
	v9 =	vmov s26  }
0x234: {  	v10 =	vmovc v7;
	v6 =	vmin.f32 v6, v12;
	vm0 =	vgt.s32 v61, $0x0;
	[tilespmem:v15+s18+$0x0] =	vst.idx.msk $0xffff, v9;
	v9 =	vmov s30  }
0x235: {  	v5 =	vmin.f32 v5, v50;
	v4 =	vmin.f32 v4, v14;
	v11 =	vsel vm0, $0x10, v1;
	v7, _, _ =	vpop (xrf1);
	[tilespmem:v17+s18+$0x0] =	vst.idx.msk $0xffff, v9  }
0x236: {  	s24 =	sadd.s32 $0x100, s24;
	s25 =	sadd.s32 $0x4, s25;
	v7 =	vperm.xlane v7, v0;
	v9 =	vadd.s32 v59, v11;
	[tilespmem:v60+s18+$0x0] =	vst.idx.msk $0xffff, v63  }
0x237: {  	(v2sf) =	vpush v9, $0x0;
	_ =	sdelay $0xe  }
0x238: {  	s24 =	spop (v2sf)  }
0x239: {  	s25 =	sand.u32 $0xF, s24  }
0x23a: {  	s31 =	sshra.s32 s24, $0x1F;
	p1 =	slt.s32 s24, $0x1;
	p0 =	sne.s32 s25, $0x0  }
0x23b: {  	s25 =	sshrl.u32 s31, $0x1C;
	p0 =	por !p1, !p0  }
0x23c: {  	s24 =	sadd.s32 s25, s24;
	s25 =	simm.s32 $0x1;
	p0 =	por !p0, !p0  }
0x23d: {  	s24 =	sshra.s32 s24, $0x4;
	s25 =	simm.s32 @!p0 $0x0  }
0x23e: {  	s24 =	ssub.s32 s24, s25  }
0x23f: {  	p0 =	slt.s32 s24, $0x1  }
.Ltmp18:
0x240: {  	_ = 	snop;
	(pc) =	sbr.rel @p0 .LBB2_40-.Ltmp18, $4  }
0x241: {  	_ = 	snop  }
0x242: {  	v4 =	vimm.f32 $+Inf  }
0x243: {  	v5 =	vimm.f32 $+Inf;
	v7 =	vimm.f32 $+Inf;
	v10 =	vimm.f32 $+Inf  }
0x244: {  	s26 =	simm.s32 $0x10000;
	v9 =	vimm.f32 $+Inf;
	v8 =	vimm.f32 $+Inf;
	v6 =	vimm.f32 $+Inf  }
0x245: {  	v5 =	vld [tilespmem:s26+$0x0];
	p2 =	sne.s32 s24, $0x1  }
.Ltmp19:
0x246: {  	_ = 	snop;
	(pc) =	sbr.rel @!p2 .LBB2_33-.Ltmp19, $3  }
0x247: {  	_ =	sdelay $0x1  }
0x248: {  	s25 =	sadd.s32 $0xFFFFFFFF, s24  }
0x249: {  	s26 =	sadd.s32 $0x10, s26;
	p0 =	por $0x0, $0x0;
	p1 =	por $0x0, $0x0;
	(v2sf) =	vpush v5, $0x0  }
0x24a: {  	_ =	sdelay $0xc  }
0x24b: {  	v6 =	vld [tilespmem:s26+$0x0];
	p2 =	sne.s32 s25, $0x1  }
.Ltmp20:
0x24c: {  	s24 =	spop (v2sf);
	(pc) =	sbr.rel @!p2 .LBB2_35-.Ltmp20, $4  }
0x24d: {  	s24 =	sshll.u32 s24, $0x8  }
0x24e: {  	s24 =	sshra.s32 s24, $0x2  }
0x24f: {  	v5 =	vld [tilespmem:s24+$0x0]  }
0x250: {  	s25 =	sadd.s32 $0xFFFFFFFF, s25;
	s26 =	sadd.s32 $0x10, s26;
	p0 =	por $0x1, $0x1;
	(v2sf) =	vpush v6, $0x0;
	v6 =	vld [tilespmem:s24+$0x10]  }
0x251: {  	_ =	sdelay $0x3  }
0x252: {  	v7 =	vld [tilespmem:s26+$0x0];
	_ =	sdelay $0x3  }
0x253: {  	v10 =	vld [tilespmem:s24+$0x20]  }
0x254: {  	(v2sf) =	vpush v7, $0x0  }
0x255: {  	v8 =	vmax.f32 v4, v5;
	v5 =	vmin.f32 v4, v5  }
0x256: {  	v15 =	vmin.f32 v5, v6  }
0x257: {  	v17 =	vld [tilespmem:s24+$0x30];
	v5 =	vmax.f32 v5, v6;
	v6 =	vmax.f32 v4, v8;
	v7 =	vmin.f32 v4, v8  }
0x258: {  	p2 =	sne.s32 s25, $0x1;
	v18 =	vmax.f32 v15, v10;
	v10 =	vmin.f32 v15, v10;
	v16 =	vmin.f32 v7, v5  }
.Ltmp21:
0x259: {  	v5 =	vmax.f32 v7, v5;
	v7 =	vmax.f32 v4, v6;
	v6 =	vmin.f32 v4, v6;
	s31 =	spop (v2sf);
	(pc) =	sbr.rel @!p2 .LBB2_37-.Ltmp21, $4  }
0x25a: {  	v14 =	vmax.f32 v4, v7;
	v8 =	vmin.f32 v6, v5;
	v11 =	vmax.f32 v6, v5;
	s24 =	sshll.u32 s31, $0x8  }
0x25b: {  	v12 =	vmin.f32 v4, v7;
	v13 =	vmin.f32 v16, v18;
	v16 =	vmax.f32 v16, v18;
	s24 =	sshra.s32 s24, $0x2  }
0x25c: {  	v7 =	vmin.f32 v10, v17;
	v17 =	vmax.f32 v10, v17;
	v10 =	vimm.f32 $+Inf;
	v5 =	vld [tilespmem:s24+$0x0]  }
0x25d: {  	s25 =	sadd.s32 $0xFFFFFFFF, s25;
	s26 =	sadd.s32 $0x10, s26;
	p1 =	por $0x1, $0x1;
	v9 =	vmin.f32 v4, v14;
	v14 =	vmax.f32 v4, v14;
	v15 =	vmax.f32 v12, v11;
	v6 =	vld [tilespmem:s24+$0x10]  }
.LBB2_38:
0x25e: {  	v18 =	vld [tilespmem:s26+$0x0];
	p2 =	sne.s32 s25, $0x1;
	s25 =	sadd.s32 $0xFFFFFFFF, s25;
	v10 =	vmin.f32 v10, v14;
	v11 =	vmin.f32 v12, v11;
	v12 =	vmin.f32 v8, v16  }
0x25f: {  	v14 =	vmin.f32 v9, v15;
	v8 =	vmax.f32 v8, v16;
	v16 =	vmin.f32 v13, v17  }
0x260: {  	v19 =	vmin.f32 v11, v8;
	v8 =	vmax.f32 v11, v8;
	v11 =	vmax.f32 v13, v17  }
0x261: {  	v9 =	vmax.f32 v9, v15;
	v13 =	vmin.f32 v14, v8;
	v15 =	vmax.f32 v12, v11  }
0x262: {  	v9 =	vmin.f32 v10, v9;
	v17 =	vmin.f32 v19, v15;
	v10 =	vmax.f32 v19, v15  }
0x263: {  	v8 =	vmax.f32 v14, v8;
	v14 =	vmax.f32 v13, v10;
	(v2sf) =	vpush v18, $0x0;
	s28 =	spop (v2sf);
	v15 =	vld [tilespmem:s24+$0x20]  }
0x264: {  	v8 =	vmin.f32 v9, v8;
	v9 =	vmin.f32 v12, v11;
	v18 =	vmin.f32 v13, v10;
	s28 =	sshll.u32 s28, $0x8  }
0x265: {  	v11 =	vmin.f32 v7, v5;
	v7 =	vmax.f32 v7, v5;
	v10 =	vmin.f32 v8, v14;
	v19 =	vld [tilespmem:s24+$0x30];
	s24 =	sshra.s32 s28, $0x2  }
0x266: {  	v20 =	vmin.f32 v11, v6;
	v6 =	vmax.f32 v11, v6;
	v8 =	vmin.f32 v16, v7;
	v5 =	vld [tilespmem:s24+$0x0]  }
0x267: {  	v7 =	vmax.f32 v16, v7;
	v16 =	vmin.f32 v8, v6;
	v11 =	vmax.f32 v8, v6  }
.Ltmp22:
0x268: {  	v12 =	vmin.f32 v9, v7;
	v7 =	vmax.f32 v9, v7;
	v6 =	vld [tilespmem:s24+$0x10];
	v21 =	vmax.f32 v20, v15;
	(pc) =	sbr.rel @p2 .LBB2_38-.Ltmp22, $4  }
0x269: {  	v14 =	vmax.f32 v17, v7;
	v8 =	vmin.f32 v12, v11;
	v11 =	vmax.f32 v12, v11  }
0x26a: {  	v12 =	vmin.f32 v17, v7;
	v9 =	vmin.f32 v18, v14;
	v13 =	vmin.f32 v16, v21  }
0x26b: {  	v14 =	vmax.f32 v18, v14;
	v17 =	vmin.f32 v20, v15;
	v16 =	vmax.f32 v16, v21  }
0x26c: {  	s26 =	sadd.s32 $0x10, s26;
	v15 =	vmax.f32 v12, v11;
	v7 =	vmin.f32 v17, v19;
	v17 =	vmax.f32 v17, v19  }
.LBB2_39:
0x26d: {  	v10 =	vmin.f32 @p1 v10, v14;
	v11 =	vmin.f32 @p1 v12, v11;
	v12 =	vmin.f32 @p1 v8, v16  }
0x26e: {  	v14 =	vmin.f32 @p1 v9, v15;
	v8 =	vmax.f32 @p1 v8, v16;
	v16 =	vmin.f32 @p1 v13, v17  }
0x26f: {  	v9 =	vmax.f32 @p1 v9, v15;
	v18 =	vmin.f32 @p1 v11, v8;
	v8 =	vmax.f32 @p1 v11, v8  }
0x270: {  	v11 =	vmax.f32 @p1 v13, v17;
	v9 =	vmin.f32 @p1 v10, v9;
	v13 =	vmin.f32 @p1 v14, v8  }
0x271: {  	v15 =	vmax.f32 @p1 v12, v11;
	v8 =	vmax.f32 @p1 v14, v8;
	v11 =	vmin.f32 @p1 v12, v11  }
0x272: {  	v12 =	vmin.f32 @p0 v7, v5;
	v5 =	vmax.f32 @p0 v7, v5;
	v10 =	vmax.f32 @p1 v18, v15  }
0x273: {  	v14 =	vmin.f32 @p1 v18, v15;
	v8 =	vmin.f32 @p1 v9, v8;
	v9 =	vld @p0 [tilespmem:s24+$0x20];
	v11 =	vpsel p1, v11, v4  }
0x274: {  	v15 =	vmax.f32 @p1 v13, v10;
	v10 =	vmin.f32 @p1 v13, v10;
	v14 =	vpsel p1, v14, v4  }
0x275: {  	v7 =	vmin.f32 @p1 v8, v15;
	v8 =	vpsel p1, v16, v4;
	v15 =	vmin.f32 @p0 v12, v6  }
0x276: {  	v6 =	vmax.f32 @p0 v12, v6;
	v13 =	vmin.f32 @p0 v8, v5;
	v5 =	vmax.f32 @p0 v8, v5  }
0x277: {  	v7 =	vpsel p1, v7, v4;
	v8 =	vmin.f32 @p0 v13, v6;
	v6 =	vmax.f32 @p0 v13, v6  }
0x278: {  	v12 =	vld @p0 [tilespmem:s24+$0x30];
	v13 =	vmax.f32 @p0 v11, v5;
	v5 =	vmin.f32 @p0 v11, v5;
	v11 =	vmax.f32 @p0 v15, v9  }
0x279: {  	v16 =	vmax.f32 @p0 v14, v13;
	v17 =	vmin.f32 @p0 v5, v6;
	v5 =	vmax.f32 @p0 v5, v6  }
0x27a: {  	v6 =	vpsel p1, v10, v4;
	v10 =	vmin.f32 @p0 v14, v13;
	v9 =	vmin.f32 @p0 v15, v9  }
0x27b: {  	v13 =	vmin.f32 @p0 v6, v16;
	v14 =	vmin.f32 @p0 v8, v11;
	v6 =	vmax.f32 @p0 v6, v16  }
0x27c: {  	v8 =	vmax.f32 @p0 v8, v11;
	v11 =	vmax.f32 @p0 v10, v5;
	v10 =	vpsel p0, v10, v0  }
0x27d: {  	v5 =	vpsel p0, v5, v0;
	v15 =	vmin.f32 @p0 v9, v12;
	v9 =	vmax.f32 @p0 v9, v12  }
0x27e: {  	v6 =	vpsel p0, v6, v0;
	v12 =	vpsel p0, v17, v0;
	v8 =	vpsel p0, v8, v0  }
0x27f: {  	s31 =	spop (v2sf);
	v13 =	vpsel p0, v13, v0;
	v11 =	vpsel p0, v11, v0;
	v14 =	vpsel p0, v14, v0  }
0x280: {  	s24 =	sshll.u32 s31, $0x8;
	v5 =	vmin.f32 @p0 v10, v5;
	v9 =	vpsel p0, v9, v0;
	v15 =	vpsel p0, v15, v4  }
0x281: {  	s24 =	sshra.s32 s24, $0x2;
	v6 =	vmin.f32 @p0 v7, v6;
	v7 =	vmin.f32 @p0 v12, v8;
	v8 =	vmax.f32 @p0 v12, v8  }
0x282: {  	v10 =	vld [tilespmem:s24+$0x0];
	v12 =	vmin.f32 @p0 v13, v11;
	v16 =	vmin.f32 @p0 v14, v9;
	v17 =	vmin.f32 @p0 v5, v8  }
0x283: {  	v5 =	vmax.f32 @p0 v5, v8;
	v8 =	vmax.f32 @p0 v14, v9;
	v9 =	vmax.f32 @p0 v13, v11  }
0x284: {  	v11 =	vld [tilespmem:s24+$0x10];
	v13 =	vmin.f32 @p0 v12, v5;
	v14 =	vmax.f32 @p0 v7, v8;
	v6 =	vmin.f32 @p0 v6, v9  }
0x285: {  	v5 =	vmax.f32 @p0 v12, v5;
	v54 =	vpsel p0, v16, v4;
	v9 =	vmin.f32 @p0 v17, v14  }
0x286: {  	v14 =	vmax.f32 @p0 v17, v14;
	v5 =	vmin.f32 @p0 v6, v5;
	v6 =	vmin.f32 @p0 v7, v8  }
0x287: {  	v7 =	vld [tilespmem:s24+$0x20];
	v12 =	vmax.f32 @p0 v13, v14;
	v8 =	vmin.f32 @p0 v13, v14;
	v53 =	vmax.f32 v15, v10  }
0x288: {  	v10 =	vmin.f32 v15, v10;
	v6 =	vpsel p0, v6, v4;
	v12 =	vmin.f32 @p0 v5, v12  }
0x289: {  	v5 =	vmin.f32 v54, v53;
	v15 =	vmin.f32 v10, v11;
	v10 =	vmax.f32 v10, v11  }
0x28a: {  	v9 =	vpsel p0, v9, v4;
	v11 =	vmax.f32 v54, v53;
	v55 =	vmin.f32 v5, v10  }
0x28b: {  	v5 =	vmax.f32 v5, v10;
	v14 =	vmin.f32 v6, v11;
	v6 =	vmax.f32 v6, v11  }
0x28c: {  	v11 =	vmax.f32 v15, v7;
	v56 =	vmax.f32 v9, v6;
	v57 =	vmin.f32 v14, v5  }
0x28d: {  	v10 =	vld [tilespmem:s24+$0x30];
	v14 =	vmax.f32 v14, v5;
	v6 =	vmin.f32 v9, v6;
	v5 =	vpsel p0, v8, v4  }
0x28e: {  	v7 =	vmin.f32 v15, v7;
	v8 =	vmin.f32 v5, v56;
	v9 =	vmin.f32 v55, v11  }
0x28f: {  	v16 =	vmax.f32 v5, v56;
	v11 =	vmax.f32 v55, v11;
	v58 =	vmax.f32 v6, v14  }
0x290: {  	v6 =	vmin.f32 v6, v14;
	v59 =	vmin.f32 v57, v11;
	v11 =	vmax.f32 v57, v11  }
0x291: {  	v60 =	vmin.f32 v8, v58;
	v61 =	vmin.f32 v6, v11;
	v6 =	vmax.f32 v6, v11  }
0x292: {  	v5 =	vmin.f32 v7, v10;
	v10 =	vmax.f32 v7, v10;
	v7 =	vpsel p0, v12, v4  }
0x293: {  	v12 =	vmin.f32 v7, v16;
	v7 =	vmin.f32 v9, v10;
	v10 =	vmax.f32 v9, v10  }
0x294: {  	v8 =	vmax.f32 v8, v58;
	v11 =	vmin.f32 v60, v6;
	v9 =	vmax.f32 v59, v10  }
0x295: {  	v6 =	vmax.f32 v60, v6;
	v8 =	vmin.f32 v12, v8;
	v62 =	vmax.f32 v61, v9  }
0x296: {  	v10 =	vmin.f32 v59, v10;
	v6 =	vmin.f32 v8, v6;
	v63 =	vmax.f32 v11, v62  }
0x297: {  	v9 =	vmin.f32 v61, v9;
	v8 =	vmin.f32 v11, v62;
	v6 =	vmin.f32 v6, v63  }
.LBB2_40:
0x298: {  	(xrf1) =	vsort.ascd.msk.f32 $0xffff, v5, v5  }
0x299: {  	(xrf1) =	vsort.ascd.msk.f32 $0xffff, v7, v7;
	_ =	sdelay $0xc  }
0x29a: {  	v5, _, _ =	vpop (xrf1)  }
0x29b: {  	v7, _, _ =	vpop (xrf1)  }
0x29c: {  	v7 =	vperm.xlane v7, v3;
	_ =	sdelay $0x1  }
0x29d: {  	v5 =	vmin.f32 v5, v7  }
0x29e: {  	(xrf1) =	vsort.ascd.msk.f32 $0xffff, v5, v5  }
0x29f: {  	(xrf1) =	vsort.ascd.msk.f32 $0xffff, v10, v10;
	_ =	sdelay $0xc  }
0x2a0: {  	v5, _, _ =	vpop (xrf1)  }
0x2a1: {  	v7, _, _ =	vpop (xrf1)  }
0x2a2: {  	v7 =	vperm.xlane v7, v3;
	_ =	sdelay $0x1  }
0x2a3: {  	v5 =	vmin.f32 v5, v7  }
0x2a4: {  	(xrf1) =	vsort.ascd.msk.f32 $0xffff, v5, v5  }
0x2a5: {  	(xrf1) =	vsort.ascd.msk.f32 $0xffff, v9, v9;
	_ =	sdelay $0xc  }
0x2a6: {  	v5, _, _ =	vpop (xrf1)  }
0x2a7: {  	v7, _, _ =	vpop (xrf1)  }
0x2a8: {  	v7 =	vperm.xlane v7, v3;
	_ =	sdelay $0x1  }
0x2a9: {  	v5 =	vmin.f32 v5, v7  }
0x2aa: {  	(xrf1) =	vsort.ascd.msk.f32 $0xffff, v5, v5  }
0x2ab: {  	(xrf1) =	vsort.ascd.msk.f32 $0xffff, v8, v8;
	_ =	sdelay $0xc  }
0x2ac: {  	v5, _, _ =	vpop (xrf1)  }
0x2ad: {  	v7, _, _ =	vpop (xrf1)  }
0x2ae: {  	v7 =	vperm.xlane v7, v3;
	_ =	sdelay $0x1  }
0x2af: {  	v5 =	vmin.f32 v5, v7  }
0x2b0: {  	(xrf1) =	vsort.ascd.msk.f32 $0xffff, v5, v5  }
0x2b1: {  	(xrf1) =	vsort.ascd.msk.f32 $0xffff, v6, v6;
	_ =	sdelay $0xc  }
0x2b2: {  	v5, _, _ =	vpop (xrf1)  }
0x2b3: {  	v6, _, _ =	vpop (xrf1)  }
0x2b4: {  	v6 =	vperm.xlane v6, v3;
	_ =	sdelay $0x1  }
0x2b5: {  	v5 =	vmin.f32 v5, v6  }
0x2b6: {  	(xrf1) =	vsort.ascd.msk.f32 $0xffff, v5, v5;
	_ =	sdelay $0xd  }
0x2b7: {  	v5, _, _ =	vpop (xrf1)  }
0x2b8: {  	[tilespmem:$0x12100] =	vst v5  }
0x2b9: {  	_ =	swait.ge [sflag:s19], $0x8000  }
0x2ba: {  	[sflag:s19] =	ssyncset.done $0x0  }
0x2bb: {  	[sflag:s19] =	ssyncadd.s32 $0xFFFF8000  }
0x2bc: {  	v5 =	vld [tilespmem:$0x8000]  }
0x2bd: {  	v6 =	vld [tilespmem:$0x8010]  }
0x2be: {  	v7 =	vld [tilespmem:$0x8020]  }
0x2bf: {  	v8 =	vld [tilespmem:$0x8030];
	_ =	sdelay $0x4  }
0x2c0: {  	v5 =	vmin.f32 v5, v6;
	v6 =	vmin.f32 v7, v8  }
0x2c1: {  	v5 =	vmin.f32 v5, v6  }
0x2c2: {  	(xrf1) =	vsort.ascd.msk.f32 $0xffff, v5, v5;
	_ =	sdelay $0xd  }
0x2c3: {  	v5, _, _ =	vpop (xrf1)  }
0x2c4: {  	v6 =	vperm.xlane v5, v0  }
0x2c5: {  	v9 =	vimm.s32 $0x0  }
0x2c6: {  	s24 =	simm.s32 $0x0;
	s25 =	simm.s32 $0x8080;
	v7 =	vimm.f32 $+Inf;
	v8 =	vimm.f32 $+Inf;
	v5 =	vimm.f32 $+Inf;
	v10 =	vmovc v6  }
.LBB2_41:
0x2c7: {  	v11 =	vld [tilespmem:s25+$0xFFFFFF80]  }
0x2c8: {  	v12 =	vld [tilespmem:s25+$0xFFFFFF90]  }
0x2c9: {  	v13 =	vld [tilespmem:s25+$0xFFFFFFA0]  }
0x2ca: {  	v14 =	vld [tilespmem:s25+$0xFFFFFFB0]  }
0x2cb: {  	v15 =	vld [tilespmem:s25+$0xFFFFFFC0]  }
0x2cc: {  	v16 =	vld [tilespmem:s25+$0xFFFFFFD0]  }
0x2cd: {  	v17 =	vld [tilespmem:s25+$0xFFFFFFE0]  }
0x2ce: {  	v18 =	vld [tilespmem:s25+$0xFFFFFFF0]  }
0x2cf: {  	v19 =	vld [tilespmem:s25+$0x0]  }
0x2d0: {  	v20 =	vld [tilespmem:s25+$0x10]  }
0x2d1: {  	v21 =	vld [tilespmem:s25+$0x20]  }
0x2d2: {  	v24 =	vld [tilespmem:s25+$0x30]  }
0x2d3: {  	v22 =	vmin.f32 v8, v7;
	v23 =	vmin.f32 v5, v4;
	v49 =	vld [tilespmem:s25+$0x40]  }
0x2d4: {  	v51 =	vld [tilespmem:s25+$0x50];
	v22 =	vmin.f32 v22, v23  }
0x2d5: {  	v53 =	vld [tilespmem:s25+$0x60];
	(xrf1) =	vsort.ascd.msk.f32 $0xffff, v22, v22;
	v11 =	vmin.f32 v11, v12  }
0x2d6: {  	v56 =	vld [tilespmem:s25+$0x70];
	v44 =	vmin.f32 v13, v14;
	v45 =	vmin.f32 v15, v16;
	v46 =	vmin.f32 v17, v18  }
0x2d7: {  	v47 =	vmin.f32 v19, v20;
	v48 =	vmin.f32 v21, v24;
	v11 =	vmin.f32 v11, v44  }
0x2d8: {  	v12 =	vmin.f32 v45, v46;
	v50 =	vmin.f32 v47, v48;
	vm0 =	vle.f32 v11, v10  }
0x2d9: {  	vm12 =	vle.f32 v12, v10;
	vm1 =	vle.f32 v50, v10;
	v52 =	vmpcnt.ones.xlane vm0  }
0x2da: {  	v54 =	vmpcnt.ones.xlane vm12;
	v55 =	vmpcnt.ones.xlane vm1  }
0x2db: {  	v14 =	vmin.f32 v49, v51;
	v57 =	vmin.f32 v53, v56;
	vm13 =	vgt.s32 v52, $0x0  }
0x2dc: {  	vm14 =	vgt.s32 v54, $0x0;
	vm2 =	vgt.s32 v55, $0x0;
	v15 =	vsel vm13, $0x10, v1  }
0x2dd: {  	v18 =	vsel vm14, $0x10, v1;
	v15 =	vadd.s32 v9, v15;
	v9 =	vadd.s32 v2, v9  }
0x2de: {  	v19 =	vsel vm2, $0x10, v1;
	v58 =	vadd.s32 v15, v18;
	v15 =	vadd.s32 v2, v15  }
0x2df: {  	v14 =	vmin.f32 v14, v57;
	v59 =	vadd.s32 v58, v19;
	v17 =	vadd.s32 v2, v58  }
0x2e0: {  	p0 =	sne.s32 s24, $0x1FC;
	vm15 =	vle.f32 v14, v10;
	v60 =	vadd.s32 v2, v59  }
.Ltmp23:
0x2e1: {  	v62 =	vmov s24;
	s26 =	sadd.s32 $0x1, s24;
	s31 =	sadd.s32 $0x3, s24;
	v61 =	vmpcnt.ones.xlane vm15;
	(pc) =	sbr.rel @p0 .LBB2_41-.Ltmp23, $4  }
0x2e2: {  	s30 =	sadd.s32 $0x2, s24;
	v63 =	vmov s31;
	v8 =	vmin.f32 v8, v11;
	[tilespmem:v9+s18+$0x0] =	vst.idx.msk $0xffff, v62;
	v9 =	vmov s26  }
0x2e3: {  	v10 =	vmovc v6;
	v7 =	vmin.f32 v7, v12;
	vm0 =	vgt.s32 v61, $0x0;
	[tilespmem:v15+s18+$0x0] =	vst.idx.msk $0xffff, v9;
	v9 =	vmov s30  }
0x2e4: {  	v5 =	vmin.f32 v5, v50;
	v4 =	vmin.f32 v4, v14;
	v11 =	vsel vm0, $0x10, v1;
	v6, _, _ =	vpop (xrf1);
	[tilespmem:v17+s18+$0x0] =	vst.idx.msk $0xffff, v9  }
0x2e5: {  	s25 =	sadd.s32 $0x100, s25;
	s24 =	sadd.s32 $0x4, s24;
	v6 =	vperm.xlane v6, v0;
	v9 =	vadd.s32 v59, v11;
	[tilespmem:v60+s18+$0x0] =	vst.idx.msk $0xffff, v63  }
0x2e6: {  	(v2sf) =	vpush v9, $0x0;
	_ =	sdelay $0xe  }
0x2e7: {  	s24 =	spop (v2sf)  }
0x2e8: {  	s25 =	sand.u32 $0xF, s24  }
0x2e9: {  	s31 =	sshra.s32 s24, $0x1F;
	p1 =	slt.s32 s24, $0x1;
	p0 =	sne.s32 s25, $0x0  }
0x2ea: {  	s25 =	sshrl.u32 s31, $0x1C;
	p0 =	por !p1, !p0  }
0x2eb: {  	s24 =	sadd.s32 s25, s24;
	s25 =	simm.s32 $0x1;
	p0 =	por !p0, !p0  }
0x2ec: {  	s24 =	sshra.s32 s24, $0x4;
	s25 =	simm.s32 @!p0 $0x0  }
0x2ed: {  	s24 =	ssub.s32 s24, s25  }
0x2ee: {  	p0 =	slt.s32 s24, $0x1  }
.Ltmp24:
0x2ef: {  	_ = 	snop;
	(pc) =	sbr.rel @p0 .LBB2_43-.Ltmp24, $2  }
0x2f0: {  	_ =	sdelay $0x2  }
0x2f1: {  	v4 =	vimm.f32 $+Inf;
	s26 =	simm.s32 $0x10000  }
0x2f2: {  	v5 =	vld [tilespmem:s26+$0x0];
	p2 =	sne.s32 s24, $0x1  }
.Ltmp25:
0x2f3: {  	_ = 	snop;
	(pc) =	sbr.rel @!p2 .LBB2_45-.Ltmp25, $3  }
0x2f4: {  	_ =	sdelay $0x1  }
0x2f5: {  	s25 =	sadd.s32 $0xFFFFFFFF, s24  }
0x2f6: {  	s26 =	sadd.s32 $0x10, s26;
	p0 =	por $0x0, $0x0;
	p1 =	por $0x0, $0x0;
	(v2sf) =	vpush v5, $0x0  }
0x2f7: {  	_ =	sdelay $0xc  }
0x2f8: {  	v6 =	vld [tilespmem:s26+$0x0];
	p2 =	sne.s32 s25, $0x1  }
.Ltmp26:
0x2f9: {  	s24 =	spop (v2sf);
	(pc) =	sbr.rel @!p2 .LBB2_47-.Ltmp26, $4  }
0x2fa: {  	s24 =	sshll.u32 s24, $0x8  }
0x2fb: {  	s24 =	sshra.s32 s24, $0x2  }
0x2fc: {  	v5 =	vld [tilespmem:s24+$0x8000]  }
0x2fd: {  	s25 =	sadd.s32 $0xFFFFFFFF, s25;
	s26 =	sadd.s32 $0x10, s26;
	p0 =	por $0x1, $0x1;
	(v2sf) =	vpush v6, $0x0;
	v6 =	vld [tilespmem:s24+$0x8010]  }
0x2fe: {  	_ =	sdelay $0x3  }
0x2ff: {  	v7 =	vld [tilespmem:s26+$0x0];
	_ =	sdelay $0x3  }
0x300: {  	v10 =	vld [tilespmem:s24+$0x8020]  }
0x301: {  	(v2sf) =	vpush v7, $0x0  }
0x302: {  	v8 =	vmax.f32 v4, v5;
	v5 =	vmin.f32 v4, v5  }
0x303: {  	v15 =	vmin.f32 v5, v6  }
0x304: {  	v17 =	vld [tilespmem:s24+$0x8030];
	v5 =	vmax.f32 v5, v6;
	v6 =	vmax.f32 v4, v8;
	v7 =	vmin.f32 v4, v8  }
0x305: {  	p2 =	sne.s32 s25, $0x1;
	v18 =	vmax.f32 v15, v10;
	v10 =	vmin.f32 v15, v10;
	v16 =	vmin.f32 v7, v5  }
.Ltmp27:
0x306: {  	v5 =	vmax.f32 v7, v5;
	v7 =	vmax.f32 v4, v6;
	v6 =	vmin.f32 v4, v6;
	s31 =	spop (v2sf);
	(pc) =	sbr.rel @!p2 .LBB2_49-.Ltmp27, $4  }
0x307: {  	v14 =	vmax.f32 v4, v7;
	v8 =	vmin.f32 v6, v5;
	v11 =	vmax.f32 v6, v5;
	s24 =	sshll.u32 s31, $0x8  }
0x308: {  	v12 =	vmin.f32 v4, v7;
	v13 =	vmin.f32 v16, v18;
	v16 =	vmax.f32 v16, v18;
	s24 =	sshra.s32 s24, $0x2  }
0x309: {  	v7 =	vmin.f32 v10, v17;
	v17 =	vmax.f32 v10, v17;
	v10 =	vimm.f32 $+Inf;
	v5 =	vld [tilespmem:s24+$0x8000]  }
0x30a: {  	s25 =	sadd.s32 $0xFFFFFFFF, s25;
	s26 =	sadd.s32 $0x10, s26;
	p1 =	por $0x1, $0x1;
	v9 =	vmin.f32 v4, v14;
	v14 =	vmax.f32 v4, v14;
	v15 =	vmax.f32 v12, v11;
	v6 =	vld [tilespmem:s24+$0x8010]  }
.LBB2_50:
0x30b: {  	v18 =	vld [tilespmem:s26+$0x0];
	p2 =	sne.s32 s25, $0x1;
	s25 =	sadd.s32 $0xFFFFFFFF, s25;
	v10 =	vmin.f32 v10, v14;
	v11 =	vmin.f32 v12, v11;
	v12 =	vmin.f32 v8, v16  }
0x30c: {  	v14 =	vmin.f32 v9, v15;
	v8 =	vmax.f32 v8, v16;
	v16 =	vmin.f32 v13, v17  }
0x30d: {  	v19 =	vmin.f32 v11, v8;
	v8 =	vmax.f32 v11, v8;
	v11 =	vmax.f32 v13, v17  }
0x30e: {  	v9 =	vmax.f32 v9, v15;
	v13 =	vmin.f32 v14, v8;
	v15 =	vmax.f32 v12, v11  }
0x30f: {  	v9 =	vmin.f32 v10, v9;
	v17 =	vmin.f32 v19, v15;
	v10 =	vmax.f32 v19, v15  }
0x310: {  	v8 =	vmax.f32 v14, v8;
	v14 =	vmax.f32 v13, v10;
	(v2sf) =	vpush v18, $0x0;
	s28 =	spop (v2sf);
	v15 =	vld [tilespmem:s24+$0x8020]  }
0x311: {  	v8 =	vmin.f32 v9, v8;
	v9 =	vmin.f32 v12, v11;
	v18 =	vmin.f32 v13, v10;
	s28 =	sshll.u32 s28, $0x8  }
0x312: {  	v11 =	vmin.f32 v7, v5;
	v7 =	vmax.f32 v7, v5;
	v10 =	vmin.f32 v8, v14;
	v19 =	vld [tilespmem:s24+$0x8030];
	s24 =	sshra.s32 s28, $0x2  }
0x313: {  	v20 =	vmin.f32 v11, v6;
	v6 =	vmax.f32 v11, v6;
	v8 =	vmin.f32 v16, v7;
	v5 =	vld [tilespmem:s24+$0x8000]  }
0x314: {  	v7 =	vmax.f32 v16, v7;
	v16 =	vmin.f32 v8, v6;
	v11 =	vmax.f32 v8, v6  }
.Ltmp28:
0x315: {  	v12 =	vmin.f32 v9, v7;
	v7 =	vmax.f32 v9, v7;
	v6 =	vld [tilespmem:s24+$0x8010];
	v21 =	vmax.f32 v20, v15;
	(pc) =	sbr.rel @p2 .LBB2_50-.Ltmp28, $4  }
0x316: {  	v14 =	vmax.f32 v17, v7;
	v8 =	vmin.f32 v12, v11;
	v11 =	vmax.f32 v12, v11  }
0x317: {  	v12 =	vmin.f32 v17, v7;
	v9 =	vmin.f32 v18, v14;
	v13 =	vmin.f32 v16, v21  }
0x318: {  	v14 =	vmax.f32 v18, v14;
	v17 =	vmin.f32 v20, v15;
	v16 =	vmax.f32 v16, v21  }
0x319: {  	s26 =	sadd.s32 $0x10, s26;
	v15 =	vmax.f32 v12, v11;
	v7 =	vmin.f32 v17, v19;
	v17 =	vmax.f32 v17, v19  }
.LBB2_51:
0x31a: {  	v10 =	vmin.f32 @p1 v10, v14;
	v11 =	vmin.f32 @p1 v12, v11  }
0x31b: {  	v12 =	vmin.f32 @p1 v8, v16;
	v14 =	vmin.f32 @p1 v9, v15;
	v8 =	vmax.f32 @p1 v8, v16  }
0x31c: {  	v16 =	vmin.f32 @p1 v13, v17;
	v9 =	vmax.f32 @p1 v9, v15;
	v18 =	vmin.f32 @p1 v11, v8  }
0x31d: {  	v8 =	vmax.f32 @p1 v11, v8;
	v11 =	vmax.f32 @p1 v13, v17;
	v9 =	vmin.f32 @p1 v10, v9  }
0x31e: {  	v13 =	vmin.f32 @p1 v14, v8;
	v15 =	vmax.f32 @p1 v12, v11;
	v8 =	vmax.f32 @p1 v14, v8  }
0x31f: {  	v11 =	vmin.f32 @p1 v12, v11;
	v12 =	vmin.f32 @p0 v7, v5;
	v5 =	vmax.f32 @p0 v7, v5  }
0x320: {  	v10 =	vmax.f32 @p1 v18, v15;
	v14 =	vmin.f32 @p1 v18, v15;
	v8 =	vmin.f32 @p1 v9, v8  }
0x321: {  	v9 =	vld @p0 [tilespmem:s24+$0x8020];
	v11 =	vpsel p1, v11, v4;
	v15 =	vmax.f32 @p1 v13, v10;
	v10 =	vmin.f32 @p1 v13, v10  }
0x322: {  	v14 =	vpsel p1, v14, v4;
	v7 =	vmin.f32 @p1 v8, v15;
	v8 =	vpsel p1, v16, v4  }
0x323: {  	v15 =	vmin.f32 @p0 v12, v6;
	v6 =	vmax.f32 @p0 v12, v6;
	v13 =	vmin.f32 @p0 v8, v5  }
0x324: {  	v5 =	vmax.f32 @p0 v8, v5;
	v7 =	vpsel p1, v7, v4;
	v8 =	vmin.f32 @p0 v13, v6  }
0x325: {  	v12 =	vld @p0 [tilespmem:s24+$0x8030];
	v6 =	vmax.f32 @p0 v13, v6;
	v13 =	vmax.f32 @p0 v11, v5;
	v5 =	vmin.f32 @p0 v11, v5  }
0x326: {  	v11 =	vmax.f32 @p0 v15, v9;
	v16 =	vmax.f32 @p0 v14, v13;
	v17 =	vmin.f32 @p0 v5, v6  }
0x327: {  	v5 =	vmax.f32 @p0 v5, v6;
	v6 =	vpsel p1, v10, v4;
	v10 =	vmin.f32 @p0 v14, v13  }
0x328: {  	v9 =	vmin.f32 @p0 v15, v9;
	v13 =	vmin.f32 @p0 v6, v16;
	v14 =	vmin.f32 @p0 v8, v11  }
0x329: {  	v6 =	vmax.f32 @p0 v6, v16;
	v8 =	vmax.f32 @p0 v8, v11;
	v11 =	vmax.f32 @p0 v10, v5  }
0x32a: {  	v10 =	vpsel p0, v10, v0;
	v5 =	vpsel p0, v5, v0;
	v15 =	vmin.f32 @p0 v9, v12  }
0x32b: {  	v9 =	vmax.f32 @p0 v9, v12;
	v6 =	vpsel p0, v6, v0;
	v12 =	vpsel p0, v17, v0  }
0x32c: {  	v8 =	vpsel p0, v8, v0;
	v13 =	vpsel p0, v13, v0;
	v11 =	vpsel p0, v11, v0  }
0x32d: {  	s31 =	spop (v2sf);
	v14 =	vpsel p0, v14, v0;
	v5 =	vmin.f32 @p0 v10, v5;
	v9 =	vpsel p0, v9, v0  }
0x32e: {  	s24 =	sshll.u32 s31, $0x8;
	v15 =	vpsel p0, v15, v4;
	v6 =	vmin.f32 @p0 v7, v6;
	v7 =	vmin.f32 @p0 v12, v8  }
0x32f: {  	s24 =	sshra.s32 s24, $0x2;
	v8 =	vmax.f32 @p0 v12, v8;
	v12 =	vmin.f32 @p0 v13, v11;
	v16 =	vmin.f32 @p0 v14, v9  }
0x330: {  	v10 =	vld [tilespmem:s24+$0x8000];
	v17 =	vmin.f32 @p0 v5, v8;
	v5 =	vmax.f32 @p0 v5, v8;
	v8 =	vmax.f32 @p0 v14, v9  }
0x331: {  	v9 =	vmax.f32 @p0 v13, v11;
	v13 =	vmin.f32 @p0 v12, v5;
	v14 =	vmax.f32 @p0 v7, v8  }
0x332: {  	v11 =	vld [tilespmem:s24+$0x8010];
	v6 =	vmin.f32 @p0 v6, v9;
	v5 =	vmax.f32 @p0 v12, v5;
	v53 =	vpsel p0, v16, v4  }
0x333: {  	v9 =	vmin.f32 @p0 v17, v14;
	v14 =	vmax.f32 @p0 v17, v14;
	v5 =	vmin.f32 @p0 v6, v5  }
0x334: {  	v6 =	vmin.f32 @p0 v7, v8;
	v12 =	vmax.f32 @p0 v13, v14;
	v8 =	vmin.f32 @p0 v13, v14  }
0x335: {  	v7 =	vld [tilespmem:s24+$0x8020];
	v52 =	vmax.f32 v15, v10;
	v10 =	vmin.f32 v15, v10;
	v6 =	vpsel p0, v6, v4  }
0x336: {  	v9 =	vpsel p0, v9, v4;
	v5 =	vmin.f32 @p0 v5, v12;
	v54 =	vmin.f32 v53, v52  }
0x337: {  	v8 =	vpsel p0, v8, v4;
	v15 =	vmin.f32 v10, v11;
	v10 =	vmax.f32 v10, v11  }
0x338: {  	v56 =	vld [tilespmem:s24+$0x8030];
	v11 =	vmax.f32 v53, v52;
	v4 =	vpsel p0, v5, v4;
	v55 =	vmin.f32 v54, v10  }
0x339: {  	v10 =	vmax.f32 v54, v10;
	v14 =	vmin.f32 v6, v11;
	v6 =	vmax.f32 v6, v11  }
0x33a: {  	v11 =	vmax.f32 v15, v7;
	v57 =	vmax.f32 v9, v6;
	v58 =	vmin.f32 v14, v10  }
0x33b: {  	v10 =	vmax.f32 v14, v10;
	v6 =	vmin.f32 v9, v6;
	v7 =	vmin.f32 v15, v7  }
0x33c: {  	v9 =	vmin.f32 v8, v57;
	v59 =	vmin.f32 v55, v11;
	v8 =	vmax.f32 v8, v57  }
0x33d: {  	v11 =	vmax.f32 v55, v11;
	v60 =	vmax.f32 v6, v10;
	v12 =	vmax.f32 v7, v56  }
0x33e: {  	v5 =	vmin.f32 v6, v10;
	v4 =	vmin.f32 v4, v8;
	v6 =	vmin.f32 v58, v11  }
0x33f: {  	v8 =	vmin.f32 v9, v60;
	v10 =	vmax.f32 v58, v11;
	v9 =	vmax.f32 v9, v60  }
0x340: {  	v11 =	vmin.f32 v5, v10;
	v5 =	vmax.f32 v5, v10;
	v10 =	vmax.f32 v59, v12  }
.Ltmp29:
0x341: {  	v4 =	vmin.f32 v4, v9;
	v61 =	vmin.f32 v8, v5;
	v5 =	vmax.f32 v8, v5;
	(pc) =	sbr.rel .LBB2_52-.Ltmp29, $4  }
0x342: {  	v62 =	vmax.f32 v6, v10;
	v4 =	vmin.f32 v4, v5  }
0x343: {  	v15 =	vmin.f32 v7, v56;
	v63 =	vmax.f32 v11, v62  }
0x344: {  	v7 =	vmin.f32 v59, v12;
	v8 =	vmin.f32 v11, v62;
	v11 =	vmax.f32 v61, v63  }
0x345: {  	v9 =	vmin.f32 v6, v10;
	v6 =	vmin.f32 v61, v63;
	v5 =	vmin.f32 v4, v11;
	v4 =	vmovc v15  }
.LBB2_11:
.Ltmp30:
0x346: {  	(pc) =	sbr.rel .LBB2_17-.Ltmp30, $2  }
0x347: {  	_ =	sdelay $0x2  }
0x348: {  	v9 =	vimm.f32 $+Inf;
	v6 =	vimm.f32 $+Inf  }
.LBB2_22:
.Ltmp31:
0x349: {  	(pc) =	sbr.rel .LBB2_28-.Ltmp31, $2  }
0x34a: {  	_ =	sdelay $0x2  }
0x34b: {  	v10 =	vimm.f32 $+Inf;
	v7 =	vimm.f32 $+Inf  }
.LBB2_33:
.Ltmp32:
0x34c: {  	(pc) =	sbr.rel .LBB2_39-.Ltmp32, $2  }
0x34d: {  	_ =	sdelay $0x2  }
0x34e: {  	v10 =	vimm.f32 $+Inf;
	v7 =	vimm.f32 $+Inf  }
.LBB2_45:
.Ltmp33:
0x34f: {  	(pc) =	sbr.rel .LBB2_51-.Ltmp33, $2  }
0x350: {  	_ =	sdelay $0x2  }
0x351: {  	v10 =	vimm.f32 $+Inf;
	v7 =	vimm.f32 $+Inf  }
.LBB2_13:
.Ltmp34:
0x352: {  	(pc) =	sbr.rel .LBB2_17-.Ltmp34, $2  }
0x353: {  	_ =	sdelay $0x2  }
0x354: {  	v9 =	vimm.f32 $+Inf;
	v6 =	vimm.f32 $+Inf  }
.LBB2_24:
.Ltmp35:
0x355: {  	(pc) =	sbr.rel .LBB2_28-.Ltmp35, $2  }
0x356: {  	_ =	sdelay $0x2  }
0x357: {  	v10 =	vimm.f32 $+Inf;
	v7 =	vimm.f32 $+Inf  }
.LBB2_35:
.Ltmp36:
0x358: {  	(pc) =	sbr.rel .LBB2_39-.Ltmp36, $2  }
0x359: {  	_ =	sdelay $0x2  }
0x35a: {  	v10 =	vimm.f32 $+Inf;
	v7 =	vimm.f32 $+Inf  }
.LBB2_47:
.Ltmp37:
0x35b: {  	(pc) =	sbr.rel .LBB2_51-.Ltmp37, $2  }
0x35c: {  	_ =	sdelay $0x2  }
0x35d: {  	v10 =	vimm.f32 $+Inf;
	v7 =	vimm.f32 $+Inf  }
.LBB2_15:
.Ltmp38:
0x35e: {  	(pc) =	sbr.rel .LBB2_17-.Ltmp38, $2  }
0x35f: {  	_ =	sdelay $0x2  }
0x360: {  	v9 =	vimm.f32 $+Inf  }
.LBB2_26:
.Ltmp39:
0x361: {  	(pc) =	sbr.rel .LBB2_28-.Ltmp39, $2  }
0x362: {  	_ =	sdelay $0x2  }
0x363: {  	v10 =	vimm.f32 $+Inf  }
.LBB2_37:
.Ltmp40:
0x364: {  	(pc) =	sbr.rel .LBB2_39-.Ltmp40, $2  }
0x365: {  	_ =	sdelay $0x2  }
0x366: {  	v10 =	vimm.f32 $+Inf  }
.LBB2_49:
.Ltmp41:
0x367: {  	(pc) =	sbr.rel .LBB2_51-.Ltmp41, $2  }
0x368: {  	_ =	sdelay $0x2  }
0x369: {  	v10 =	vimm.f32 $+Inf  }
.LBB2_53:
0x36a: {  	_ =	sfence.sel $0x180000  }
0x36b: {  	[bflag:$0x0] =	sbarrier.arrive $0xFFFF  }
0x36c: {  	p0 =	sne.s32 s1, $0x0;
	_ =	strace $0x90000047  }
0x36d: {  	s0 =	sadd.s32 @!p0 $0x100000, s0;
	[bflag:$0x2] =	sbarrier.arrive $0xFFFF  }
0x36e: {  	[sflag:s0] =	ssyncadd.tile.s32 @!p0 $0x1;
	_ =	shalt  }
.Lfunc_end2:
_tile_overlayer_lowered:
.L_overlay_start_2:
0x36f: {  	(tag) =	ssettag $0x2  }
0x370: {  	s0 =	rddreg [dreg:$0x0];
	s2 =	stileid.u32  }
0x371: {  	s1 =	rddreg [dreg:$0x1];
	p0 =	sne.s32 s2, $0x0  }
0x372: {  	s3 =	rddreg [dreg:$0x2];
	[bflag:$0x3] =	sbarrier.arrive $0xFFFF;
	s2 =	simm.s32 @!p0 $0x1C03  }
0x373: {  	[timem:s3], [sflag:s2] =	dma.local @!p0 [hbm:s0], s1  }
0x374: {  	s0 =	simm.s32 @!p0 $0x3  }
0x375: {  	_ =	swait.ge @!p0 [sflag:s0], s1  }
0x376: {  	s1 =	ssub.s32 @!p0 $0x0, s1;
	[sflag:s0] =	ssyncset.done @!p0 $0x0  }
0x377: {  	[sflag:s0] =	ssyncadd.s32 @!p0 s1  }
0x378: {  	[bflag:$0x3] =	sbarrier.arrive $0xFFFF  }
0x379: {  	_ =	shalt  }

</sc_bundles>
